<compile_context>
chip_gen: v7x
topology: tpu7x:2x2x1
jax: 0.10.2.dev20260603
libtpu: 0.0.44.dev20260713+nightly
codegen_flags: <defaults>
</compile_context>

<pallas_src>
import functools

import jax
import jax.numpy as jnp
from jax import lax
from jax.experimental import pallas as pl
from jax.experimental.pallas import tpu as pltpu
from jax.experimental.pallas import tpu_sc as plsc

N = 10000
E = 320000
D = 128
NC = 2
NS = 16
CH = 128
NCHUNK_PAD = 2560
E_PAD = NCHUNK_PAD * CH
CHUNKS_PER_CORE = NCHUNK_PAD // NC
CHUNKS_PER_TILE = CHUNKS_PER_CORE // NS
BATCH = 8
HALF = 40
ACC_ROWS = 10240
ROWS_PER_TILE = ACC_ROWS // NS
ZCH = 128


def _sc_agg_body(y_hbm, src_hbm, dst_hbm, out_hbm, srcbuf, dstbuf, rows, acc,
                 sem0, sem1):
    c = lax.axis_index("c")
    s = lax.axis_index("s")
    sems = (sem0, sem1)

    chunk0 = c * CHUNKS_PER_CORE + s * CHUNKS_PER_TILE

    @pl.loop(0, ZCH)
    def _(r):
        @pl.loop(0, D // 16)
        def _(k):
            rows[0, r, pl.ds(k * 16, 16)] = jnp.zeros((16,), jnp.float32)

    for t in range(ROWS_PER_TILE // ZCH):
        pltpu.sync_copy(rows.at[0],
                        acc.at[pl.ds(s * ROWS_PER_TILE + t * ZCH, ZCH)])
    plsc.subcore_barrier()

    def fire(k, p):
        pltpu.async_copy(y_hbm.at[srcbuf.at[k]], rows.at[p], sems[p])

    def drain(p):
        pltpu.make_async_copy(y_hbm.at[srcbuf.at[0]], rows.at[p], sems[p]).wait()

    @pl.loop(0, CHUNKS_PER_TILE // HALF)
    def _(h):
        pltpu.sync_copy(src_hbm.at[pl.ds(chunk0 + h * HALF, HALF)], srcbuf)
        pltpu.sync_copy(dst_hbm.at[pl.ds(chunk0 + h * HALF, HALF)], dstbuf)
        fire(0, 0)
        fire(1, 1)

        @pl.loop(0, HALF // BATCH)
        def _(b):
            for j in range(BATCH):
                p = j % 2
                k = b * BATCH + j
                drain(p)
                pltpu.sync_copy(rows.at[p], acc.at[dstbuf.at[k]], add=True)

                @pl.when(k + 2 < HALF)
                def _():
                    fire(k + 2, p)

    plsc.subcore_barrier()

    for t in range(ROWS_PER_TILE // ZCH):
        r0 = s * ROWS_PER_TILE + t * ZCH
        pltpu.sync_copy(acc.at[pl.ds(r0, ZCH)], out_hbm.at[c, pl.ds(r0, ZCH)])


def _sc_aggregate(y, src2d, dst2d):
    mesh = plsc.VectorSubcoreMesh(core_axis_name="c", subcore_axis_name="s")
    kern = pl.kernel(
        _sc_agg_body,
        out_type=jax.ShapeDtypeStruct((NC, ACC_ROWS, D), jnp.float32),
        mesh=mesh,
        scratch_types=[
            pltpu.VMEM((HALF, CH), jnp.int32),
            pltpu.VMEM((HALF, CH), jnp.int32),
            pltpu.VMEM((2, CH, D), jnp.float32),
            pltpu.VMEM_SHARED((ACC_ROWS, D), jnp.float32),
            pltpu.SemaphoreType.DMA,
            pltpu.SemaphoreType.DMA,
        ],
    )
    return kern(y, src2d, dst2d)


def _tc_linear_relu_body(p_ref, w_ref, b_ref, o_ref):
    x = p_ref[0] + p_ref[1]
    y = jnp.dot(x, w_ref[...], preferred_element_type=jnp.float32) + b_ref[...]
    o_ref[...] = jnp.maximum(y, 0.0)


def _tc_linear_relu(p, w, b):
    blk = 1000
    grid = N // blk
    return pl.pallas_call(
        _tc_linear_relu_body,
        grid=(grid,),
        in_specs=[
            pl.BlockSpec((NC, blk, D), lambda i: (0, i, 0)),
            pl.BlockSpec((D, D), lambda i: (0, 0)),
            pl.BlockSpec((1, D), lambda i: (0, 0)),
        ],
        out_specs=pl.BlockSpec((blk, D), lambda i: (i, 0)),
        out_shape=jax.ShapeDtypeStruct((N, D), jnp.float32),
    )(p, w, b)


def _tc_final_body(p_ref, w_ref, b_ref, wp_ref, bp_ref, o_ref, acc_ref):
    i = pl.program_id(0)
    x = p_ref[0] + p_ref[1]
    y = jnp.dot(x, w_ref[...], preferred_element_type=jnp.float32) + b_ref[...]
    h = jnp.maximum(y, 0.0)
    colsum = jnp.sum(h, axis=0, keepdims=True)

    @pl.when(i == 0)
    def _():
        acc_ref[...] = jnp.zeros_like(acc_ref)

    acc_ref[...] += colsum

    @pl.when(i == pl.num_programs(0) - 1)
    def _():
        g = acc_ref[...] * (1.0 / N)
        o_ref[...] = (jnp.dot(g, wp_ref[...], preferred_element_type=jnp.float32)
                      + bp_ref[...])


def _tc_final(p, w, b, wp, bp):
    blk = 1000
    grid = N // blk
    return pl.pallas_call(
        _tc_final_body,
        grid=(grid,),
        in_specs=[
            pl.BlockSpec((NC, blk, D), lambda i: (0, i, 0)),
            pl.BlockSpec((D, D), lambda i: (0, 0)),
            pl.BlockSpec((1, D), lambda i: (0, 0)),
            pl.BlockSpec((D, 40), lambda i: (0, 0)),
            pl.BlockSpec((1, 40), lambda i: (0, 0)),
        ],
        out_specs=pl.BlockSpec((1, 40), lambda i: (0, 0)),
        out_shape=jax.ShapeDtypeStruct((1, 40), jnp.float32),
        scratch_shapes=[pltpu.VMEM((1, D), jnp.float32)],
    )(p, w, b, wp, bp)


@jax.jit
def kernel(feature, edge_index, W1, b1, W2, b2, Wp, bp):
    src = edge_index[0]
    dst = edge_index[1]
    pad = E_PAD - E
    pad_iota = jnp.arange(pad, dtype=jnp.int32)
    src2d = jnp.concatenate([src, pad_iota % N]).reshape(NCHUNK_PAD, CH)
    dst2d = jnp.concatenate([dst, N + pad_iota % (ACC_ROWS - N)]).reshape(NCHUNK_PAD, CH)

    p1 = _sc_aggregate(feature, src2d, dst2d)
    h = _tc_linear_relu(p1, W1, b1.reshape(1, D))
    p2 = _sc_aggregate(h, src2d, dst2d)
    return _tc_final(p2, W2, b2.reshape(1, D), Wp, bp.reshape(1, 40))

# --- scband reference (transcript-rebuilt; emitter-appended) ---
"""Pipeline reference for scband-custom-gcn-only-nfeat-sum-msg-16492674417025 (READ-ONLY COPY).

The authoritative reference and input builder live on the scoring server;
editing this copy changes nothing except your own understanding.
"""

import jax, jax.numpy as jnp
import numpy as np

N_NODES = 10000
N_EDGES = 320000
D_IN = 128
D_H = 128
N_CLASSES = 40


def setup_inputs(seed: int = 0) -> dict:
    key = jax.random.key(seed)
    ks = jax.random.split(key, 9)
    x = jax.random.normal(ks[0], (N_NODES, D_IN), dtype=jnp.float32)
    edge_index = jax.random.randint(ks[1], (2, N_EDGES), 0, N_NODES, dtype=jnp.int32)
    s1 = 1.0 / np.sqrt(D_IN)
    s2 = 1.0 / np.sqrt(D_H)
    W1 = jax.random.uniform(ks[2], (D_IN, D_H), dtype=jnp.float32, minval=-s1, maxval=s1)
    b1 = jax.random.uniform(ks[3], (D_H,), dtype=jnp.float32, minval=-s1, maxval=s1)
    W2 = jax.random.uniform(ks[4], (D_H, D_H), dtype=jnp.float32, minval=-s2, maxval=s2)
    b2 = jax.random.uniform(ks[5], (D_H,), dtype=jnp.float32, minval=-s2, maxval=s2)
    Wp = jax.random.uniform(ks[6], (D_H, N_CLASSES), dtype=jnp.float32, minval=-s2, maxval=s2)
    bp = jax.random.uniform(ks[7], (N_CLASSES,), dtype=jnp.float32, minval=-s2, maxval=s2)
    return {"feature": x, "edge_index": edge_index, "W1": W1, "b1": b1, "W2": W2, "b2": b2, "Wp": Wp, "bp": bp}


def reference(feature, edge_index, W1, b1, W2, b2, Wp, bp):
    src = edge_index[0]
    dst = edge_index[1]
    # layer 1: copy_u -> sum reduce at dst, then linear, relu
    m1 = jnp.take(feature, src, axis=0)
    agg1 = jax.ops.segment_sum(m1, dst, num_segments=N_NODES)
    h = jax.nn.relu(agg1 @ W1 + b1)
    # layer 2 (num_messagepasses=2 -> one extra layer); dropout=0 is identity
    m2 = jnp.take(h, src, axis=0)
    agg2 = jax.ops.segment_sum(m2, dst, num_segments=N_NODES)
    h = jax.nn.relu(agg2 @ W2 + b2)
    # dgl.mean_nodes over a single (non-batched) graph -> [1, D_H]
    g = jnp.mean(h, axis=0, keepdims=True)
    return g @ Wp + bp

if __name__ == "__main__":
    import jax
    _d = setup_inputs()
    print(jax.jit(kernel)(*tuple(_d.values())))

</pallas_src>

<mosaic_0001>
#map = affine_map<(d0, d1) -> (0, 0)>
#map1 = affine_map<(d0, d1) -> (0, 0, 0)>
module attributes {stable_mosaic.version = 14 : i64} {
  func.func @_sc_agg_body(%arg0: i32, %arg1: i32, %arg2: memref<10000x128xf32, #tpu.memory_space<hbm>>, %arg3: memref<2560x128xi32, #tpu.memory_space<hbm>>, %arg4: memref<2560x128xi32, #tpu.memory_space<hbm>>, %arg5: memref<2x10240x128xf32, #tpu.memory_space<hbm>>, %arg6: memref<40x128xi32, #tpu.memory_space<vmem>>, %arg7: memref<40x128xi32, #tpu.memory_space<vmem>>, %arg8: memref<2x128x128xf32, #tpu.memory_space<vmem>>, %arg9: memref<10240x128xf32, #tpu.memory_space<vmem_shared>>, %arg10: memref<!tpu.dma_semaphore, #tpu.memory_space<semaphore_mem>>, %arg11: memref<!tpu.dma_semaphore, #tpu.memory_space<semaphore_mem>>) attributes {dimension_semantics = [#tpu.dimension_semantics<core_parallel>, #tpu.dimension_semantics<subcore_parallel>], iteration_bounds = array<i64: 2, 16>, scalar_prefetch = 0 : i64, scratch_operands = 6 : i64, tpu.core_type = #tpu.core_type<sc_vector_subcore>, window_params = [{transform_indices = #map}, {transform_indices = #map}, {transform_indices = #map}, {transform_indices = #map1}]} {
    %mul3A = arith.constant 1280 : i32
    %mul3A_0 = arith.muli %arg0, %mul3A : i32
    %mul3A_1 = arith.constant 80 : i32
    %mul3A_2 = arith.muli %arg1, %mul3A_1 : i32
    %add3A = arith.addi %mul3A_0, %mul3A_2 : i32
    %scan3A = arith.constant 0 : i32
    %scan3A_3 = arith.constant 128 : i32
    %scan3A_4 = arith.addi %scan3A, %scan3A_3 : i32
    %scan3A_5 = arith.constant 1 : i32
    scf.for %scan3A_57 = %scan3A to %scan3A_4 step %scan3A_5  : i32 {
      %mul3A_58 = arith.constant 1 : i32
      %mul3A_59 = arith.muli %scan3A_57, %mul3A_58 : i32
      %add3A_60 = arith.constant 0 : i32
      %add3A_61 = arith.addi %add3A_60, %mul3A_59 : i32
      %scan3A_62 = arith.constant 0 : i32
      %scan3A_63 = arith.constant 8 : i32
      %scan3A_64 = arith.addi %scan3A_62, %scan3A_63 : i32
      %scan3A_65 = arith.constant 1 : i32
      scf.for %scan3A_67 = %scan3A_62 to %scan3A_64 step %scan3A_65  : i32 {
        %mul3A_68 = arith.constant 1 : i32
        %mul3A_69 = arith.muli %scan3A_67, %mul3A_68 : i32
        %add3A_70 = arith.constant 0 : i32
        %add3A_71 = arith.addi %add3A_70, %mul3A_69 : i32
        %broadcast_in_dim3A = arith.constant 0.000000e+00 : f32
        %broadcast_in_dim3A_72 = vector.broadcast %broadcast_in_dim3A : f32 to vector<16xf32>
        %mul3A_73 = arith.constant 16 : i32
        %mul3A_74 = arith.muli %add3A_71, %mul3A_73 : i32
        %swap3A = arith.constant 0 : i32
        %swap3A_75 = arith.index_cast %swap3A : i32 to index
        %swap3A_76 = arith.index_cast %add3A_61 : i32 to index
        %swap3A_77 = arith.index_cast %mul3A_74 : i32 to index
        %swap3A_78 = tpu.vector_load %arg8[%swap3A_75, %swap3A_76, %swap3A_77] {strides = array<i32>} : memref<2x128x128xf32, #tpu.memory_space<vmem>>, vector<1x1x16xf32>,
        %swap3A_79 = vector.shape_cast %swap3A_78 : vector<1x1x16xf32> to vector<16xf32>
        %swap3A_80 = vector.shape_cast %broadcast_in_dim3A_72 : vector<16xf32> to vector<1x1x16xf32>
        tpu.vector_store %arg8[%swap3A_75, %swap3A_76, %swap3A_77], %swap3A_80 {strides = array<i32>} : memref<2x128x128xf32, #tpu.memory_space<vmem>>, vector<1x1x16xf32>,
      }
      %scan3A_66 = arith.constant 8 : i32
    }
    %scan3A_6 = arith.constant 128 : i32
    %mul3A_7 = arith.constant 640 : i32
    %mul3A_8 = arith.muli %arg1, %mul3A_7 : i32
    %add3A_9 = arith.constant 0 : i32
    %add3A_10 = arith.addi %mul3A_8, %add3A_9 : i32
    %run_scoped3A = arith.constant 0 : i32
    "tpu.region"() ({
      %run_scoped3A_57 = tpu.sem_alloc : memref<!tpu.dma_semaphore, #tpu.memory_space<semaphore_mem>>
      %dma_start3A = arith.constant 0 : i32
      %dma_start3A_58 = arith.constant 0 : i32
      %dma_start3A_59 = tpu.memref_slice %arg8[%run_scoped3A, %dma_start3A, %dma_start3A_58] : memref<2x128x128xf32, #tpu.memory_space<vmem>> -> memref<1x128x128xf32, #tpu.memory_space<vmem>>
      %dma_start3A_60 = tpu.memref_squeeze %dma_start3A_59 : memref<1x128x128xf32, #tpu.memory_space<vmem>> -> memref<128x128xf32, #tpu.memory_space<vmem>>
      %dma_start3A_61 = arith.constant 0 : i32
      %dma_start3A_62 = tpu.memref_slice %arg9[%add3A_10, %dma_start3A_61] : memref<10240x128xf32, #tpu.memory_space<vmem_shared>> -> memref<128x128xf32, #tpu.memory_space<vmem_shared>>
      %dma_start3A_63 = arith.constant 0 : i32
      %dma_start3A_64 = tpu.memref_slice %arg9[%add3A_10, %dma_start3A_63] : memref<10240x128xf32, #tpu.memory_space<vmem_shared>> -> memref<128x128xf32, #tpu.memory_space<vmem_shared>>
      %dma_start3A_65 = arith.constant 0 : i32
      %dma_start3A_66 = arith.constant 0 : i32
      %dma_start3A_67 = tpu.memref_slice %arg8[%run_scoped3A, %dma_start3A_65, %dma_start3A_66] : memref<2x128x128xf32, #tpu.memory_space<vmem>> -> memref<1x128x128xf32, #tpu.memory_space<vmem>>
      %dma_start3A_68 = tpu.memref_squeeze %dma_start3A_67 : memref<1x128x128xf32, #tpu.memory_space<vmem>> -> memref<128x128xf32, #tpu.memory_space<vmem>>
      tpu.enqueue_dma source(%dma_start3A_68 : memref<128x128xf32, #tpu.memory_space<vmem>>) target(%dma_start3A_64 : memref<128x128xf32, #tpu.memory_space<vmem_shared>>) target_semaphore(%run_scoped3A_57 : memref<!tpu.dma_semaphore, #tpu.memory_space<semaphore_mem>>)
      %dma_wait3A = arith.constant 0 : i32
      %dma_wait3A_69 = arith.constant 0 : i32
      %dma_wait3A_70 = tpu.memref_slice %arg8[%run_scoped3A, %dma_wait3A, %dma_wait3A_69] : memref<2x128x128xf32, #tpu.memory_space<vmem>> -> memref<1x128x128xf32, #tpu.memory_space<vmem>>
      %dma_wait3A_71 = tpu.memref_squeeze %dma_wait3A_70 : memref<1x128x128xf32, #tpu.memory_space<vmem>> -> memref<128x128xf32, #tpu.memory_space<vmem>>
      %dma_wait3A_72 = arith.constant 0 : i32
      %dma_wait3A_73 = tpu.memref_slice %arg9[%add3A_10, %dma_wait3A_72] : memref<10240x128xf32, #tpu.memory_space<vmem_shared>> -> memref<128x128xf32, #tpu.memory_space<vmem_shared>>
      %dma_wait3A_74 = arith.constant 0 : i32
      %dma_wait3A_75 = tpu.memref_slice %arg9[%add3A_10, %dma_wait3A_74] : memref<10240x128xf32, #tpu.memory_space<vmem_shared>> -> memref<128x128xf32, #tpu.memory_space<vmem_shared>>
      %dma_wait3A_76 = arith.constant 0 : i32
      %dma_wait3A_77 = arith.constant 0 : i32
      %dma_wait3A_78 = tpu.memref_slice %arg8[%run_scoped3A, %dma_wait3A_76, %dma_wait3A_77] : memref<2x128x128xf32, #tpu.memory_space<vmem>> -> memref<1x128x128xf32, #tpu.memory_space<vmem>>
      %dma_wait3A_79 = tpu.memref_squeeze %dma_wait3A_78 : memref<1x128x128xf32, #tpu.memory_space<vmem>> -> memref<128x128xf32, #tpu.memory_space<vmem>>
      tpu.wait_dma2 semaphore(%run_scoped3A_57 : memref<!tpu.dma_semaphore, #tpu.memory_space<semaphore_mem>>) src(%dma_wait3A_79 : memref<128x128xf32, #tpu.memory_space<vmem>>) dst(%dma_wait3A_75 : memref<128x128xf32, #tpu.memory_space<vmem_shared>>)
      tpu.yield
    }) : () -> ()
    %mul3A_11 = arith.constant 640 : i32
    %mul3A_12 = arith.muli %arg1, %mul3A_11 : i32
    %add3A_13 = arith.constant 128 : i32
    %add3A_14 = arith.addi %mul3A_12, %add3A_13 : i32
    %run_scoped3A_15 = arith.constant 0 : i32
    "tpu.region"() ({
      %run_scoped3A_57 = tpu.sem_alloc : memref<!tpu.dma_semaphore, #tpu.memory_space<semaphore_mem>>
      %dma_start3A = arith.constant 0 : i32
      %dma_start3A_58 = arith.constant 0 : i32
      %dma_start3A_59 = tpu.memref_slice %arg8[%run_scoped3A_15, %dma_start3A, %dma_start3A_58] : memref<2x128x128xf32, #tpu.memory_space<vmem>> -> memref<1x128x128xf32, #tpu.memory_space<vmem>>
      %dma_start3A_60 = tpu.memref_squeeze %dma_start3A_59 : memref<1x128x128xf32, #tpu.memory_space<vmem>> -> memref<128x128xf32, #tpu.memory_space<vmem>>
      %dma_start3A_61 = arith.constant 0 : i32
      %dma_start3A_62 = tpu.memref_slice %arg9[%add3A_14, %dma_start3A_61] : memref<10240x128xf32, #tpu.memory_space<vmem_shared>> -> memref<128x128xf32, #tpu.memory_space<vmem_shared>>
      %dma_start3A_63 = arith.constant 0 : i32
      %dma_start3A_64 = tpu.memref_slice %arg9[%add3A_14, %dma_start3A_63] : memref<10240x128xf32, #tpu.memory_space<vmem_shared>> -> memref<128x128xf32, #tpu.memory_space<vmem_shared>>
      %dma_start3A_65 = arith.constant 0 : i32
      %dma_start3A_66 = arith.constant 0 : i32
      %dma_start3A_67 = tpu.memref_slice %arg8[%run_scoped3A_15, %dma_start3A_65, %dma_start3A_66] : memref<2x128x128xf32, #tpu.memory_space<vmem>> -> memref<1x128x128xf32, #tpu.memory_space<vmem>>
      %dma_start3A_68 = tpu.memref_squeeze %dma_start3A_67 : memref<1x128x128xf32, #tpu.memory_space<vmem>> -> memref<128x128xf32, #tpu.memory_space<vmem>>
      tpu.enqueue_dma source(%dma_start3A_68 : memref<128x128xf32, #tpu.memory_space<vmem>>) target(%dma_start3A_64 : memref<128x128xf32, #tpu.memory_space<vmem_shared>>) target_semaphore(%run_scoped3A_57 : memref<!tpu.dma_semaphore, #tpu.memory_space<semaphore_mem>>)
      %dma_wait3A = arith.constant 0 : i32
      %dma_wait3A_69 = arith.constant 0 : i32
      %dma_wait3A_70 = tpu.memref_slice %arg8[%run_scoped3A_15, %dma_wait3A, %dma_wait3A_69] : memref<2x128x128xf32, #tpu.memory_space<vmem>> -> memref<1x128x128xf32, #tpu.memory_space<vmem>>
      %dma_wait3A_71 = tpu.memref_squeeze %dma_wait3A_70 : memref<1x128x128xf32, #tpu.memory_space<vmem>> -> memref<128x128xf32, #tpu.memory_space<vmem>>
      %dma_wait3A_72 = arith.constant 0 : i32
      %dma_wait3A_73 = tpu.memref_slice %arg9[%add3A_14, %dma_wait3A_72] : memref<10240x128xf32, #tpu.memory_space<vmem_shared>> -> memref<128x128xf32, #tpu.memory_space<vmem_shared>>
      %dma_wait3A_74 = arith.constant 0 : i32
      %dma_wait3A_75 = tpu.memref_slice %arg9[%add3A_14, %dma_wait3A_74] : memref<10240x128xf32, #tpu.memory_space<vmem_shared>> -> memref<128x128xf32, #tpu.memory_space<vmem_shared>>
      %dma_wait3A_76 = arith.constant 0 : i32
      %dma_wait3A_77 = arith.constant 0 : i32
      %dma_wait3A_78 = tpu.memref_slice %arg8[%run_scoped3A_15, %dma_wait3A_76, %dma_wait3A_77] : memref<2x128x128xf32, #tpu.memory_space<vmem>> -> memref<1x128x128xf32, #tpu.memory_space<vmem>>
      %dma_wait3A_79 = tpu.memref_squeeze %dma_wait3A_78 : memref<1x128x128xf32, #tpu.memory_space<vmem>> -> memref<128x128xf32, #tpu.memory_space<vmem>>
      tpu.wait_dma2 semaphore(%run_scoped3A_57 : memref<!tpu.dma_semaphore, #tpu.memory_space<semaphore_mem>>) src(%dma_wait3A_79 : memref<128x128xf32, #tpu.memory_space<vmem>>) dst(%dma_wait3A_75 : memref<128x128xf32, #tpu.memory_space<vmem_shared>>)
      tpu.yield
    }) : () -> ()
    %mul3A_16 = arith.constant 640 : i32
    %mul3A_17 = arith.muli %arg1, %mul3A_16 : i32
    %add3A_18 = arith.constant 256 : i32
    %add3A_19 = arith.addi %mul3A_17, %add3A_18 : i32
    %run_scoped3A_20 = arith.constant 0 : i32
    "tpu.region"() ({
      %run_scoped3A_57 = tpu.sem_alloc : memref<!tpu.dma_semaphore, #tpu.memory_space<semaphore_mem>>
      %dma_start3A = arith.constant 0 : i32
      %dma_start3A_58 = arith.constant 0 : i32
      %dma_start3A_59 = tpu.memref_slice %arg8[%run_scoped3A_20, %dma_start3A, %dma_start3A_58] : memref<2x128x128xf32, #tpu.memory_space<vmem>> -> memref<1x128x128xf32, #tpu.memory_space<vmem>>
      %dma_start3A_60 = tpu.memref_squeeze %dma_start3A_59 : memref<1x128x128xf32, #tpu.memory_space<vmem>> -> memref<128x128xf32, #tpu.memory_space<vmem>>
      %dma_start3A_61 = arith.constant 0 : i32
      %dma_start3A_62 = tpu.memref_slice %arg9[%add3A_19, %dma_start3A_61] : memref<10240x128xf32, #tpu.memory_space<vmem_shared>> -> memref<128x128xf32, #tpu.memory_space<vmem_shared>>
      %dma_start3A_63 = arith.constant 0 : i32
      %dma_start3A_64 = tpu.memref_slice %arg9[%add3A_19, %dma_start3A_63] : memref<10240x128xf32, #tpu.memory_space<vmem_shared>> -> memref<128x128xf32, #tpu.memory_space<vmem_shared>>
      %dma_start3A_65 = arith.constant 0 : i32
      %dma_start3A_66 = arith.constant 0 : i32
      %dma_start3A_67 = tpu.memref_slice %arg8[%run_scoped3A_20, %dma_start3A_65, %dma_start3A_66] : memref<2x128x128xf32, #tpu.memory_space<vmem>> -> memref<1x128x128xf32, #tpu.memory_space<vmem>>
      %dma_start3A_68 = tpu.memref_squeeze %dma_start3A_67 : memref<1x128x128xf32, #tpu.memory_space<vmem>> -> memref<128x128xf32, #tpu.memory_space<vmem>>
      tpu.enqueue_dma source(%dma_start3A_68 : memref<128x128xf32, #tpu.memory_space<vmem>>) target(%dma_start3A_64 : memref<128x128xf32, #tpu.memory_space<vmem_shared>>) target_semaphore(%run_scoped3A_57 : memref<!tpu.dma_semaphore, #tpu.memory_space<semaphore_mem>>)
      %dma_wait3A = arith.constant 0 : i32
      %dma_wait3A_69 = arith.constant 0 : i32
      %dma_wait3A_70 = tpu.memref_slice %arg8[%run_scoped3A_20, %dma_wait3A, %dma_wait3A_69] : memref<2x128x128xf32, #tpu.memory_space<vmem>> -> memref<1x128x128xf32, #tpu.memory_space<vmem>>
      %dma_wait3A_71 = tpu.memref_squeeze %dma_wait3A_70 : memref<1x128x128xf32, #tpu.memory_space<vmem>> -> memref<128x128xf32, #tpu.memory_space<vmem>>
      %dma_wait3A_72 = arith.constant 0 : i32
      %dma_wait3A_73 = tpu.memref_slice %arg9[%add3A_19, %dma_wait3A_72] : memref<10240x128xf32, #tpu.memory_space<vmem_shared>> -> memref<128x128xf32, #tpu.memory_space<vmem_shared>>
      %dma_wait3A_74 = arith.constant 0 : i32
      %dma_wait3A_75 = tpu.memref_slice %arg9[%add3A_19, %dma_wait3A_74] : memref<10240x128xf32, #tpu.memory_space<vmem_shared>> -> memref<128x128xf32, #tpu.memory_space<vmem_shared>>
      %dma_wait3A_76 = arith.constant 0 : i32
      %dma_wait3A_77 = arith.constant 0 : i32
      %dma_wait3A_78 = tpu.memref_slice %arg8[%run_scoped3A_20, %dma_wait3A_76, %dma_wait3A_77] : memref<2x128x128xf32, #tpu.memory_space<vmem>> -> memref<1x128x128xf32, #tpu.memory_space<vmem>>
      %dma_wait3A_79 = tpu.memref_squeeze %dma_wait3A_78 : memref<1x128x128xf32, #tpu.memory_space<vmem>> -> memref<128x128xf32, #tpu.memory_space<vmem>>
      tpu.wait_dma2 semaphore(%run_scoped3A_57 : memref<!tpu.dma_semaphore, #tpu.memory_space<semaphore_mem>>) src(%dma_wait3A_79 : memref<128x128xf32, #tpu.memory_space<vmem>>) dst(%dma_wait3A_75 : memref<128x128xf32, #tpu.memory_space<vmem_shared>>)
      tpu.yield
    }) : () -> ()
    %mul3A_21 = arith.constant 640 : i32
    %mul3A_22 = arith.muli %arg1, %mul3A_21 : i32
    %add3A_23 = arith.constant 384 : i32
    %add3A_24 = arith.addi %mul3A_22, %add3A_23 : i32
    %run_scoped3A_25 = arith.constant 0 : i32
    "tpu.region"() ({
      %run_scoped3A_57 = tpu.sem_alloc : memref<!tpu.dma_semaphore, #tpu.memory_space<semaphore_mem>>
      %dma_start3A = arith.constant 0 : i32
      %dma_start3A_58 = arith.constant 0 : i32
      %dma_start3A_59 = tpu.memref_slice %arg8[%run_scoped3A_25, %dma_start3A, %dma_start3A_58] : memref<2x128x128xf32, #tpu.memory_space<vmem>> -> memref<1x128x128xf32, #tpu.memory_space<vmem>>
      %dma_start3A_60 = tpu.memref_squeeze %dma_start3A_59 : memref<1x128x128xf32, #tpu.memory_space<vmem>> -> memref<128x128xf32, #tpu.memory_space<vmem>>
      %dma_start3A_61 = arith.constant 0 : i32
      %dma_start3A_62 = tpu.memref_slice %arg9[%add3A_24, %dma_start3A_61] : memref<10240x128xf32, #tpu.memory_space<vmem_shared>> -> memref<128x128xf32, #tpu.memory_space<vmem_shared>>
      %dma_start3A_63 = arith.constant 0 : i32
      %dma_start3A_64 = tpu.memref_slice %arg9[%add3A_24, %dma_start3A_63] : memref<10240x128xf32, #tpu.memory_space<vmem_shared>> -> memref<128x128xf32, #tpu.memory_space<vmem_shared>>
      %dma_start3A_65 = arith.constant 0 : i32
      %dma_start3A_66 = arith.constant 0 : i32
      %dma_start3A_67 = tpu.memref_slice %arg8[%run_scoped3A_25, %dma_start3A_65, %dma_start3A_66] : memref<2x128x128xf32, #tpu.memory_space<vmem>> -> memref<1x128x128xf32, #tpu.memory_space<vmem>>
      %dma_start3A_68 = tpu.memref_squeeze %dma_start3A_67 : memref<1x128x128xf32, #tpu.memory_space<vmem>> -> memref<128x128xf32, #tpu.memory_space<vmem>>
      tpu.enqueue_dma source(%dma_start3A_68 : memref<128x128xf32, #tpu.memory_space<vmem>>) target(%dma_start3A_64 : memref<128x128xf32, #tpu.memory_space<vmem_shared>>) target_semaphore(%run_scoped3A_57 : memref<!tpu.dma_semaphore, #tpu.memory_space<semaphore_mem>>)
      %dma_wait3A = arith.constant 0 : i32
      %dma_wait3A_69 = arith.constant 0 : i32
      %dma_wait3A_70 = tpu.memref_slice %arg8[%run_scoped3A_25, %dma_wait3A, %dma_wait3A_69] : memref<2x128x128xf32, #tpu.memory_space<vmem>> -> memref<1x128x128xf32, #tpu.memory_space<vmem>>
      %dma_wait3A_71 = tpu.memref_squeeze %dma_wait3A_70 : memref<1x128x128xf32, #tpu.memory_space<vmem>> -> memref<128x128xf32, #tpu.memory_space<vmem>>
      %dma_wait3A_72 = arith.constant 0 : i32
      %dma_wait3A_73 = tpu.memref_slice %arg9[%add3A_24, %dma_wait3A_72] : memref<10240x128xf32, #tpu.memory_space<vmem_shared>> -> memref<128x128xf32, #tpu.memory_space<vmem_shared>>
      %dma_wait3A_74 = arith.constant 0 : i32
      %dma_wait3A_75 = tpu.memref_slice %arg9[%add3A_24, %dma_wait3A_74] : memref<10240x128xf32, #tpu.memory_space<vmem_shared>> -> memref<128x128xf32, #tpu.memory_space<vmem_shared>>
      %dma_wait3A_76 = arith.constant 0 : i32
      %dma_wait3A_77 = arith.constant 0 : i32
      %dma_wait3A_78 = tpu.memref_slice %arg8[%run_scoped3A_25, %dma_wait3A_76, %dma_wait3A_77] : memref<2x128x128xf32, #tpu.memory_space<vmem>> -> memref<1x128x128xf32, #tpu.memory_space<vmem>>
      %dma_wait3A_79 = tpu.memref_squeeze %dma_wait3A_78 : memref<1x128x128xf32, #tpu.memory_space<vmem>> -> memref<128x128xf32, #tpu.memory_space<vmem>>
      tpu.wait_dma2 semaphore(%run_scoped3A_57 : memref<!tpu.dma_semaphore, #tpu.memory_space<semaphore_mem>>) src(%dma_wait3A_79 : memref<128x128xf32, #tpu.memory_space<vmem>>) dst(%dma_wait3A_75 : memref<128x128xf32, #tpu.memory_space<vmem_shared>>)
      tpu.yield
    }) : () -> ()
    %mul3A_26 = arith.constant 640 : i32
    %mul3A_27 = arith.muli %arg1, %mul3A_26 : i32
    %add3A_28 = arith.constant 512 : i32
    %add3A_29 = arith.addi %mul3A_27, %add3A_28 : i32
    %run_scoped3A_30 = arith.constant 0 : i32
    "tpu.region"() ({
      %run_scoped3A_57 = tpu.sem_alloc : memref<!tpu.dma_semaphore, #tpu.memory_space<semaphore_mem>>
      %dma_start3A = arith.constant 0 : i32
      %dma_start3A_58 = arith.constant 0 : i32
      %dma_start3A_59 = tpu.memref_slice %arg8[%run_scoped3A_30, %dma_start3A, %dma_start3A_58] : memref<2x128x128xf32, #tpu.memory_space<vmem>> -> memref<1x128x128xf32, #tpu.memory_space<vmem>>
      %dma_start3A_60 = tpu.memref_squeeze %dma_start3A_59 : memref<1x128x128xf32, #tpu.memory_space<vmem>> -> memref<128x128xf32, #tpu.memory_space<vmem>>
      %dma_start3A_61 = arith.constant 0 : i32
      %dma_start3A_62 = tpu.memref_slice %arg9[%add3A_29, %dma_start3A_61] : memref<10240x128xf32, #tpu.memory_space<vmem_shared>> -> memref<128x128xf32, #tpu.memory_space<vmem_shared>>
      %dma_start3A_63 = arith.constant 0 : i32
      %dma_start3A_64 = tpu.memref_slice %arg9[%add3A_29, %dma_start3A_63] : memref<10240x128xf32, #tpu.memory_space<vmem_shared>> -> memref<128x128xf32, #tpu.memory_space<vmem_shared>>
      %dma_start3A_65 = arith.constant 0 : i32
      %dma_start3A_66 = arith.constant 0 : i32
      %dma_start3A_67 = tpu.memref_slice %arg8[%run_scoped3A_30, %dma_start3A_65, %dma_start3A_66] : memref<2x128x128xf32, #tpu.memory_space<vmem>> -> memref<1x128x128xf32, #tpu.memory_space<vmem>>
      %dma_start3A_68 = tpu.memref_squeeze %dma_start3A_67 : memref<1x128x128xf32, #tpu.memory_space<vmem>> -> memref<128x128xf32, #tpu.memory_space<vmem>>
      tpu.enqueue_dma source(%dma_start3A_68 : memref<128x128xf32, #tpu.memory_space<vmem>>) target(%dma_start3A_64 : memref<128x128xf32, #tpu.memory_space<vmem_shared>>) target_semaphore(%run_scoped3A_57 : memref<!tpu.dma_semaphore, #tpu.memory_space<semaphore_mem>>)
      %dma_wait3A = arith.constant 0 : i32
      %dma_wait3A_69 = arith.constant 0 : i32
      %dma_wait3A_70 = tpu.memref_slice %arg8[%run_scoped3A_30, %dma_wait3A, %dma_wait3A_69] : memref<2x128x128xf32, #tpu.memory_space<vmem>> -> memref<1x128x128xf32, #tpu.memory_space<vmem>>
      %dma_wait3A_71 = tpu.memref_squeeze %dma_wait3A_70 : memref<1x128x128xf32, #tpu.memory_space<vmem>> -> memref<128x128xf32, #tpu.memory_space<vmem>>
      %dma_wait3A_72 = arith.constant 0 : i32
      %dma_wait3A_73 = tpu.memref_slice %arg9[%add3A_29, %dma_wait3A_72] : memref<10240x128xf32, #tpu.memory_space<vmem_shared>> -> memref<128x128xf32, #tpu.memory_space<vmem_shared>>
      %dma_wait3A_74 = arith.constant 0 : i32
      %dma_wait3A_75 = tpu.memref_slice %arg9[%add3A_29, %dma_wait3A_74] : memref<10240x128xf32, #tpu.memory_space<vmem_shared>> -> memref<128x128xf32, #tpu.memory_space<vmem_shared>>
      %dma_wait3A_76 = arith.constant 0 : i32
      %dma_wait3A_77 = arith.constant 0 : i32
      %dma_wait3A_78 = tpu.memref_slice %arg8[%run_scoped3A_30, %dma_wait3A_76, %dma_wait3A_77] : memref<2x128x128xf32, #tpu.memory_space<vmem>> -> memref<1x128x128xf32, #tpu.memory_space<vmem>>
      %dma_wait3A_79 = tpu.memref_squeeze %dma_wait3A_78 : memref<1x128x128xf32, #tpu.memory_space<vmem>> -> memref<128x128xf32, #tpu.memory_space<vmem>>
      tpu.wait_dma2 semaphore(%run_scoped3A_57 : memref<!tpu.dma_semaphore, #tpu.memory_space<semaphore_mem>>) src(%dma_wait3A_79 : memref<128x128xf32, #tpu.memory_space<vmem>>) dst(%dma_wait3A_75 : memref<128x128xf32, #tpu.memory_space<vmem_shared>>)
      tpu.yield
    }) : () -> ()
    %barrier3A = arith.constant 0 : index
    tpu.barrier barrier_id(%barrier3A)
    %scan3A_31 = arith.constant 0 : i32
    %scan3A_32 = arith.constant 2 : i32
    %scan3A_33 = arith.addi %scan3A_31, %scan3A_32 : i32
    %scan3A_34 = arith.constant 1 : i32
    scf.for %scan3A_57 = %scan3A_31 to %scan3A_33 step %scan3A_34  : i32 {
      %mul3A_58 = arith.constant 1 : i32
      %mul3A_59 = arith.muli %scan3A_57, %mul3A_58 : i32
      %add3A_60 = arith.constant 0 : i32
      %add3A_61 = arith.addi %add3A_60, %mul3A_59 : i32
      %mul3A_62 = arith.constant 40 : i32
      %mul3A_63 = arith.muli %add3A_61, %mul3A_62 : i32
      %add3A_64 = arith.addi %add3A, %mul3A_63 : i32
      "tpu.region"() ({
        %run_scoped3A_96 = tpu.sem_alloc : memref<!tpu.dma_semaphore, #tpu.memory_space<semaphore_mem>>
        %dma_start3A_97 = arith.constant 0 : i32
        %dma_start3A_98 = tpu.memref_slice %arg3[%add3A_64, %dma_start3A_97] : memref<2560x128xi32, #tpu.memory_space<hbm>> -> memref<40x128xi32, #tpu.memory_space<hbm>>
        %dma_start3A_99 = arith.constant 0 : i32
        %dma_start3A_100 = tpu.memref_slice %arg3[%add3A_64, %dma_start3A_99] : memref<2560x128xi32, #tpu.memory_space<hbm>> -> memref<40x128xi32, #tpu.memory_space<hbm>>
        tpu.enqueue_dma source(%dma_start3A_100 : memref<40x128xi32, #tpu.memory_space<hbm>>) target(%arg6 : memref<40x128xi32, #tpu.memory_space<vmem>>) target_semaphore(%run_scoped3A_96 : memref<!tpu.dma_semaphore, #tpu.memory_space<semaphore_mem>>)
        %dma_wait3A = arith.constant 0 : i32
        %dma_wait3A_101 = tpu.memref_slice %arg3[%add3A_64, %dma_wait3A] : memref<2560x128xi32, #tpu.memory_space<hbm>> -> memref<40x128xi32, #tpu.memory_space<hbm>>
        %dma_wait3A_102 = arith.constant 0 : i32
        %dma_wait3A_103 = tpu.memref_slice %arg3[%add3A_64, %dma_wait3A_102] : memref<2560x128xi32, #tpu.memory_space<hbm>> -> memref<40x128xi32, #tpu.memory_space<hbm>>
        tpu.wait_dma2 semaphore(%run_scoped3A_96 : memref<!tpu.dma_semaphore, #tpu.memory_space<semaphore_mem>>) src(%dma_wait3A_103 : memref<40x128xi32, #tpu.memory_space<hbm>>) dst(%arg6 : memref<40x128xi32, #tpu.memory_space<vmem>>)
        tpu.yield
      }) : () -> ()
      %mul3A_65 = arith.constant 40 : i32
      %mul3A_66 = arith.muli %add3A_61, %mul3A_65 : i32
      %add3A_67 = arith.addi %add3A, %mul3A_66 : i32
      "tpu.region"() ({
        %run_scoped3A_96 = tpu.sem_alloc : memref<!tpu.dma_semaphore, #tpu.memory_space<semaphore_mem>>
        %dma_start3A_97 = arith.constant 0 : i32
        %dma_start3A_98 = tpu.memref_slice %arg4[%add3A_67, %dma_start3A_97] : memref<2560x128xi32, #tpu.memory_space<hbm>> -> memref<40x128xi32, #tpu.memory_space<hbm>>
        %dma_start3A_99 = arith.constant 0 : i32
        %dma_start3A_100 = tpu.memref_slice %arg4[%add3A_67, %dma_start3A_99] : memref<2560x128xi32, #tpu.memory_space<hbm>> -> memref<40x128xi32, #tpu.memory_space<hbm>>
        tpu.enqueue_dma source(%dma_start3A_100 : memref<40x128xi32, #tpu.memory_space<hbm>>) target(%arg7 : memref<40x128xi32, #tpu.memory_space<vmem>>) target_semaphore(%run_scoped3A_96 : memref<!tpu.dma_semaphore, #tpu.memory_space<semaphore_mem>>)
        %dma_wait3A = arith.constant 0 : i32
        %dma_wait3A_101 = tpu.memref_slice %arg4[%add3A_67, %dma_wait3A] : memref<2560x128xi32, #tpu.memory_space<hbm>> -> memref<40x128xi32, #tpu.memory_space<hbm>>
        %dma_wait3A_102 = arith.constant 0 : i32
        %dma_wait3A_103 = tpu.memref_slice %arg4[%add3A_67, %dma_wait3A_102] : memref<2560x128xi32, #tpu.memory_space<hbm>> -> memref<40x128xi32, #tpu.memory_space<hbm>>
        tpu.wait_dma2 semaphore(%run_scoped3A_96 : memref<!tpu.dma_semaphore, #tpu.memory_space<semaphore_mem>>) src(%dma_wait3A_103 : memref<40x128xi32, #tpu.memory_space<hbm>>) dst(%arg7 : memref<40x128xi32, #tpu.memory_space<vmem>>)
        tpu.yield
      }) : () -> ()
      %dma_start3A = arith.constant 0 : i32
      %dma_start3A_68 = arith.constant 0 : i32
      %dma_start3A_69 = arith.constant 0 : i32
      %dma_start3A_70 = arith.constant 0 : i32
      %dma_start3A_71 = tpu.memref_slice %arg8[%dma_start3A_68, %dma_start3A_69, %dma_start3A_70] : memref<2x128x128xf32, #tpu.memory_space<vmem>> -> memref<1x128x128xf32, #tpu.memory_space<vmem>>
      %dma_start3A_72 = tpu.memref_squeeze %dma_start3A_71 : memref<1x128x128xf32, #tpu.memory_space<vmem>> -> memref<128x128xf32, #tpu.memory_space<vmem>>
      %dma_start3A_73 = arith.constant 0 : i32
      %dma_start3A_74 = tpu.memref_slice %arg6[%dma_start3A, %dma_start3A_73] : memref<40x128xi32, #tpu.memory_space<vmem>> -> memref<1x128xi32, #tpu.memory_space<vmem>>
      %dma_start3A_75 = tpu.memref_squeeze %dma_start3A_74 : memref<1x128xi32, #tpu.memory_space<vmem>> -> memref<128xi32, #tpu.memory_space<vmem>>
      %dma_start3A_76 = arith.constant 0 : i32
      %dma_start3A_77 = arith.constant 0 : i32
      %dma_start3A_78 = tpu.memref_slice %arg2[%dma_start3A_76, %dma_start3A_77] : memref<10000x128xf32, #tpu.memory_space<hbm>> -> memref<10000x128xf32, #tpu.memory_space<hbm>>
      tpu.enqueue_indirect_dma source(%dma_start3A_78 : memref<10000x128xf32, #tpu.memory_space<hbm>>) target(%dma_start3A_72 : memref<128x128xf32, #tpu.memory_space<vmem>>) offsets(%dma_start3A_75 : memref<128xi32, #tpu.memory_space<vmem>>) semaphore(%arg10 : memref<!tpu.dma_semaphore, #tpu.memory_space<semaphore_mem>>)
      %dma_start3A_79 = arith.constant 1 : i32
      %dma_start3A_80 = arith.constant 1 : i32
      %dma_start3A_81 = arith.constant 0 : i32
      %dma_start3A_82 = arith.constant 0 : i32
      %dma_start3A_83 = tpu.memref_slice %arg8[%dma_start3A_80, %dma_start3A_81, %dma_start3A_82] : memref<2x128x128xf32, #tpu.memory_space<vmem>> -> memref<1x128x128xf32, #tpu.memory_space<vmem>>
      %dma_start3A_84 = tpu.memref_squeeze %dma_start3A_83 : memref<1x128x128xf32, #tpu.memory_space<vmem>> -> memref<128x128xf32, #tpu.memory_space<vmem>>
      %dma_start3A_85 = arith.constant 0 : i32
      %dma_start3A_86 = tpu.memref_slice %arg6[%dma_start3A_79, %dma_start3A_85] : memref<40x128xi32, #tpu.memory_space<vmem>> -> memref<1x128xi32, #tpu.memory_space<vmem>>
      %dma_start3A_87 = tpu.memref_squeeze %dma_start3A_86 : memref<1x128xi32, #tpu.memory_space<vmem>> -> memref<128xi32, #tpu.memory_space<vmem>>
      %dma_start3A_88 = arith.constant 0 : i32
      %dma_start3A_89 = arith.constant 0 : i32
      %dma_start3A_90 = tpu.memref_slice %arg2[%dma_start3A_88, %dma_start3A_89] : memref<10000x128xf32, #tpu.memory_space<hbm>> -> memref<10000x128xf32, #tpu.memory_space<hbm>>
      tpu.enqueue_indirect_dma source(%dma_start3A_90 : memref<10000x128xf32, #tpu.memory_space<hbm>>) target(%dma_start3A_84 : memref<128x128xf32, #tpu.memory_space<vmem>>) offsets(%dma_start3A_87 : memref<128xi32, #tpu.memory_space<vmem>>) semaphore(%arg11 : memref<!tpu.dma_semaphore, #tpu.memory_space<semaphore_mem>>)
      %scan3A_91 = arith.constant 0 : i32
      %scan3A_92 = arith.constant 5 : i32
      %scan3A_93 = arith.addi %scan3A_91, %scan3A_92 : i32
      %scan3A_94 = arith.constant 1 : i32
      scf.for %scan3A_96 = %scan3A_91 to %scan3A_93 step %scan3A_94  : i32 {
        %mul3A_97 = arith.constant 1 : i32
        %mul3A_98 = arith.muli %scan3A_96, %mul3A_97 : i32
        %add3A_99 = arith.constant 0 : i32
        %add3A_100 = arith.addi %add3A_99, %mul3A_98 : i32
        %mul3A_101 = arith.constant 8 : i32
        %mul3A_102 = arith.muli %add3A_100, %mul3A_101 : i32
        %add3A_103 = arith.constant 0 : i32
        %add3A_104 = arith.addi %mul3A_102, %add3A_103 : i32
        %dma_wait3A = arith.constant 0 : i32
        %dma_wait3A_105 = arith.constant 0 : i32
        %dma_wait3A_106 = arith.constant 0 : i32
        %dma_wait3A_107 = arith.constant 0 : i32
        %dma_wait3A_108 = tpu.memref_slice %arg8[%dma_wait3A_105, %dma_wait3A_106, %dma_wait3A_107] : memref<2x128x128xf32, #tpu.memory_space<vmem>> -> memref<1x128x128xf32, #tpu.memory_space<vmem>>
        %dma_wait3A_109 = tpu.memref_squeeze %dma_wait3A_108 : memref<1x128x128xf32, #tpu.memory_space<vmem>> -> memref<128x128xf32, #tpu.memory_space<vmem>>
        %dma_wait3A_110 = arith.constant 0 : i32
        %dma_wait3A_111 = tpu.memref_slice %arg6[%dma_wait3A, %dma_wait3A_110] : memref<40x128xi32, #tpu.memory_space<vmem>> -> memref<1x128xi32, #tpu.memory_space<vmem>>
        %dma_wait3A_112 = tpu.memref_squeeze %dma_wait3A_111 : memref<1x128xi32, #tpu.memory_space<vmem>> -> memref<128xi32, #tpu.memory_space<vmem>>
        %dma_wait3A_113 = arith.constant 0 : i32
        %dma_wait3A_114 = arith.constant 0 : i32
        %dma_wait3A_115 = tpu.memref_slice %arg2[%dma_wait3A_113, %dma_wait3A_114] : memref<10000x128xf32, #tpu.memory_space<hbm>> -> memref<10000x128xf32, #tpu.memory_space<hbm>>
        tpu.wait_indirect_dma semaphore(%arg10 : memref<!tpu.dma_semaphore, #tpu.memory_space<semaphore_mem>>) src(%dma_wait3A_115 : memref<10000x128xf32, #tpu.memory_space<hbm>>) dst(%dma_wait3A_109 : memref<128x128xf32, #tpu.memory_space<vmem>>)
        %run_scoped3A_116 = arith.constant 0 : i32
        "tpu.region"() ({
          %run_scoped3A_289 = tpu.sem_alloc : memref<!tpu.dma_semaphore, #tpu.memory_space<semaphore_mem>>
          %dma_start3A_290 = arith.constant 0 : i32
          %dma_start3A_291 = arith.constant 0 : i32
          %dma_start3A_292 = tpu.memref_slice %arg8[%run_scoped3A_116, %dma_start3A_290, %dma_start3A_291] : memref<2x128x128xf32, #tpu.memory_space<vmem>> -> memref<1x128x128xf32, #tpu.memory_space<vmem>>
          %dma_start3A_293 = tpu.memref_squeeze %dma_start3A_292 : memref<1x128x128xf32, #tpu.memory_space<vmem>> -> memref<128x128xf32, #tpu.memory_space<vmem>>
          %dma_start3A_294 = arith.constant 0 : i32
          %dma_start3A_295 = tpu.memref_slice %arg7[%add3A_104, %dma_start3A_294] : memref<40x128xi32, #tpu.memory_space<vmem>> -> memref<1x128xi32, #tpu.memory_space<vmem>>
          %dma_start3A_296 = tpu.memref_squeeze %dma_start3A_295 : memref<1x128xi32, #tpu.memory_space<vmem>> -> memref<128xi32, #tpu.memory_space<vmem>>
          %dma_start3A_297 = arith.constant 0 : i32
          %dma_start3A_298 = arith.constant 0 : i32
          %dma_start3A_299 = tpu.memref_slice %arg9[%dma_start3A_297, %dma_start3A_298] : memref<10240x128xf32, #tpu.memory_space<vmem_shared>> -> memref<10240x128xf32, #tpu.memory_space<vmem_shared>>
          tpu.enqueue_indirect_dma source(%dma_start3A_293 : memref<128x128xf32, #tpu.memory_space<vmem>>) target(%dma_start3A_299 : memref<10240x128xf32, #tpu.memory_space<vmem_shared>>) offsets(%dma_start3A_296 : memref<128xi32, #tpu.memory_space<vmem>>) semaphore(%run_scoped3A_289 : memref<!tpu.dma_semaphore, #tpu.memory_space<semaphore_mem>>) {add = true}
          %dma_wait3A_300 = arith.constant 0 : i32
          %dma_wait3A_301 = arith.constant 0 : i32
          %dma_wait3A_302 = tpu.memref_slice %arg8[%run_scoped3A_116, %dma_wait3A_300, %dma_wait3A_301] : memref<2x128x128xf32, #tpu.memory_space<vmem>> -> memref<1x128x128xf32, #tpu.memory_space<vmem>>
          %dma_wait3A_303 = tpu.memref_squeeze %dma_wait3A_302 : memref<1x128x128xf32, #tpu.memory_space<vmem>> -> memref<128x128xf32, #tpu.memory_space<vmem>>
          %dma_wait3A_304 = arith.constant 0 : i32
          %dma_wait3A_305 = tpu.memref_slice %arg7[%add3A_104, %dma_wait3A_304] : memref<40x128xi32, #tpu.memory_space<vmem>> -> memref<1x128xi32, #tpu.memory_space<vmem>>
          %dma_wait3A_306 = tpu.memref_squeeze %dma_wait3A_305 : memref<1x128xi32, #tpu.memory_space<vmem>> -> memref<128xi32, #tpu.memory_space<vmem>>
          %dma_wait3A_307 = arith.constant 0 : i32
          %dma_wait3A_308 = arith.constant 0 : i32
          %dma_wait3A_309 = tpu.memref_slice %arg9[%dma_wait3A_307, %dma_wait3A_308] : memref<10240x128xf32, #tpu.memory_space<vmem_shared>> -> memref<10240x128xf32, #tpu.memory_space<vmem_shared>>
          tpu.wait_indirect_dma semaphore(%run_scoped3A_289 : memref<!tpu.dma_semaphore, #tpu.memory_space<semaphore_mem>>) src(%dma_wait3A_303 : memref<128x128xf32, #tpu.memory_space<vmem>>) dst(%dma_wait3A_309 : memref<10240x128xf32, #tpu.memory_space<vmem_shared>>)
          tpu.yield
        }) : () -> ()
        %add3A_117 = arith.constant 2 : i32
        %add3A_118 = arith.addi %add3A_104, %add3A_117 : i32
        %lt3A = arith.constant 40 : i32
        %lt3A_119 = arith.cmpi slt, %add3A_118, %lt3A : i32
        %convert_element_type3A = arith.extui %lt3A_119 : i1 to i32
        %cond3A = arith.constant 0 : i32
        %cond3A_120 = arith.cmpi ne, %convert_element_type3A, %cond3A : i32
        scf.if %cond3A_120 {
          %add3A_289 = arith.constant 2 : i32
          %add3A_290 = arith.addi %add3A_104, %add3A_289 : i32
          %dma_start3A_291 = arith.constant 0 : i32
          %dma_start3A_292 = arith.constant 0 : i32
          %dma_start3A_293 = arith.constant 0 : i32
          %dma_start3A_294 = tpu.memref_slice %arg8[%dma_start3A_291, %dma_start3A_292, %dma_start3A_293] : memref<2x128x128xf32, #tpu.memory_space<vmem>> -> memref<1x128x128xf32, #tpu.memory_space<vmem>>
          %dma_start3A_295 = tpu.memref_squeeze %dma_start3A_294 : memref<1x128x128xf32, #tpu.memory_space<vmem>> -> memref<128x128xf32, #tpu.memory_space<vmem>>
          %dma_start3A_296 = arith.constant 0 : i32
          %dma_start3A_297 = tpu.memref_slice %arg6[%add3A_290, %dma_start3A_296] : memref<40x128xi32, #tpu.memory_space<vmem>> -> memref<1x128xi32, #tpu.memory_space<vmem>>
          %dma_start3A_298 = tpu.memref_squeeze %dma_start3A_297 : memref<1x128xi32, #tpu.memory_space<vmem>> -> memref<128xi32, #tpu.memory_space<vmem>>
          %dma_start3A_299 = arith.constant 0 : i32
          %dma_start3A_300 = arith.constant 0 : i32
          %dma_start3A_301 = tpu.memref_slice %arg2[%dma_start3A_299, %dma_start3A_300] : memref<10000x128xf32, #tpu.memory_space<hbm>> -> memref<10000x128xf32, #tpu.memory_space<hbm>>
          tpu.enqueue_indirect_dma source(%dma_start3A_301 : memref<10000x128xf32, #tpu.memory_space<hbm>>) target(%dma_start3A_295 : memref<128x128xf32, #tpu.memory_space<vmem>>) offsets(%dma_start3A_298 : memref<128xi32, #tpu.memory_space<vmem>>) semaphore(%arg10 : memref<!tpu.dma_semaphore, #tpu.memory_space<semaphore_mem>>)
        } else {
        }
        %mul3A_121 = arith.constant 8 : i32
        %mul3A_122 = arith.muli %add3A_100, %mul3A_121 : i32
        %add3A_123 = arith.constant 1 : i32
        %add3A_124 = arith.addi %mul3A_122, %add3A_123 : i32
        %dma_wait3A_125 = arith.constant 0 : i32
        %dma_wait3A_126 = arith.constant 1 : i32
        %dma_wait3A_127 = arith.constant 0 : i32
        %dma_wait3A_128 = arith.constant 0 : i32
        %dma_wait3A_129 = tpu.memref_slice %arg8[%dma_wait3A_126, %dma_wait3A_127, %dma_wait3A_128] : memref<2x128x128xf32, #tpu.memory_space<vmem>> -> memref<1x128x128xf32, #tpu.memory_space<vmem>>
        %dma_wait3A_130 = tpu.memref_squeeze %dma_wait3A_129 : memref<1x128x128xf32, #tpu.memory_space<vmem>> -> memref<128x128xf32, #tpu.memory_space<vmem>>
        %dma_wait3A_131 = arith.constant 0 : i32
        %dma_wait3A_132 = tpu.memref_slice %arg6[%dma_wait3A_125, %dma_wait3A_131] : memref<40x128xi32, #tpu.memory_space<vmem>> -> memref<1x128xi32, #tpu.memory_space<vmem>>
        %dma_wait3A_133 = tpu.memref_squeeze %dma_wait3A_132 : memref<1x128xi32, #tpu.memory_space<vmem>> -> memref<128xi32, #tpu.memory_space<vmem>>
        %dma_wait3A_134 = arith.constant 0 : i32
        %dma_wait3A_135 = arith.constant 0 : i32
        %dma_wait3A_136 = tpu.memref_slice %arg2[%dma_wait3A_134, %dma_wait3A_135] : memref<10000x128xf32, #tpu.memory_space<hbm>> -> memref<10000x128xf32, #tpu.memory_space<hbm>>
        tpu.wait_indirect_dma semaphore(%arg11 : memref<!tpu.dma_semaphore, #tpu.memory_space<semaphore_mem>>) src(%dma_wait3A_136 : memref<10000x128xf32, #tpu.memory_space<hbm>>) dst(%dma_wait3A_130 : memref<128x128xf32, #tpu.memory_space<vmem>>)
        %run_scoped3A_137 = arith.constant 1 : i32
        "tpu.region"() ({
          %run_scoped3A_289 = tpu.sem_alloc : memref<!tpu.dma_semaphore, #tpu.memory_space<semaphore_mem>>
          %dma_start3A_290 = arith.constant 0 : i32
          %dma_start3A_291 = arith.constant 0 : i32
          %dma_start3A_292 = tpu.memref_slice %arg8[%run_scoped3A_137, %dma_start3A_290, %dma_start3A_291] : memref<2x128x128xf32, #tpu.memory_space<vmem>> -> memref<1x128x128xf32, #tpu.memory_space<vmem>>
          %dma_start3A_293 = tpu.memref_squeeze %dma_start3A_292 : memref<1x128x128xf32, #tpu.memory_space<vmem>> -> memref<128x128xf32, #tpu.memory_space<vmem>>
          %dma_start3A_294 = arith.constant 0 : i32
          %dma_start3A_295 = tpu.memref_slice %arg7[%add3A_124, %dma_start3A_294] : memref<40x128xi32, #tpu.memory_space<vmem>> -> memref<1x128xi32, #tpu.memory_space<vmem>>
          %dma_start3A_296 = tpu.memref_squeeze %dma_start3A_295 : memref<1x128xi32, #tpu.memory_space<vmem>> -> memref<128xi32, #tpu.memory_space<vmem>>
          %dma_start3A_297 = arith.constant 0 : i32
          %dma_start3A_298 = arith.constant 0 : i32
          %dma_start3A_299 = tpu.memref_slice %arg9[%dma_start3A_297, %dma_start3A_298] : memref<10240x128xf32, #tpu.memory_space<vmem_shared>> -> memref<10240x128xf32, #tpu.memory_space<vmem_shared>>
          tpu.enqueue_indirect_dma source(%dma_start3A_293 : memref<128x128xf32, #tpu.memory_space<vmem>>) target(%dma_start3A_299 : memref<10240x128xf32, #tpu.memory_space<vmem_shared>>) offsets(%dma_start3A_296 : memref<128xi32, #tpu.memory_space<vmem>>) semaphore(%run_scoped3A_289 : memref<!tpu.dma_semaphore, #tpu.memory_space<semaphore_mem>>) {add = true}
          %dma_wait3A_300 = arith.constant 0 : i32
          %dma_wait3A_301 = arith.constant 0 : i32
          %dma_wait3A_302 = tpu.memref_slice %arg8[%run_scoped3A_137, %dma_wait3A_300, %dma_wait3A_301] : memref<2x128x128xf32, #tpu.memory_space<vmem>> -> memref<1x128x128xf32, #tpu.memory_space<vmem>>
          %dma_wait3A_303 = tpu.memref_squeeze %dma_wait3A_302 : memref<1x128x128xf32, #tpu.memory_space<vmem>> -> memref<128x128xf32, #tpu.memory_space<vmem>>
          %dma_wait3A_304 = arith.constant 0 : i32
          %dma_wait3A_305 = tpu.memref_slice %arg7[%add3A_124, %dma_wait3A_304] : memref<40x128xi32, #tpu.memory_space<vmem>> -> memref<1x128xi32, #tpu.memory_space<vmem>>
          %dma_wait3A_306 = tpu.memref_squeeze %dma_wait3A_305 : memref<1x128xi32, #tpu.memory_space<vmem>> -> memref<128xi32, #tpu.memory_space<vmem>>
          %dma_wait3A_307 = arith.constant 0 : i32
          %dma_wait3A_308 = arith.constant 0 : i32
          %dma_wait3A_309 = tpu.memref_slice %arg9[%dma_wait3A_307, %dma_wait3A_308] : memref<10240x128xf32, #tpu.memory_space<vmem_shared>> -> memref<10240x128xf32, #tpu.memory_space<vmem_shared>>
          tpu.wait_indirect_dma semaphore(%run_scoped3A_289 : memref<!tpu.dma_semaphore, #tpu.memory_space<semaphore_mem>>) src(%dma_wait3A_303 : memref<128x128xf32, #tpu.memory_space<vmem>>) dst(%dma_wait3A_309 : memref<10240x128xf32, #tpu.memory_space<vmem_shared>>)
          tpu.yield
        }) : () -> ()
        %add3A_138 = arith.constant 2 : i32
        %add3A_139 = arith.addi %add3A_124, %add3A_138 : i32
        %lt3A_140 = arith.constant 40 : i32
        %lt3A_141 = arith.cmpi slt, %add3A_139, %lt3A_140 : i32
        %convert_element_type3A_142 = arith.extui %lt3A_141 : i1 to i32
        %cond3A_143 = arith.constant 0 : i32
        %cond3A_144 = arith.cmpi ne, %convert_element_type3A_142, %cond3A_143 : i32
        scf.if %cond3A_144 {
          %add3A_289 = arith.constant 2 : i32
          %add3A_290 = arith.addi %add3A_124, %add3A_289 : i32
          %dma_start3A_291 = arith.constant 1 : i32
          %dma_start3A_292 = arith.constant 0 : i32
          %dma_start3A_293 = arith.constant 0 : i32
          %dma_start3A_294 = tpu.memref_slice %arg8[%dma_start3A_291, %dma_start3A_292, %dma_start3A_293] : memref<2x128x128xf32, #tpu.memory_space<vmem>> -> memref<1x128x128xf32, #tpu.memory_space<vmem>>
          %dma_start3A_295 = tpu.memref_squeeze %dma_start3A_294 : memref<1x128x128xf32, #tpu.memory_space<vmem>> -> memref<128x128xf32, #tpu.memory_space<vmem>>
          %dma_start3A_296 = arith.constant 0 : i32
          %dma_start3A_297 = tpu.memref_slice %arg6[%add3A_290, %dma_start3A_296] : memref<40x128xi32, #tpu.memory_space<vmem>> -> memref<1x128xi32, #tpu.memory_space<vmem>>
          %dma_start3A_298 = tpu.memref_squeeze %dma_start3A_297 : memref<1x128xi32, #tpu.memory_space<vmem>> -> memref<128xi32, #tpu.memory_space<vmem>>
          %dma_start3A_299 = arith.constant 0 : i32
          %dma_start3A_300 = arith.constant 0 : i32
          %dma_start3A_301 = tpu.memref_slice %arg2[%dma_start3A_299, %dma_start3A_300] : memref<10000x128xf32, #tpu.memory_space<hbm>> -> memref<10000x128xf32, #tpu.memory_space<hbm>>
          tpu.enqueue_indirect_dma source(%dma_start3A_301 : memref<10000x128xf32, #tpu.memory_space<hbm>>) target(%dma_start3A_295 : memref<128x128xf32, #tpu.memory_space<vmem>>) offsets(%dma_start3A_298 : memref<128xi32, #tpu.memory_space<vmem>>) semaphore(%arg11 : memref<!tpu.dma_semaphore, #tpu.memory_space<semaphore_mem>>)
        } else {
        }
        %mul3A_145 = arith.constant 8 : i32
        %mul3A_146 = arith.muli %add3A_100, %mul3A_145 : i32
        %add3A_147 = arith.constant 2 : i32
        %add3A_148 = arith.addi %mul3A_146, %add3A_147 : i32
        %dma_wait3A_149 = arith.constant 0 : i32
        %dma_wait3A_150 = arith.constant 0 : i32
        %dma_wait3A_151 = arith.constant 0 : i32
        %dma_wait3A_152 = arith.constant 0 : i32
        %dma_wait3A_153 = tpu.memref_slice %arg8[%dma_wait3A_150, %dma_wait3A_151, %dma_wait3A_152] : memref<2x128x128xf32, #tpu.memory_space<vmem>> -> memref<1x128x128xf32, #tpu.memory_space<vmem>>
        %dma_wait3A_154 = tpu.memref_squeeze %dma_wait3A_153 : memref<1x128x128xf32, #tpu.memory_space<vmem>> -> memref<128x128xf32, #tpu.memory_space<vmem>>
        %dma_wait3A_155 = arith.constant 0 : i32
        %dma_wait3A_156 = tpu.memref_slice %arg6[%dma_wait3A_149, %dma_wait3A_155] : memref<40x128xi32, #tpu.memory_space<vmem>> -> memref<1x128xi32, #tpu.memory_space<vmem>>
        %dma_wait3A_157 = tpu.memref_squeeze %dma_wait3A_156 : memref<1x128xi32, #tpu.memory_space<vmem>> -> memref<128xi32, #tpu.memory_space<vmem>>
        %dma_wait3A_158 = arith.constant 0 : i32
        %dma_wait3A_159 = arith.constant 0 : i32
        %dma_wait3A_160 = tpu.memref_slice %arg2[%dma_wait3A_158, %dma_wait3A_159] : memref<10000x128xf32, #tpu.memory_space<hbm>> -> memref<10000x128xf32, #tpu.memory_space<hbm>>
        tpu.wait_indirect_dma semaphore(%arg10 : memref<!tpu.dma_semaphore, #tpu.memory_space<semaphore_mem>>) src(%dma_wait3A_160 : memref<10000x128xf32, #tpu.memory_space<hbm>>) dst(%dma_wait3A_154 : memref<128x128xf32, #tpu.memory_space<vmem>>)
        %run_scoped3A_161 = arith.constant 0 : i32
        "tpu.region"() ({
          %run_scoped3A_289 = tpu.sem_alloc : memref<!tpu.dma_semaphore, #tpu.memory_space<semaphore_mem>>
          %dma_start3A_290 = arith.constant 0 : i32
          %dma_start3A_291 = arith.constant 0 : i32
          %dma_start3A_292 = tpu.memref_slice %arg8[%run_scoped3A_161, %dma_start3A_290, %dma_start3A_291] : memref<2x128x128xf32, #tpu.memory_space<vmem>> -> memref<1x128x128xf32, #tpu.memory_space<vmem>>
          %dma_start3A_293 = tpu.memref_squeeze %dma_start3A_292 : memref<1x128x128xf32, #tpu.memory_space<vmem>> -> memref<128x128xf32, #tpu.memory_space<vmem>>
          %dma_start3A_294 = arith.constant 0 : i32
          %dma_start3A_295 = tpu.memref_slice %arg7[%add3A_148, %dma_start3A_294] : memref<40x128xi32, #tpu.memory_space<vmem>> -> memref<1x128xi32, #tpu.memory_space<vmem>>
          %dma_start3A_296 = tpu.memref_squeeze %dma_start3A_295 : memref<1x128xi32, #tpu.memory_space<vmem>> -> memref<128xi32, #tpu.memory_space<vmem>>
          %dma_start3A_297 = arith.constant 0 : i32
          %dma_start3A_298 = arith.constant 0 : i32
          %dma_start3A_299 = tpu.memref_slice %arg9[%dma_start3A_297, %dma_start3A_298] : memref<10240x128xf32, #tpu.memory_space<vmem_shared>> -> memref<10240x128xf32, #tpu.memory_space<vmem_shared>>
          tpu.enqueue_indirect_dma source(%dma_start3A_293 : memref<128x128xf32, #tpu.memory_space<vmem>>) target(%dma_start3A_299 : memref<10240x128xf32, #tpu.memory_space<vmem_shared>>) offsets(%dma_start3A_296 : memref<128xi32, #tpu.memory_space<vmem>>) semaphore(%run_scoped3A_289 : memref<!tpu.dma_semaphore, #tpu.memory_space<semaphore_mem>>) {add = true}
          %dma_wait3A_300 = arith.constant 0 : i32
          %dma_wait3A_301 = arith.constant 0 : i32
          %dma_wait3A_302 = tpu.memref_slice %arg8[%run_scoped3A_161, %dma_wait3A_300, %dma_wait3A_301] : memref<2x128x128xf32, #tpu.memory_space<vmem>> -> memref<1x128x128xf32, #tpu.memory_space<vmem>>
          %dma_wait3A_303 = tpu.memref_squeeze %dma_wait3A_302 : memref<1x128x128xf32, #tpu.memory_space<vmem>> -> memref<128x128xf32, #tpu.memory_space<vmem>>
          %dma_wait3A_304 = arith.constant 0 : i32
          %dma_wait3A_305 = tpu.memref_slice %arg7[%add3A_148, %dma_wait3A_304] : memref<40x128xi32, #tpu.memory_space<vmem>> -> memref<1x128xi32, #tpu.memory_space<vmem>>
          %dma_wait3A_306 = tpu.memref_squeeze %dma_wait3A_305 : memref<1x128xi32, #tpu.memory_space<vmem>> -> memref<128xi32, #tpu.memory_space<vmem>>
          %dma_wait3A_307 = arith.constant 0 : i32
          %dma_wait3A_308 = arith.constant 0 : i32
          %dma_wait3A_309 = tpu.memref_slice %arg9[%dma_wait3A_307, %dma_wait3A_308] : memref<10240x128xf32, #tpu.memory_space<vmem_shared>> -> memref<10240x128xf32, #tpu.memory_space<vmem_shared>>
          tpu.wait_indirect_dma semaphore(%run_scoped3A_289 : memref<!tpu.dma_semaphore, #tpu.memory_space<semaphore_mem>>) src(%dma_wait3A_303 : memref<128x128xf32, #tpu.memory_space<vmem>>) dst(%dma_wait3A_309 : memref<10240x128xf32, #tpu.memory_space<vmem_shared>>)
          tpu.yield
        }) : () -> ()
        %add3A_162 = arith.constant 2 : i32
        %add3A_163 = arith.addi %add3A_148, %add3A_162 : i32
        %lt3A_164 = arith.constant 40 : i32
        %lt3A_165 = arith.cmpi slt, %add3A_163, %lt3A_164 : i32
        %convert_element_type3A_166 = arith.extui %lt3A_165 : i1 to i32
        %cond3A_167 = arith.constant 0 : i32
        %cond3A_168 = arith.cmpi ne, %convert_element_type3A_166, %cond3A_167 : i32
        scf.if %cond3A_168 {
          %add3A_289 = arith.constant 2 : i32
          %add3A_290 = arith.addi %add3A_148, %add3A_289 : i32
          %dma_start3A_291 = arith.constant 0 : i32
          %dma_start3A_292 = arith.constant 0 : i32
          %dma_start3A_293 = arith.constant 0 : i32
          %dma_start3A_294 = tpu.memref_slice %arg8[%dma_start3A_291, %dma_start3A_292, %dma_start3A_293] : memref<2x128x128xf32, #tpu.memory_space<vmem>> -> memref<1x128x128xf32, #tpu.memory_space<vmem>>
          %dma_start3A_295 = tpu.memref_squeeze %dma_start3A_294 : memref<1x128x128xf32, #tpu.memory_space<vmem>> -> memref<128x128xf32, #tpu.memory_space<vmem>>
          %dma_start3A_296 = arith.constant 0 : i32
          %dma_start3A_297 = tpu.memref_slice %arg6[%add3A_290, %dma_start3A_296] : memref<40x128xi32, #tpu.memory_space<vmem>> -> memref<1x128xi32, #tpu.memory_space<vmem>>
          %dma_start3A_298 = tpu.memref_squeeze %dma_start3A_297 : memref<1x128xi32, #tpu.memory_space<vmem>> -> memref<128xi32, #tpu.memory_space<vmem>>
          %dma_start3A_299 = arith.constant 0 : i32
          %dma_start3A_300 = arith.constant 0 : i32
          %dma_start3A_301 = tpu.memref_slice %arg2[%dma_start3A_299, %dma_start3A_300] : memref<10000x128xf32, #tpu.memory_space<hbm>> -> memref<10000x128xf32, #tpu.memory_space<hbm>>
          tpu.enqueue_indirect_dma source(%dma_start3A_301 : memref<10000x128xf32, #tpu.memory_space<hbm>>) target(%dma_start3A_295 : memref<128x128xf32, #tpu.memory_space<vmem>>) offsets(%dma_start3A_298 : memref<128xi32, #tpu.memory_space<vmem>>) semaphore(%arg10 : memref<!tpu.dma_semaphore, #tpu.memory_space<semaphore_mem>>)
        } else {
        }
        %mul3A_169 = arith.constant 8 : i32
        %mul3A_170 = arith.muli %add3A_100, %mul3A_169 : i32
        %add3A_171 = arith.constant 3 : i32
        %add3A_172 = arith.addi %mul3A_170, %add3A_171 : i32
        %dma_wait3A_173 = arith.constant 0 : i32
        %dma_wait3A_174 = arith.constant 1 : i32
        %dma_wait3A_175 = arith.constant 0 : i32
        %dma_wait3A_176 = arith.constant 0 : i32
        %dma_wait3A_177 = tpu.memref_slice %arg8[%dma_wait3A_174, %dma_wait3A_175, %dma_wait3A_176] : memref<2x128x128xf32, #tpu.memory_space<vmem>> -> memref<1x128x128xf32, #tpu.memory_space<vmem>>
        %dma_wait3A_178 = tpu.memref_squeeze %dma_wait3A_177 : memref<1x128x128xf32, #tpu.memory_space<vmem>> -> memref<128x128xf32, #tpu.memory_space<vmem>>
        %dma_wait3A_179 = arith.constant 0 : i32
        %dma_wait3A_180 = tpu.memref_slice %arg6[%dma_wait3A_173, %dma_wait3A_179] : memref<40x128xi32, #tpu.memory_space<vmem>> -> memref<1x128xi32, #tpu.memory_space<vmem>>
        %dma_wait3A_181 = tpu.memref_squeeze %dma_wait3A_180 : memref<1x128xi32, #tpu.memory_space<vmem>> -> memref<128xi32, #tpu.memory_space<vmem>>
        %dma_wait3A_182 = arith.constant 0 : i32
        %dma_wait3A_183 = arith.constant 0 : i32
        %dma_wait3A_184 = tpu.memref_slice %arg2[%dma_wait3A_182, %dma_wait3A_183] : memref<10000x128xf32, #tpu.memory_space<hbm>> -> memref<10000x128xf32, #tpu.memory_space<hbm>>
        tpu.wait_indirect_dma semaphore(%arg11 : memref<!tpu.dma_semaphore, #tpu.memory_space<semaphore_mem>>) src(%dma_wait3A_184 : memref<10000x128xf32, #tpu.memory_space<hbm>>) dst(%dma_wait3A_178 : memref<128x128xf32, #tpu.memory_space<vmem>>)
        %run_scoped3A_185 = arith.constant 1 : i32
        "tpu.region"() ({
          %run_scoped3A_289 = tpu.sem_alloc : memref<!tpu.dma_semaphore, #tpu.memory_space<semaphore_mem>>
          %dma_start3A_290 = arith.constant 0 : i32
          %dma_start3A_291 = arith.constant 0 : i32
          %dma_start3A_292 = tpu.memref_slice %arg8[%run_scoped3A_185, %dma_start3A_290, %dma_start3A_291] : memref<2x128x128xf32, #tpu.memory_space<vmem>> -> memref<1x128x128xf32, #tpu.memory_space<vmem>>
          %dma_start3A_293 = tpu.memref_squeeze %dma_start3A_292 : memref<1x128x128xf32, #tpu.memory_space<vmem>> -> memref<128x128xf32, #tpu.memory_space<vmem>>
          %dma_start3A_294 = arith.constant 0 : i32
          %dma_start3A_295 = tpu.memref_slice %arg7[%add3A_172, %dma_start3A_294] : memref<40x128xi32, #tpu.memory_space<vmem>> -> memref<1x128xi32, #tpu.memory_space<vmem>>
          %dma_start3A_296 = tpu.memref_squeeze %dma_start3A_295 : memref<1x128xi32, #tpu.memory_space<vmem>> -> memref<128xi32, #tpu.memory_space<vmem>>
          %dma_start3A_297 = arith.constant 0 : i32
          %dma_start3A_298 = arith.constant 0 : i32
          %dma_start3A_299 = tpu.memref_slice %arg9[%dma_start3A_297, %dma_start3A_298] : memref<10240x128xf32, #tpu.memory_space<vmem_shared>> -> memref<10240x128xf32, #tpu.memory_space<vmem_shared>>
          tpu.enqueue_indirect_dma source(%dma_start3A_293 : memref<128x128xf32, #tpu.memory_space<vmem>>) target(%dma_start3A_299 : memref<10240x128xf32, #tpu.memory_space<vmem_shared>>) offsets(%dma_start3A_296 : memref<128xi32, #tpu.memory_space<vmem>>) semaphore(%run_scoped3A_289 : memref<!tpu.dma_semaphore, #tpu.memory_space<semaphore_mem>>) {add = true}
          %dma_wait3A_300 = arith.constant 0 : i32
          %dma_wait3A_301 = arith.constant 0 : i32
          %dma_wait3A_302 = tpu.memref_slice %arg8[%run_scoped3A_185, %dma_wait3A_300, %dma_wait3A_301] : memref<2x128x128xf32, #tpu.memory_space<vmem>> -> memref<1x128x128xf32, #tpu.memory_space<vmem>>
          %dma_wait3A_303 = tpu.memref_squeeze %dma_wait3A_302 : memref<1x128x128xf32, #tpu.memory_space<vmem>> -> memref<128x128xf32, #tpu.memory_space<vmem>>
          %dma_wait3A_304 = arith.constant 0 : i32
          %dma_wait3A_305 = tpu.memref_slice %arg7[%add3A_172, %dma_wait3A_304] : memref<40x128xi32, #tpu.memory_space<vmem>> -> memref<1x128xi32, #tpu.memory_space<vmem>>
          %dma_wait3A_306 = tpu.memref_squeeze %dma_wait3A_305 : memref<1x128xi32, #tpu.memory_space<vmem>> -> memref<128xi32, #tpu.memory_space<vmem>>
          %dma_wait3A_307 = arith.constant 0 : i32
          %dma_wait3A_308 = arith.constant 0 : i32
          %dma_wait3A_309 = tpu.memref_slice %arg9[%dma_wait3A_307, %dma_wait3A_308] : memref<10240x128xf32, #tpu.memory_space<vmem_shared>> -> memref<10240x128xf32, #tpu.memory_space<vmem_shared>>
          tpu.wait_indirect_dma semaphore(%run_scoped3A_289 : memref<!tpu.dma_semaphore, #tpu.memory_space<semaphore_mem>>) src(%dma_wait3A_303 : memref<128x128xf32, #tpu.memory_space<vmem>>) dst(%dma_wait3A_309 : memref<10240x128xf32, #tpu.memory_space<vmem_shared>>)
          tpu.yield
        }) : () -> ()
        %add3A_186 = arith.constant 2 : i32
        %add3A_187 = arith.addi %add3A_172, %add3A_186 : i32
        %lt3A_188 = arith.constant 40 : i32
        %lt3A_189 = arith.cmpi slt, %add3A_187, %lt3A_188 : i32
        %convert_element_type3A_190 = arith.extui %lt3A_189 : i1 to i32
        %cond3A_191 = arith.constant 0 : i32
        %cond3A_192 = arith.cmpi ne, %convert_element_type3A_190, %cond3A_191 : i32
        scf.if %cond3A_192 {
          %add3A_289 = arith.constant 2 : i32
          %add3A_290 = arith.addi %add3A_172, %add3A_289 : i32
          %dma_start3A_291 = arith.constant 1 : i32
          %dma_start3A_292 = arith.constant 0 : i32
          %dma_start3A_293 = arith.constant 0 : i32
          %dma_start3A_294 = tpu.memref_slice %arg8[%dma_start3A_291, %dma_start3A_292, %dma_start3A_293] : memref<2x128x128xf32, #tpu.memory_space<vmem>> -> memref<1x128x128xf32, #tpu.memory_space<vmem>>
          %dma_start3A_295 = tpu.memref_squeeze %dma_start3A_294 : memref<1x128x128xf32, #tpu.memory_space<vmem>> -> memref<128x128xf32, #tpu.memory_space<vmem>>
          %dma_start3A_296 = arith.constant 0 : i32
          %dma_start3A_297 = tpu.memref_slice %arg6[%add3A_290, %dma_start3A_296] : memref<40x128xi32, #tpu.memory_space<vmem>> -> memref<1x128xi32, #tpu.memory_space<vmem>>
          %dma_start3A_298 = tpu.memref_squeeze %dma_start3A_297 : memref<1x128xi32, #tpu.memory_space<vmem>> -> memref<128xi32, #tpu.memory_space<vmem>>
          %dma_start3A_299 = arith.constant 0 : i32
          %dma_start3A_300 = arith.constant 0 : i32
          %dma_start3A_301 = tpu.memref_slice %arg2[%dma_start3A_299, %dma_start3A_300] : memref<10000x128xf32, #tpu.memory_space<hbm>> -> memref<10000x128xf32, #tpu.memory_space<hbm>>
          tpu.enqueue_indirect_dma source(%dma_start3A_301 : memref<10000x128xf32, #tpu.memory_space<hbm>>) target(%dma_start3A_295 : memref<128x128xf32, #tpu.memory_space<vmem>>) offsets(%dma_start3A_298 : memref<128xi32, #tpu.memory_space<vmem>>) semaphore(%arg11 : memref<!tpu.dma_semaphore, #tpu.memory_space<semaphore_mem>>)
        } else {
        }
        %mul3A_193 = arith.constant 8 : i32
        %mul3A_194 = arith.muli %add3A_100, %mul3A_193 : i32
        %add3A_195 = arith.constant 4 : i32
        %add3A_196 = arith.addi %mul3A_194, %add3A_195 : i32
        %dma_wait3A_197 = arith.constant 0 : i32
        %dma_wait3A_198 = arith.constant 0 : i32
        %dma_wait3A_199 = arith.constant 0 : i32
        %dma_wait3A_200 = arith.constant 0 : i32
        %dma_wait3A_201 = tpu.memref_slice %arg8[%dma_wait3A_198, %dma_wait3A_199, %dma_wait3A_200] : memref<2x128x128xf32, #tpu.memory_space<vmem>> -> memref<1x128x128xf32, #tpu.memory_space<vmem>>
        %dma_wait3A_202 = tpu.memref_squeeze %dma_wait3A_201 : memref<1x128x128xf32, #tpu.memory_space<vmem>> -> memref<128x128xf32, #tpu.memory_space<vmem>>
        %dma_wait3A_203 = arith.constant 0 : i32
        %dma_wait3A_204 = tpu.memref_slice %arg6[%dma_wait3A_197, %dma_wait3A_203] : memref<40x128xi32, #tpu.memory_space<vmem>> -> memref<1x128xi32, #tpu.memory_space<vmem>>
        %dma_wait3A_205 = tpu.memref_squeeze %dma_wait3A_204 : memref<1x128xi32, #tpu.memory_space<vmem>> -> memref<128xi32, #tpu.memory_space<vmem>>
        %dma_wait3A_206 = arith.constant 0 : i32
        %dma_wait3A_207 = arith.constant 0 : i32
        %dma_wait3A_208 = tpu.memref_slice %arg2[%dma_wait3A_206, %dma_wait3A_207] : memref<10000x128xf32, #tpu.memory_space<hbm>> -> memref<10000x128xf32, #tpu.memory_space<hbm>>
        tpu.wait_indirect_dma semaphore(%arg10 : memref<!tpu.dma_semaphore, #tpu.memory_space<semaphore_mem>>) src(%dma_wait3A_208 : memref<10000x128xf32, #tpu.memory_space<hbm>>) dst(%dma_wait3A_202 : memref<128x128xf32, #tpu.memory_space<vmem>>)
        %run_scoped3A_209 = arith.constant 0 : i32
        "tpu.region"() ({
          %run_scoped3A_289 = tpu.sem_alloc : memref<!tpu.dma_semaphore, #tpu.memory_space<semaphore_mem>>
          %dma_start3A_290 = arith.constant 0 : i32
          %dma_start3A_291 = arith.constant 0 : i32
          %dma_start3A_292 = tpu.memref_slice %arg8[%run_scoped3A_209, %dma_start3A_290, %dma_start3A_291] : memref<2x128x128xf32, #tpu.memory_space<vmem>> -> memref<1x128x128xf32, #tpu.memory_space<vmem>>
          %dma_start3A_293 = tpu.memref_squeeze %dma_start3A_292 : memref<1x128x128xf32, #tpu.memory_space<vmem>> -> memref<128x128xf32, #tpu.memory_space<vmem>>
          %dma_start3A_294 = arith.constant 0 : i32
          %dma_start3A_295 = tpu.memref_slice %arg7[%add3A_196, %dma_start3A_294] : memref<40x128xi32, #tpu.memory_space<vmem>> -> memref<1x128xi32, #tpu.memory_space<vmem>>
          %dma_start3A_296 = tpu.memref_squeeze %dma_start3A_295 : memref<1x128xi32, #tpu.memory_space<vmem>> -> memref<128xi32, #tpu.memory_space<vmem>>
          %dma_start3A_297 = arith.constant 0 : i32
          %dma_start3A_298 = arith.constant 0 : i32
          %dma_start3A_299 = tpu.memref_slice %arg9[%dma_start3A_297, %dma_start3A_298] : memref<10240x128xf32, #tpu.memory_space<vmem_shared>> -> memref<10240x128xf32, #tpu.memory_space<vmem_shared>>
          tpu.enqueue_indirect_dma source(%dma_start3A_293 : memref<128x128xf32, #tpu.memory_space<vmem>>) target(%dma_start3A_299 : memref<10240x128xf32, #tpu.memory_space<vmem_shared>>) offsets(%dma_start3A_296 : memref<128xi32, #tpu.memory_space<vmem>>) semaphore(%run_scoped3A_289 : memref<!tpu.dma_semaphore, #tpu.memory_space<semaphore_mem>>) {add = true}
          %dma_wait3A_300 = arith.constant 0 : i32
          %dma_wait3A_301 = arith.constant 0 : i32
          %dma_wait3A_302 = tpu.memref_slice %arg8[%run_scoped3A_209, %dma_wait3A_300, %dma_wait3A_301] : memref<2x128x128xf32, #tpu.memory_space<vmem>> -> memref<1x128x128xf32, #tpu.memory_space<vmem>>
          %dma_wait3A_303 = tpu.memref_squeeze %dma_wait3A_302 : memref<1x128x128xf32, #tpu.memory_space<vmem>> -> memref<128x128xf32, #tpu.memory_space<vmem>>
          %dma_wait3A_304 = arith.constant 0 : i32
          %dma_wait3A_305 = tpu.memref_slice %arg7[%add3A_196, %dma_wait3A_304] : memref<40x128xi32, #tpu.memory_space<vmem>> -> memref<1x128xi32, #tpu.memory_space<vmem>>
          %dma_wait3A_306 = tpu.memref_squeeze %dma_wait3A_305 : memref<1x128xi32, #tpu.memory_space<vmem>> -> memref<128xi32, #tpu.memory_space<vmem>>
          %dma_wait3A_307 = arith.constant 0 : i32
          %dma_wait3A_308 = arith.constant 0 : i32
          %dma_wait3A_309 = tpu.memref_slice %arg9[%dma_wait3A_307, %dma_wait3A_308] : memref<10240x128xf32, #tpu.memory_space<vmem_shared>> -> memref<10240x128xf32, #tpu.memory_space<vmem_shared>>
          tpu.wait_indirect_dma semaphore(%run_scoped3A_289 : memref<!tpu.dma_semaphore, #tpu.memory_space<semaphore_mem>>) src(%dma_wait3A_303 : memref<128x128xf32, #tpu.memory_space<vmem>>) dst(%dma_wait3A_309 : memref<10240x128xf32, #tpu.memory_space<vmem_shared>>)
          tpu.yield
        }) : () -> ()
        %add3A_210 = arith.constant 2 : i32
        %add3A_211 = arith.addi %add3A_196, %add3A_210 : i32
        %lt3A_212 = arith.constant 40 : i32
        %lt3A_213 = arith.cmpi slt, %add3A_211, %lt3A_212 : i32
        %convert_element_type3A_214 = arith.extui %lt3A_213 : i1 to i32
        %cond3A_215 = arith.constant 0 : i32
        %cond3A_216 = arith.cmpi ne, %convert_element_type3A_214, %cond3A_215 : i32
        scf.if %cond3A_216 {
          %add3A_289 = arith.constant 2 : i32
          %add3A_290 = arith.addi %add3A_196, %add3A_289 : i32
          %dma_start3A_291 = arith.constant 0 : i32
          %dma_start3A_292 = arith.constant 0 : i32
          %dma_start3A_293 = arith.constant 0 : i32
          %dma_start3A_294 = tpu.memref_slice %arg8[%dma_start3A_291, %dma_start3A_292, %dma_start3A_293] : memref<2x128x128xf32, #tpu.memory_space<vmem>> -> memref<1x128x128xf32, #tpu.memory_space<vmem>>
          %dma_start3A_295 = tpu.memref_squeeze %dma_start3A_294 : memref<1x128x128xf32, #tpu.memory_space<vmem>> -> memref<128x128xf32, #tpu.memory_space<vmem>>
          %dma_start3A_296 = arith.constant 0 : i32
          %dma_start3A_297 = tpu.memref_slice %arg6[%add3A_290, %dma_start3A_296] : memref<40x128xi32, #tpu.memory_space<vmem>> -> memref<1x128xi32, #tpu.memory_space<vmem>>
          %dma_start3A_298 = tpu.memref_squeeze %dma_start3A_297 : memref<1x128xi32, #tpu.memory_space<vmem>> -> memref<128xi32, #tpu.memory_space<vmem>>
          %dma_start3A_299 = arith.constant 0 : i32
          %dma_start3A_300 = arith.constant 0 : i32
          %dma_start3A_301 = tpu.memref_slice %arg2[%dma_start3A_299, %dma_start3A_300] : memref<10000x128xf32, #tpu.memory_space<hbm>> -> memref<10000x128xf32, #tpu.memory_space<hbm>>
          tpu.enqueue_indirect_dma source(%dma_start3A_301 : memref<10000x128xf32, #tpu.memory_space<hbm>>) target(%dma_start3A_295 : memref<128x128xf32, #tpu.memory_space<vmem>>) offsets(%dma_start3A_298 : memref<128xi32, #tpu.memory_space<vmem>>) semaphore(%arg10 : memref<!tpu.dma_semaphore, #tpu.memory_space<semaphore_mem>>)
        } else {
        }
        %mul3A_217 = arith.constant 8 : i32
        %mul3A_218 = arith.muli %add3A_100, %mul3A_217 : i32
        %add3A_219 = arith.constant 5 : i32
        %add3A_220 = arith.addi %mul3A_218, %add3A_219 : i32
        %dma_wait3A_221 = arith.constant 0 : i32
        %dma_wait3A_222 = arith.constant 1 : i32
        %dma_wait3A_223 = arith.constant 0 : i32
        %dma_wait3A_224 = arith.constant 0 : i32
        %dma_wait3A_225 = tpu.memref_slice %arg8[%dma_wait3A_222, %dma_wait3A_223, %dma_wait3A_224] : memref<2x128x128xf32, #tpu.memory_space<vmem>> -> memref<1x128x128xf32, #tpu.memory_space<vmem>>
        %dma_wait3A_226 = tpu.memref_squeeze %dma_wait3A_225 : memref<1x128x128xf32, #tpu.memory_space<vmem>> -> memref<128x128xf32, #tpu.memory_space<vmem>>
        %dma_wait3A_227 = arith.constant 0 : i32
        %dma_wait3A_228 = tpu.memref_slice %arg6[%dma_wait3A_221, %dma_wait3A_227] : memref<40x128xi32, #tpu.memory_space<vmem>> -> memref<1x128xi32, #tpu.memory_space<vmem>>
        %dma_wait3A_229 = tpu.memref_squeeze %dma_wait3A_228 : memref<1x128xi32, #tpu.memory_space<vmem>> -> memref<128xi32, #tpu.memory_space<vmem>>
        %dma_wait3A_230 = arith.constant 0 : i32
        %dma_wait3A_231 = arith.constant 0 : i32
        %dma_wait3A_232 = tpu.memref_slice %arg2[%dma_wait3A_230, %dma_wait3A_231] : memref<10000x128xf32, #tpu.memory_space<hbm>> -> memref<10000x128xf32, #tpu.memory_space<hbm>>
        tpu.wait_indirect_dma semaphore(%arg11 : memref<!tpu.dma_semaphore, #tpu.memory_space<semaphore_mem>>) src(%dma_wait3A_232 : memref<10000x128xf32, #tpu.memory_space<hbm>>) dst(%dma_wait3A_226 : memref<128x128xf32, #tpu.memory_space<vmem>>)
        %run_scoped3A_233 = arith.constant 1 : i32
        "tpu.region"() ({
          %run_scoped3A_289 = tpu.sem_alloc : memref<!tpu.dma_semaphore, #tpu.memory_space<semaphore_mem>>
          %dma_start3A_290 = arith.constant 0 : i32
          %dma_start3A_291 = arith.constant 0 : i32
          %dma_start3A_292 = tpu.memref_slice %arg8[%run_scoped3A_233, %dma_start3A_290, %dma_start3A_291] : memref<2x128x128xf32, #tpu.memory_space<vmem>> -> memref<1x128x128xf32, #tpu.memory_space<vmem>>
          %dma_start3A_293 = tpu.memref_squeeze %dma_start3A_292 : memref<1x128x128xf32, #tpu.memory_space<vmem>> -> memref<128x128xf32, #tpu.memory_space<vmem>>
          %dma_start3A_294 = arith.constant 0 : i32
          %dma_start3A_295 = tpu.memref_slice %arg7[%add3A_220, %dma_start3A_294] : memref<40x128xi32, #tpu.memory_space<vmem>> -> memref<1x128xi32, #tpu.memory_space<vmem>>
          %dma_start3A_296 = tpu.memref_squeeze %dma_start3A_295 : memref<1x128xi32, #tpu.memory_space<vmem>> -> memref<128xi32, #tpu.memory_space<vmem>>
          %dma_start3A_297 = arith.constant 0 : i32
          %dma_start3A_298 = arith.constant 0 : i32
          %dma_start3A_299 = tpu.memref_slice %arg9[%dma_start3A_297, %dma_start3A_298] : memref<10240x128xf32, #tpu.memory_space<vmem_shared>> -> memref<10240x128xf32, #tpu.memory_space<vmem_shared>>
          tpu.enqueue_indirect_dma source(%dma_start3A_293 : memref<128x128xf32, #tpu.memory_space<vmem>>) target(%dma_start3A_299 : memref<10240x128xf32, #tpu.memory_space<vmem_shared>>) offsets(%dma_start3A_296 : memref<128xi32, #tpu.memory_space<vmem>>) semaphore(%run_scoped3A_289 : memref<!tpu.dma_semaphore, #tpu.memory_space<semaphore_mem>>) {add = true}
          %dma_wait3A_300 = arith.constant 0 : i32
          %dma_wait3A_301 = arith.constant 0 : i32
          %dma_wait3A_302 = tpu.memref_slice %arg8[%run_scoped3A_233, %dma_wait3A_300, %dma_wait3A_301] : memref<2x128x128xf32, #tpu.memory_space<vmem>> -> memref<1x128x128xf32, #tpu.memory_space<vmem>>
          %dma_wait3A_303 = tpu.memref_squeeze %dma_wait3A_302 : memref<1x128x128xf32, #tpu.memory_space<vmem>> -> memref<128x128xf32, #tpu.memory_space<vmem>>
          %dma_wait3A_304 = arith.constant 0 : i32
          %dma_wait3A_305 = tpu.memref_slice %arg7[%add3A_220, %dma_wait3A_304] : memref<40x128xi32, #tpu.memory_space<vmem>> -> memref<1x128xi32, #tpu.memory_space<vmem>>
          %dma_wait3A_306 = tpu.memref_squeeze %dma_wait3A_305 : memref<1x128xi32, #tpu.memory_space<vmem>> -> memref<128xi32, #tpu.memory_space<vmem>>
          %dma_wait3A_307 = arith.constant 0 : i32
          %dma_wait3A_308 = arith.constant 0 : i32
          %dma_wait3A_309 = tpu.memref_slice %arg9[%dma_wait3A_307, %dma_wait3A_308] : memref<10240x128xf32, #tpu.memory_space<vmem_shared>> -> memref<10240x128xf32, #tpu.memory_space<vmem_shared>>
          tpu.wait_indirect_dma semaphore(%run_scoped3A_289 : memref<!tpu.dma_semaphore, #tpu.memory_space<semaphore_mem>>) src(%dma_wait3A_303 : memref<128x128xf32, #tpu.memory_space<vmem>>) dst(%dma_wait3A_309 : memref<10240x128xf32, #tpu.memory_space<vmem_shared>>)
          tpu.yield
        }) : () -> ()
        %add3A_234 = arith.constant 2 : i32
        %add3A_235 = arith.addi %add3A_220, %add3A_234 : i32
        %lt3A_236 = arith.constant 40 : i32
        %lt3A_237 = arith.cmpi slt, %add3A_235, %lt3A_236 : i32
        %convert_element_type3A_238 = arith.extui %lt3A_237 : i1 to i32
        %cond3A_239 = arith.constant 0 : i32
        %cond3A_240 = arith.cmpi ne, %convert_element_type3A_238, %cond3A_239 : i32
        scf.if %cond3A_240 {
          %add3A_289 = arith.constant 2 : i32
          %add3A_290 = arith.addi %add3A_220, %add3A_289 : i32
          %dma_start3A_291 = arith.constant 1 : i32
          %dma_start3A_292 = arith.constant 0 : i32
          %dma_start3A_293 = arith.constant 0 : i32
          %dma_start3A_294 = tpu.memref_slice %arg8[%dma_start3A_291, %dma_start3A_292, %dma_start3A_293] : memref<2x128x128xf32, #tpu.memory_space<vmem>> -> memref<1x128x128xf32, #tpu.memory_space<vmem>>
          %dma_start3A_295 = tpu.memref_squeeze %dma_start3A_294 : memref<1x128x128xf32, #tpu.memory_space<vmem>> -> memref<128x128xf32, #tpu.memory_space<vmem>>
          %dma_start3A_296 = arith.constant 0 : i32
          %dma_start3A_297 = tpu.memref_slice %arg6[%add3A_290, %dma_start3A_296] : memref<40x128xi32, #tpu.memory_space<vmem>> -> memref<1x128xi32, #tpu.memory_space<vmem>>
          %dma_start3A_298 = tpu.memref_squeeze %dma_start3A_297 : memref<1x128xi32, #tpu.memory_space<vmem>> -> memref<128xi32, #tpu.memory_space<vmem>>
          %dma_start3A_299 = arith.constant 0 : i32
          %dma_start3A_300 = arith.constant 0 : i32
          %dma_start3A_301 = tpu.memref_slice %arg2[%dma_start3A_299, %dma_start3A_300] : memref<10000x128xf32, #tpu.memory_space<hbm>> -> memref<10000x128xf32, #tpu.memory_space<hbm>>
          tpu.enqueue_indirect_dma source(%dma_start3A_301 : memref<10000x128xf32, #tpu.memory_space<hbm>>) target(%dma_start3A_295 : memref<128x128xf32, #tpu.memory_space<vmem>>) offsets(%dma_start3A_298 : memref<128xi32, #tpu.memory_space<vmem>>) semaphore(%arg11 : memref<!tpu.dma_semaphore, #tpu.memory_space<semaphore_mem>>)
        } else {
        }
        %mul3A_241 = arith.constant 8 : i32
        %mul3A_242 = arith.muli %add3A_100, %mul3A_241 : i32
        %add3A_243 = arith.constant 6 : i32
        %add3A_244 = arith.addi %mul3A_242, %add3A_243 : i32
        %dma_wait3A_245 = arith.constant 0 : i32
        %dma_wait3A_246 = arith.constant 0 : i32
        %dma_wait3A_247 = arith.constant 0 : i32
        %dma_wait3A_248 = arith.constant 0 : i32
        %dma_wait3A_249 = tpu.memref_slice %arg8[%dma_wait3A_246, %dma_wait3A_247, %dma_wait3A_248] : memref<2x128x128xf32, #tpu.memory_space<vmem>> -> memref<1x128x128xf32, #tpu.memory_space<vmem>>
        %dma_wait3A_250 = tpu.memref_squeeze %dma_wait3A_249 : memref<1x128x128xf32, #tpu.memory_space<vmem>> -> memref<128x128xf32, #tpu.memory_space<vmem>>
        %dma_wait3A_251 = arith.constant 0 : i32
        %dma_wait3A_252 = tpu.memref_slice %arg6[%dma_wait3A_245, %dma_wait3A_251] : memref<40x128xi32, #tpu.memory_space<vmem>> -> memref<1x128xi32, #tpu.memory_space<vmem>>
        %dma_wait3A_253 = tpu.memref_squeeze %dma_wait3A_252 : memref<1x128xi32, #tpu.memory_space<vmem>> -> memref<128xi32, #tpu.memory_space<vmem>>
        %dma_wait3A_254 = arith.constant 0 : i32
        %dma_wait3A_255 = arith.constant 0 : i32
        %dma_wait3A_256 = tpu.memref_slice %arg2[%dma_wait3A_254, %dma_wait3A_255] : memref<10000x128xf32, #tpu.memory_space<hbm>> -> memref<10000x128xf32, #tpu.memory_space<hbm>>
        tpu.wait_indirect_dma semaphore(%arg10 : memref<!tpu.dma_semaphore, #tpu.memory_space<semaphore_mem>>) src(%dma_wait3A_256 : memref<10000x128xf32, #tpu.memory_space<hbm>>) dst(%dma_wait3A_250 : memref<128x128xf32, #tpu.memory_space<vmem>>)
        %run_scoped3A_257 = arith.constant 0 : i32
        "tpu.region"() ({
          %run_scoped3A_289 = tpu.sem_alloc : memref<!tpu.dma_semaphore, #tpu.memory_space<semaphore_mem>>
          %dma_start3A_290 = arith.constant 0 : i32
          %dma_start3A_291 = arith.constant 0 : i32
          %dma_start3A_292 = tpu.memref_slice %arg8[%run_scoped3A_257, %dma_start3A_290, %dma_start3A_291] : memref<2x128x128xf32, #tpu.memory_space<vmem>> -> memref<1x128x128xf32, #tpu.memory_space<vmem>>
          %dma_start3A_293 = tpu.memref_squeeze %dma_start3A_292 : memref<1x128x128xf32, #tpu.memory_space<vmem>> -> memref<128x128xf32, #tpu.memory_space<vmem>>
          %dma_start3A_294 = arith.constant 0 : i32
          %dma_start3A_295 = tpu.memref_slice %arg7[%add3A_244, %dma_start3A_294] : memref<40x128xi32, #tpu.memory_space<vmem>> -> memref<1x128xi32, #tpu.memory_space<vmem>>
          %dma_start3A_296 = tpu.memref_squeeze %dma_start3A_295 : memref<1x128xi32, #tpu.memory_space<vmem>> -> memref<128xi32, #tpu.memory_space<vmem>>
          %dma_start3A_297 = arith.constant 0 : i32
          %dma_start3A_298 = arith.constant 0 : i32
          %dma_start3A_299 = tpu.memref_slice %arg9[%dma_start3A_297, %dma_start3A_298] : memref<10240x128xf32, #tpu.memory_space<vmem_shared>> -> memref<10240x128xf32, #tpu.memory_space<vmem_shared>>
          tpu.enqueue_indirect_dma source(%dma_start3A_293 : memref<128x128xf32, #tpu.memory_space<vmem>>) target(%dma_start3A_299 : memref<10240x128xf32, #tpu.memory_space<vmem_shared>>) offsets(%dma_start3A_296 : memref<128xi32, #tpu.memory_space<vmem>>) semaphore(%run_scoped3A_289 : memref<!tpu.dma_semaphore, #tpu.memory_space<semaphore_mem>>) {add = true}
          %dma_wait3A_300 = arith.constant 0 : i32
          %dma_wait3A_301 = arith.constant 0 : i32
          %dma_wait3A_302 = tpu.memref_slice %arg8[%run_scoped3A_257, %dma_wait3A_300, %dma_wait3A_301] : memref<2x128x128xf32, #tpu.memory_space<vmem>> -> memref<1x128x128xf32, #tpu.memory_space<vmem>>
          %dma_wait3A_303 = tpu.memref_squeeze %dma_wait3A_302 : memref<1x128x128xf32, #tpu.memory_space<vmem>> -> memref<128x128xf32, #tpu.memory_space<vmem>>
          %dma_wait3A_304 = arith.constant 0 : i32
          %dma_wait3A_305 = tpu.memref_slice %arg7[%add3A_244, %dma_wait3A_304] : memref<40x128xi32, #tpu.memory_space<vmem>> -> memref<1x128xi32, #tpu.memory_space<vmem>>
          %dma_wait3A_306 = tpu.memref_squeeze %dma_wait3A_305 : memref<1x128xi32, #tpu.memory_space<vmem>> -> memref<128xi32, #tpu.memory_space<vmem>>
          %dma_wait3A_307 = arith.constant 0 : i32
          %dma_wait3A_308 = arith.constant 0 : i32
          %dma_wait3A_309 = tpu.memref_slice %arg9[%dma_wait3A_307, %dma_wait3A_308] : memref<10240x128xf32, #tpu.memory_space<vmem_shared>> -> memref<10240x128xf32, #tpu.memory_space<vmem_shared>>
          tpu.wait_indirect_dma semaphore(%run_scoped3A_289 : memref<!tpu.dma_semaphore, #tpu.memory_space<semaphore_mem>>) src(%dma_wait3A_303 : memref<128x128xf32, #tpu.memory_space<vmem>>) dst(%dma_wait3A_309 : memref<10240x128xf32, #tpu.memory_space<vmem_shared>>)
          tpu.yield
        }) : () -> ()
        %add3A_258 = arith.constant 2 : i32
        %add3A_259 = arith.addi %add3A_244, %add3A_258 : i32
        %lt3A_260 = arith.constant 40 : i32
        %lt3A_261 = arith.cmpi slt, %add3A_259, %lt3A_260 : i32
        %convert_element_type3A_262 = arith.extui %lt3A_261 : i1 to i32
        %cond3A_263 = arith.constant 0 : i32
        %cond3A_264 = arith.cmpi ne, %convert_element_type3A_262, %cond3A_263 : i32
        scf.if %cond3A_264 {
          %add3A_289 = arith.constant 2 : i32
          %add3A_290 = arith.addi %add3A_244, %add3A_289 : i32
          %dma_start3A_291 = arith.constant 0 : i32
          %dma_start3A_292 = arith.constant 0 : i32
          %dma_start3A_293 = arith.constant 0 : i32
          %dma_start3A_294 = tpu.memref_slice %arg8[%dma_start3A_291, %dma_start3A_292, %dma_start3A_293] : memref<2x128x128xf32, #tpu.memory_space<vmem>> -> memref<1x128x128xf32, #tpu.memory_space<vmem>>
          %dma_start3A_295 = tpu.memref_squeeze %dma_start3A_294 : memref<1x128x128xf32, #tpu.memory_space<vmem>> -> memref<128x128xf32, #tpu.memory_space<vmem>>
          %dma_start3A_296 = arith.constant 0 : i32
          %dma_start3A_297 = tpu.memref_slice %arg6[%add3A_290, %dma_start3A_296] : memref<40x128xi32, #tpu.memory_space<vmem>> -> memref<1x128xi32, #tpu.memory_space<vmem>>
          %dma_start3A_298 = tpu.memref_squeeze %dma_start3A_297 : memref<1x128xi32, #tpu.memory_space<vmem>> -> memref<128xi32, #tpu.memory_space<vmem>>
          %dma_start3A_299 = arith.constant 0 : i32
          %dma_start3A_300 = arith.constant 0 : i32
          %dma_start3A_301 = tpu.memref_slice %arg2[%dma_start3A_299, %dma_start3A_300] : memref<10000x128xf32, #tpu.memory_space<hbm>> -> memref<10000x128xf32, #tpu.memory_space<hbm>>
          tpu.enqueue_indirect_dma source(%dma_start3A_301 : memref<10000x128xf32, #tpu.memory_space<hbm>>) target(%dma_start3A_295 : memref<128x128xf32, #tpu.memory_space<vmem>>) offsets(%dma_start3A_298 : memref<128xi32, #tpu.memory_space<vmem>>) semaphore(%arg10 : memref<!tpu.dma_semaphore, #tpu.memory_space<semaphore_mem>>)
        } else {
        }
        %mul3A_265 = arith.constant 8 : i32
        %mul3A_266 = arith.muli %add3A_100, %mul3A_265 : i32
        %add3A_267 = arith.constant 7 : i32
        %add3A_268 = arith.addi %mul3A_266, %add3A_267 : i32
        %dma_wait3A_269 = arith.constant 0 : i32
        %dma_wait3A_270 = arith.constant 1 : i32
        %dma_wait3A_271 = arith.constant 0 : i32
        %dma_wait3A_272 = arith.constant 0 : i32
        %dma_wait3A_273 = tpu.memref_slice %arg8[%dma_wait3A_270, %dma_wait3A_271, %dma_wait3A_272] : memref<2x128x128xf32, #tpu.memory_space<vmem>> -> memref<1x128x128xf32, #tpu.memory_space<vmem>>
        %dma_wait3A_274 = tpu.memref_squeeze %dma_wait3A_273 : memref<1x128x128xf32, #tpu.memory_space<vmem>> -> memref<128x128xf32, #tpu.memory_space<vmem>>
        %dma_wait3A_275 = arith.constant 0 : i32
        %dma_wait3A_276 = tpu.memref_slice %arg6[%dma_wait3A_269, %dma_wait3A_275] : memref<40x128xi32, #tpu.memory_space<vmem>> -> memref<1x128xi32, #tpu.memory_space<vmem>>
        %dma_wait3A_277 = tpu.memref_squeeze %dma_wait3A_276 : memref<1x128xi32, #tpu.memory_space<vmem>> -> memref<128xi32, #tpu.memory_space<vmem>>
        %dma_wait3A_278 = arith.constant 0 : i32
        %dma_wait3A_279 = arith.constant 0 : i32
        %dma_wait3A_280 = tpu.memref_slice %arg2[%dma_wait3A_278, %dma_wait3A_279] : memref<10000x128xf32, #tpu.memory_space<hbm>> -> memref<10000x128xf32, #tpu.memory_space<hbm>>
        tpu.wait_indirect_dma semaphore(%arg11 : memref<!tpu.dma_semaphore, #tpu.memory_space<semaphore_mem>>) src(%dma_wait3A_280 : memref<10000x128xf32, #tpu.memory_space<hbm>>) dst(%dma_wait3A_274 : memref<128x128xf32, #tpu.memory_space<vmem>>)
        %run_scoped3A_281 = arith.constant 1 : i32
        "tpu.region"() ({
          %run_scoped3A_289 = tpu.sem_alloc : memref<!tpu.dma_semaphore, #tpu.memory_space<semaphore_mem>>
          %dma_start3A_290 = arith.constant 0 : i32
          %dma_start3A_291 = arith.constant 0 : i32
          %dma_start3A_292 = tpu.memref_slice %arg8[%run_scoped3A_281, %dma_start3A_290, %dma_start3A_291] : memref<2x128x128xf32, #tpu.memory_space<vmem>> -> memref<1x128x128xf32, #tpu.memory_space<vmem>>
          %dma_start3A_293 = tpu.memref_squeeze %dma_start3A_292 : memref<1x128x128xf32, #tpu.memory_space<vmem>> -> memref<128x128xf32, #tpu.memory_space<vmem>>
          %dma_start3A_294 = arith.constant 0 : i32
          %dma_start3A_295 = tpu.memref_slice %arg7[%add3A_268, %dma_start3A_294] : memref<40x128xi32, #tpu.memory_space<vmem>> -> memref<1x128xi32, #tpu.memory_space<vmem>>
          %dma_start3A_296 = tpu.memref_squeeze %dma_start3A_295 : memref<1x128xi32, #tpu.memory_space<vmem>> -> memref<128xi32, #tpu.memory_space<vmem>>
          %dma_start3A_297 = arith.constant 0 : i32
          %dma_start3A_298 = arith.constant 0 : i32
          %dma_start3A_299 = tpu.memref_slice %arg9[%dma_start3A_297, %dma_start3A_298] : memref<10240x128xf32, #tpu.memory_space<vmem_shared>> -> memref<10240x128xf32, #tpu.memory_space<vmem_shared>>
          tpu.enqueue_indirect_dma source(%dma_start3A_293 : memref<128x128xf32, #tpu.memory_space<vmem>>) target(%dma_start3A_299 : memref<10240x128xf32, #tpu.memory_space<vmem_shared>>) offsets(%dma_start3A_296 : memref<128xi32, #tpu.memory_space<vmem>>) semaphore(%run_scoped3A_289 : memref<!tpu.dma_semaphore, #tpu.memory_space<semaphore_mem>>) {add = true}
          %dma_wait3A_300 = arith.constant 0 : i32
          %dma_wait3A_301 = arith.constant 0 : i32
          %dma_wait3A_302 = tpu.memref_slice %arg8[%run_scoped3A_281, %dma_wait3A_300, %dma_wait3A_301] : memref<2x128x128xf32, #tpu.memory_space<vmem>> -> memref<1x128x128xf32, #tpu.memory_space<vmem>>
          %dma_wait3A_303 = tpu.memref_squeeze %dma_wait3A_302 : memref<1x128x128xf32, #tpu.memory_space<vmem>> -> memref<128x128xf32, #tpu.memory_space<vmem>>
          %dma_wait3A_304 = arith.constant 0 : i32
          %dma_wait3A_305 = tpu.memref_slice %arg7[%add3A_268, %dma_wait3A_304] : memref<40x128xi32, #tpu.memory_space<vmem>> -> memref<1x128xi32, #tpu.memory_space<vmem>>
          %dma_wait3A_306 = tpu.memref_squeeze %dma_wait3A_305 : memref<1x128xi32, #tpu.memory_space<vmem>> -> memref<128xi32, #tpu.memory_space<vmem>>
          %dma_wait3A_307 = arith.constant 0 : i32
          %dma_wait3A_308 = arith.constant 0 : i32
          %dma_wait3A_309 = tpu.memref_slice %arg9[%dma_wait3A_307, %dma_wait3A_308] : memref<10240x128xf32, #tpu.memory_space<vmem_shared>> -> memref<10240x128xf32, #tpu.memory_space<vmem_shared>>
          tpu.wait_indirect_dma semaphore(%run_scoped3A_289 : memref<!tpu.dma_semaphore, #tpu.memory_space<semaphore_mem>>) src(%dma_wait3A_303 : memref<128x128xf32, #tpu.memory_space<vmem>>) dst(%dma_wait3A_309 : memref<10240x128xf32, #tpu.memory_space<vmem_shared>>)
          tpu.yield
        }) : () -> ()
        %add3A_282 = arith.constant 2 : i32
        %add3A_283 = arith.addi %add3A_268, %add3A_282 : i32
        %lt3A_284 = arith.constant 40 : i32
        %lt3A_285 = arith.cmpi slt, %add3A_283, %lt3A_284 : i32
        %convert_element_type3A_286 = arith.extui %lt3A_285 : i1 to i32
        %cond3A_287 = arith.constant 0 : i32
        %cond3A_288 = arith.cmpi ne, %convert_element_type3A_286, %cond3A_287 : i32
        scf.if %cond3A_288 {
          %add3A_289 = arith.constant 2 : i32
          %add3A_290 = arith.addi %add3A_268, %add3A_289 : i32
          %dma_start3A_291 = arith.constant 1 : i32
          %dma_start3A_292 = arith.constant 0 : i32
          %dma_start3A_293 = arith.constant 0 : i32
          %dma_start3A_294 = tpu.memref_slice %arg8[%dma_start3A_291, %dma_start3A_292, %dma_start3A_293] : memref<2x128x128xf32, #tpu.memory_space<vmem>> -> memref<1x128x128xf32, #tpu.memory_space<vmem>>
          %dma_start3A_295 = tpu.memref_squeeze %dma_start3A_294 : memref<1x128x128xf32, #tpu.memory_space<vmem>> -> memref<128x128xf32, #tpu.memory_space<vmem>>
          %dma_start3A_296 = arith.constant 0 : i32
          %dma_start3A_297 = tpu.memref_slice %arg6[%add3A_290, %dma_start3A_296] : memref<40x128xi32, #tpu.memory_space<vmem>> -> memref<1x128xi32, #tpu.memory_space<vmem>>
          %dma_start3A_298 = tpu.memref_squeeze %dma_start3A_297 : memref<1x128xi32, #tpu.memory_space<vmem>> -> memref<128xi32, #tpu.memory_space<vmem>>
          %dma_start3A_299 = arith.constant 0 : i32
          %dma_start3A_300 = arith.constant 0 : i32
          %dma_start3A_301 = tpu.memref_slice %arg2[%dma_start3A_299, %dma_start3A_300] : memref<10000x128xf32, #tpu.memory_space<hbm>> -> memref<10000x128xf32, #tpu.memory_space<hbm>>
          tpu.enqueue_indirect_dma source(%dma_start3A_301 : memref<10000x128xf32, #tpu.memory_space<hbm>>) target(%dma_start3A_295 : memref<128x128xf32, #tpu.memory_space<vmem>>) offsets(%dma_start3A_298 : memref<128xi32, #tpu.memory_space<vmem>>) semaphore(%arg11 : memref<!tpu.dma_semaphore, #tpu.memory_space<semaphore_mem>>)
        } else {
        }
      }
      %scan3A_95 = arith.constant 5 : i32
    }
    %scan3A_35 = arith.constant 2 : i32
    %barrier3A_36 = arith.constant 0 : index
    tpu.barrier barrier_id(%barrier3A_36)
    %mul3A_37 = arith.constant 640 : i32
    %mul3A_38 = arith.muli %arg1, %mul3A_37 : i32
    %add3A_39 = arith.constant 0 : i32
    %add3A_40 = arith.addi %mul3A_38, %add3A_39 : i32
    "tpu.region"() ({
      %run_scoped3A_57 = tpu.sem_alloc : memref<!tpu.dma_semaphore, #tpu.memory_space<semaphore_mem>>
      %dma_start3A = arith.constant 0 : i32
      %dma_start3A_58 = tpu.memref_slice %arg5[%arg0, %add3A_40, %dma_start3A] : memref<2x10240x128xf32, #tpu.memory_space<hbm>> -> memref<1x128x128xf32, #tpu.memory_space<hbm>>
      %dma_start3A_59 = tpu.memref_squeeze %dma_start3A_58 : memref<1x128x128xf32, #tpu.memory_space<hbm>> -> memref<128x128xf32, #tpu.memory_space<hbm>>
      %dma_start3A_60 = arith.constant 0 : i32
      %dma_start3A_61 = tpu.memref_slice %arg9[%add3A_40, %dma_start3A_60] : memref<10240x128xf32, #tpu.memory_space<vmem_shared>> -> memref<128x128xf32, #tpu.memory_space<vmem_shared>>
      tpu.enqueue_dma source(%dma_start3A_61 : memref<128x128xf32, #tpu.memory_space<vmem_shared>>) target(%dma_start3A_59 : memref<128x128xf32, #tpu.memory_space<hbm>>) target_semaphore(%run_scoped3A_57 : memref<!tpu.dma_semaphore, #tpu.memory_space<semaphore_mem>>)
      %dma_wait3A = arith.constant 0 : i32
      %dma_wait3A_62 = tpu.memref_slice %arg5[%arg0, %add3A_40, %dma_wait3A] : memref<2x10240x128xf32, #tpu.memory_space<hbm>> -> memref<1x128x128xf32, #tpu.memory_space<hbm>>
      %dma_wait3A_63 = tpu.memref_squeeze %dma_wait3A_62 : memref<1x128x128xf32, #tpu.memory_space<hbm>> -> memref<128x128xf32, #tpu.memory_space<hbm>>
      %dma_wait3A_64 = arith.constant 0 : i32
      %dma_wait3A_65 = tpu.memref_slice %arg9[%add3A_40, %dma_wait3A_64] : memref<10240x128xf32, #tpu.memory_space<vmem_shared>> -> memref<128x128xf32, #tpu.memory_space<vmem_shared>>
      tpu.wait_dma2 semaphore(%run_scoped3A_57 : memref<!tpu.dma_semaphore, #tpu.memory_space<semaphore_mem>>) src(%dma_wait3A_65 : memref<128x128xf32, #tpu.memory_space<vmem_shared>>) dst(%dma_wait3A_63 : memref<128x128xf32, #tpu.memory_space<hbm>>)
      tpu.yield
    }) : () -> ()
    %mul3A_41 = arith.constant 640 : i32
    %mul3A_42 = arith.muli %arg1, %mul3A_41 : i32
    %add3A_43 = arith.constant 128 : i32
    %add3A_44 = arith.addi %mul3A_42, %add3A_43 : i32
    "tpu.region"() ({
      %run_scoped3A_57 = tpu.sem_alloc : memref<!tpu.dma_semaphore, #tpu.memory_space<semaphore_mem>>
      %dma_start3A = arith.constant 0 : i32
      %dma_start3A_58 = tpu.memref_slice %arg5[%arg0, %add3A_44, %dma_start3A] : memref<2x10240x128xf32, #tpu.memory_space<hbm>> -> memref<1x128x128xf32, #tpu.memory_space<hbm>>
      %dma_start3A_59 = tpu.memref_squeeze %dma_start3A_58 : memref<1x128x128xf32, #tpu.memory_space<hbm>> -> memref<128x128xf32, #tpu.memory_space<hbm>>
      %dma_start3A_60 = arith.constant 0 : i32
      %dma_start3A_61 = tpu.memref_slice %arg9[%add3A_44, %dma_start3A_60] : memref<10240x128xf32, #tpu.memory_space<vmem_shared>> -> memref<128x128xf32, #tpu.memory_space<vmem_shared>>
      tpu.enqueue_dma source(%dma_start3A_61 : memref<128x128xf32, #tpu.memory_space<vmem_shared>>) target(%dma_start3A_59 : memref<128x128xf32, #tpu.memory_space<hbm>>) target_semaphore(%run_scoped3A_57 : memref<!tpu.dma_semaphore, #tpu.memory_space<semaphore_mem>>)
      %dma_wait3A = arith.constant 0 : i32
      %dma_wait3A_62 = tpu.memref_slice %arg5[%arg0, %add3A_44, %dma_wait3A] : memref<2x10240x128xf32, #tpu.memory_space<hbm>> -> memref<1x128x128xf32, #tpu.memory_space<hbm>>
      %dma_wait3A_63 = tpu.memref_squeeze %dma_wait3A_62 : memref<1x128x128xf32, #tpu.memory_space<hbm>> -> memref<128x128xf32, #tpu.memory_space<hbm>>
      %dma_wait3A_64 = arith.constant 0 : i32
      %dma_wait3A_65 = tpu.memref_slice %arg9[%add3A_44, %dma_wait3A_64] : memref<10240x128xf32, #tpu.memory_space<vmem_shared>> -> memref<128x128xf32, #tpu.memory_space<vmem_shared>>
      tpu.wait_dma2 semaphore(%run_scoped3A_57 : memref<!tpu.dma_semaphore, #tpu.memory_space<semaphore_mem>>) src(%dma_wait3A_65 : memref<128x128xf32, #tpu.memory_space<vmem_shared>>) dst(%dma_wait3A_63 : memref<128x128xf32, #tpu.memory_space<hbm>>)
      tpu.yield
    }) : () -> ()
    %mul3A_45 = arith.constant 640 : i32
    %mul3A_46 = arith.muli %arg1, %mul3A_45 : i32
    %add3A_47 = arith.constant 256 : i32
    %add3A_48 = arith.addi %mul3A_46, %add3A_47 : i32
    "tpu.region"() ({
      %run_scoped3A_57 = tpu.sem_alloc : memref<!tpu.dma_semaphore, #tpu.memory_space<semaphore_mem>>
      %dma_start3A = arith.constant 0 : i32
      %dma_start3A_58 = tpu.memref_slice %arg5[%arg0, %add3A_48, %dma_start3A] : memref<2x10240x128xf32, #tpu.memory_space<hbm>> -> memref<1x128x128xf32, #tpu.memory_space<hbm>>
      %dma_start3A_59 = tpu.memref_squeeze %dma_start3A_58 : memref<1x128x128xf32, #tpu.memory_space<hbm>> -> memref<128x128xf32, #tpu.memory_space<hbm>>
      %dma_start3A_60 = arith.constant 0 : i32
      %dma_start3A_61 = tpu.memref_slice %arg9[%add3A_48, %dma_start3A_60] : memref<10240x128xf32, #tpu.memory_space<vmem_shared>> -> memref<128x128xf32, #tpu.memory_space<vmem_shared>>
      tpu.enqueue_dma source(%dma_start3A_61 : memref<128x128xf32, #tpu.memory_space<vmem_shared>>) target(%dma_start3A_59 : memref<128x128xf32, #tpu.memory_space<hbm>>) target_semaphore(%run_scoped3A_57 : memref<!tpu.dma_semaphore, #tpu.memory_space<semaphore_mem>>)
      %dma_wait3A = arith.constant 0 : i32
      %dma_wait3A_62 = tpu.memref_slice %arg5[%arg0, %add3A_48, %dma_wait3A] : memref<2x10240x128xf32, #tpu.memory_space<hbm>> -> memref<1x128x128xf32, #tpu.memory_space<hbm>>
      %dma_wait3A_63 = tpu.memref_squeeze %dma_wait3A_62 : memref<1x128x128xf32, #tpu.memory_space<hbm>> -> memref<128x128xf32, #tpu.memory_space<hbm>>
      %dma_wait3A_64 = arith.constant 0 : i32
      %dma_wait3A_65 = tpu.memref_slice %arg9[%add3A_48, %dma_wait3A_64] : memref<10240x128xf32, #tpu.memory_space<vmem_shared>> -> memref<128x128xf32, #tpu.memory_space<vmem_shared>>
      tpu.wait_dma2 semaphore(%run_scoped3A_57 : memref<!tpu.dma_semaphore, #tpu.memory_space<semaphore_mem>>) src(%dma_wait3A_65 : memref<128x128xf32, #tpu.memory_space<vmem_shared>>) dst(%dma_wait3A_63 : memref<128x128xf32, #tpu.memory_space<hbm>>)
      tpu.yield
    }) : () -> ()
    %mul3A_49 = arith.constant 640 : i32
    %mul3A_50 = arith.muli %arg1, %mul3A_49 : i32
    %add3A_51 = arith.constant 384 : i32
    %add3A_52 = arith.addi %mul3A_50, %add3A_51 : i32
    "tpu.region"() ({
      %run_scoped3A_57 = tpu.sem_alloc : memref<!tpu.dma_semaphore, #tpu.memory_space<semaphore_mem>>
      %dma_start3A = arith.constant 0 : i32
      %dma_start3A_58 = tpu.memref_slice %arg5[%arg0, %add3A_52, %dma_start3A] : memref<2x10240x128xf32, #tpu.memory_space<hbm>> -> memref<1x128x128xf32, #tpu.memory_space<hbm>>
      %dma_start3A_59 = tpu.memref_squeeze %dma_start3A_58 : memref<1x128x128xf32, #tpu.memory_space<hbm>> -> memref<128x128xf32, #tpu.memory_space<hbm>>
      %dma_start3A_60 = arith.constant 0 : i32
      %dma_start3A_61 = tpu.memref_slice %arg9[%add3A_52, %dma_start3A_60] : memref<10240x128xf32, #tpu.memory_space<vmem_shared>> -> memref<128x128xf32, #tpu.memory_space<vmem_shared>>
      tpu.enqueue_dma source(%dma_start3A_61 : memref<128x128xf32, #tpu.memory_space<vmem_shared>>) target(%dma_start3A_59 : memref<128x128xf32, #tpu.memory_space<hbm>>) target_semaphore(%run_scoped3A_57 : memref<!tpu.dma_semaphore, #tpu.memory_space<semaphore_mem>>)
      %dma_wait3A = arith.constant 0 : i32
      %dma_wait3A_62 = tpu.memref_slice %arg5[%arg0, %add3A_52, %dma_wait3A] : memref<2x10240x128xf32, #tpu.memory_space<hbm>> -> memref<1x128x128xf32, #tpu.memory_space<hbm>>
      %dma_wait3A_63 = tpu.memref_squeeze %dma_wait3A_62 : memref<1x128x128xf32, #tpu.memory_space<hbm>> -> memref<128x128xf32, #tpu.memory_space<hbm>>
      %dma_wait3A_64 = arith.constant 0 : i32
      %dma_wait3A_65 = tpu.memref_slice %arg9[%add3A_52, %dma_wait3A_64] : memref<10240x128xf32, #tpu.memory_space<vmem_shared>> -> memref<128x128xf32, #tpu.memory_space<vmem_shared>>
      tpu.wait_dma2 semaphore(%run_scoped3A_57 : memref<!tpu.dma_semaphore, #tpu.memory_space<semaphore_mem>>) src(%dma_wait3A_65 : memref<128x128xf32, #tpu.memory_space<vmem_shared>>) dst(%dma_wait3A_63 : memref<128x128xf32, #tpu.memory_space<hbm>>)
      tpu.yield
    }) : () -> ()
    %mul3A_53 = arith.constant 640 : i32
    %mul3A_54 = arith.muli %arg1, %mul3A_53 : i32
    %add3A_55 = arith.constant 512 : i32
    %add3A_56 = arith.addi %mul3A_54, %add3A_55 : i32
    "tpu.region"() ({
      %run_scoped3A_57 = tpu.sem_alloc : memref<!tpu.dma_semaphore, #tpu.memory_space<semaphore_mem>>
      %dma_start3A = arith.constant 0 : i32
      %dma_start3A_58 = tpu.memref_slice %arg5[%arg0, %add3A_56, %dma_start3A] : memref<2x10240x128xf32, #tpu.memory_space<hbm>> -> memref<1x128x128xf32, #tpu.memory_space<hbm>>
      %dma_start3A_59 = tpu.memref_squeeze %dma_start3A_58 : memref<1x128x128xf32, #tpu.memory_space<hbm>> -> memref<128x128xf32, #tpu.memory_space<hbm>>
      %dma_start3A_60 = arith.constant 0 : i32
      %dma_start3A_61 = tpu.memref_slice %arg9[%add3A_56, %dma_start3A_60] : memref<10240x128xf32, #tpu.memory_space<vmem_shared>> -> memref<128x128xf32, #tpu.memory_space<vmem_shared>>
      tpu.enqueue_dma source(%dma_start3A_61 : memref<128x128xf32, #tpu.memory_space<vmem_shared>>) target(%dma_start3A_59 : memref<128x128xf32, #tpu.memory_space<hbm>>) target_semaphore(%run_scoped3A_57 : memref<!tpu.dma_semaphore, #tpu.memory_space<semaphore_mem>>)
      %dma_wait3A = arith.constant 0 : i32
      %dma_wait3A_62 = tpu.memref_slice %arg5[%arg0, %add3A_56, %dma_wait3A] : memref<2x10240x128xf32, #tpu.memory_space<hbm>> -> memref<1x128x128xf32, #tpu.memory_space<hbm>>
      %dma_wait3A_63 = tpu.memref_squeeze %dma_wait3A_62 : memref<1x128x128xf32, #tpu.memory_space<hbm>> -> memref<128x128xf32, #tpu.memory_space<hbm>>
      %dma_wait3A_64 = arith.constant 0 : i32
      %dma_wait3A_65 = tpu.memref_slice %arg9[%add3A_56, %dma_wait3A_64] : memref<10240x128xf32, #tpu.memory_space<vmem_shared>> -> memref<128x128xf32, #tpu.memory_space<vmem_shared>>
      tpu.wait_dma2 semaphore(%run_scoped3A_57 : memref<!tpu.dma_semaphore, #tpu.memory_space<semaphore_mem>>) src(%dma_wait3A_65 : memref<128x128xf32, #tpu.memory_space<vmem_shared>>) dst(%dma_wait3A_63 : memref<128x128xf32, #tpu.memory_space<hbm>>)
      tpu.yield
    }) : () -> ()
    return
  }
}

#map = affine_map<(d0, d1) -> (0, 0)>
#map1 = affine_map<(d0, d1) -> (0, 0, 0)>
module attributes {stable_mosaic.version = 14 : i64} {
  func.func @_sc_agg_body(%arg0: i32, %arg1: i32, %arg2: memref<10000x128xf32, #tpu.memory_space<hbm>>, %arg3: memref<2560x128xi32, #tpu.memory_space<hbm>>, %arg4: memref<2560x128xi32, #tpu.memory_space<hbm>>, %arg5: memref<2x10240x128xf32, #tpu.memory_space<hbm>>, %arg6: memref<40x128xi32, #tpu.memory_space<vmem>>, %arg7: memref<40x128xi32, #tpu.memory_space<vmem>>, %arg8: memref<2x128x128xf32, #tpu.memory_space<vmem>>, %arg9: memref<10240x128xf32, #tpu.memory_space<vmem_shared>>, %arg10: memref<!tpu.dma_semaphore, #tpu.memory_space<semaphore_mem>>, %arg11: memref<!tpu.dma_semaphore, #tpu.memory_space<semaphore_mem>>) attributes {dimension_semantics = [#tpu.dimension_semantics<core_parallel>, #tpu.dimension_semantics<subcore_parallel>], iteration_bounds = array<i64: 2, 16>, scalar_prefetch = 0 : i64, scratch_operands = 6 : i64, tpu.core_type = #tpu.core_type<sc_vector_subcore>, window_params = [{transform_indices = #map}, {transform_indices = #map}, {transform_indices = #map}, {transform_indices = #map1}]} {
    %mul3A = arith.constant 1280 : i32
    %mul3A_0 = arith.muli %arg0, %mul3A : i32
    %mul3A_1 = arith.constant 80 : i32
    %mul3A_2 = arith.muli %arg1, %mul3A_1 : i32
    %add3A = arith.addi %mul3A_0, %mul3A_2 : i32
    %scan3A = arith.constant 0 : i32
    %scan3A_3 = arith.constant 128 : i32
    %scan3A_4 = arith.addi %scan3A, %scan3A_3 : i32
    %scan3A_5 = arith.constant 1 : i32
    scf.for %scan3A_57 = %scan3A to %scan3A_4 step %scan3A_5  : i32 {
      %mul3A_58 = arith.constant 1 : i32
      %mul3A_59 = arith.muli %scan3A_57, %mul3A_58 : i32
      %add3A_60 = arith.constant 0 : i32
      %add3A_61 = arith.addi %add3A_60, %mul3A_59 : i32
      %scan3A_62 = arith.constant 0 : i32
      %scan3A_63 = arith.constant 8 : i32
      %scan3A_64 = arith.addi %scan3A_62, %scan3A_63 : i32
      %scan3A_65 = arith.constant 1 : i32
      scf.for %scan3A_67 = %scan3A_62 to %scan3A_64 step %scan3A_65  : i32 {
        %mul3A_68 = arith.constant 1 : i32
        %mul3A_69 = arith.muli %scan3A_67, %mul3A_68 : i32
        %add3A_70 = arith.constant 0 : i32
        %add3A_71 = arith.addi %add3A_70, %mul3A_69 : i32
        %broadcast_in_dim3A = arith.constant 0.000000e+00 : f32
        %broadcast_in_dim3A_72 = vector.broadcast %broadcast_in_dim3A : f32 to vector<16xf32>
        %mul3A_73 = arith.constant 16 : i32
        %mul3A_74 = arith.muli %add3A_71, %mul3A_73 : i32
        %swap3A = arith.constant 0 : i32
        %swap3A_75 = arith.index_cast %swap3A : i32 to index
        %swap3A_76 = arith.index_cast %add3A_61 : i32 to index
        %swap3A_77 = arith.index_cast %mul3A_74 : i32 to index
        %swap3A_78 = tpu.vector_load %arg8[%swap3A_75, %swap3A_76, %swap3A_77] {strides = array<i32>} : memref<2x128x128xf32, #tpu.memory_space<vmem>>, vector<1x1x16xf32>,
        %swap3A_79 = vector.shape_cast %swap3A_78 : vector<1x1x16xf32> to vector<16xf32>
        %swap3A_80 = vector.shape_cast %broadcast_in_dim3A_72 : vector<16xf32> to vector<1x1x16xf32>
        tpu.vector_store %arg8[%swap3A_75, %swap3A_76, %swap3A_77], %swap3A_80 {strides = array<i32>} : memref<2x128x128xf32, #tpu.memory_space<vmem>>, vector<1x1x16xf32>,
      }
      %scan3A_66 = arith.constant 8 : i32
    }
    %scan3A_6 = arith.constant 128 : i32
    %mul3A_7 = arith.constant 640 : i32
    %mul3A_8 = arith.muli %arg1, %mul3A_7 : i32
    %add3A_9 = arith.constant 0 : i32
    %add3A_10 = arith.addi %mul3A_8, %add3A_9 : i32
    %run_scoped3A = arith.constant 0 : i32
    "tpu.region"() ({
      %run_scoped3A_57 = tpu.sem_alloc : memref<!tpu.dma_semaphore, #tpu.memory_space<semaphore_mem>>
      %dma_start3A = arith.constant 0 : i32
      %dma_start3A_58 = arith.constant 0 : i32
      %dma_start3A_59 = tpu.memref_slice %arg8[%run_scoped3A, %dma_start3A, %dma_start3A_58] : memref<2x128x128xf32, #tpu.memory_space<vmem>> -> memref<1x128x128xf32, #tpu.memory_space<vmem>>
      %dma_start3A_60 = tpu.memref_squeeze %dma_start3A_59 : memref<1x128x128xf32, #tpu.memory_space<vmem>> -> memref<128x128xf32, #tpu.memory_space<vmem>>
      %dma_start3A_61 = arith.constant 0 : i32
      %dma_start3A_62 = tpu.memref_slice %arg9[%add3A_10, %dma_start3A_61] : memref<10240x128xf32, #tpu.memory_space<vmem_shared>> -> memref<128x128xf32, #tpu.memory_space<vmem_shared>>
      %dma_start3A_63 = arith.constant 0 : i32
      %dma_start3A_64 = tpu.memref_slice %arg9[%add3A_10, %dma_start3A_63] : memref<10240x128xf32, #tpu.memory_space<vmem_shared>> -> memref<128x128xf32, #tpu.memory_space<vmem_shared>>
      %dma_start3A_65 = arith.constant 0 : i32
      %dma_start3A_66 = arith.constant 0 : i32
      %dma_start3A_67 = tpu.memref_slice %arg8[%run_scoped3A, %dma_start3A_65, %dma_start3A_66] : memref<2x128x128xf32, #tpu.memory_space<vmem>> -> memref<1x128x128xf32, #tpu.memory_space<vmem>>
      %dma_start3A_68 = tpu.memref_squeeze %dma_start3A_67 : memref<1x128x128xf32, #tpu.memory_space<vmem>> -> memref<128x128xf32, #tpu.memory_space<vmem>>
      tpu.enqueue_dma source(%dma_start3A_68 : memref<128x128xf32, #tpu.memory_space<vmem>>) target(%dma_start3A_64 : memref<128x128xf32, #tpu.memory_space<vmem_shared>>) target_semaphore(%run_scoped3A_57 : memref<!tpu.dma_semaphore, #tpu.memory_space<semaphore_mem>>)
      %dma_wait3A = arith.constant 0 : i32
      %dma_wait3A_69 = arith.constant 0 : i32
      %dma_wait3A_70 = tpu.memref_slice %arg8[%run_scoped3A, %dma_wait3A, %dma_wait3A_69] : memref<2x128x128xf32, #tpu.memory_space<vmem>> -> memref<1x128x128xf32, #tpu.memory_space<vmem>>
      %dma_wait3A_71 = tpu.memref_squeeze %dma_wait3A_70 : memref<1x128x128xf32, #tpu.memory_space<vmem>> -> memref<128x128xf32, #tpu.memory_space<vmem>>
      %dma_wait3A_72 = arith.constant 0 : i32
      %dma_wait3A_73 = tpu.memref_slice %arg9[%add3A_10, %dma_wait3A_72] : memref<10240x128xf32, #tpu.memory_space<vmem_shared>> -> memref<128x128xf32, #tpu.memory_space<vmem_shared>>
      %dma_wait3A_74 = arith.constant 0 : i32
      %dma_wait3A_75 = tpu.memref_slice %arg9[%add3A_10, %dma_wait3A_74] : memref<10240x128xf32, #tpu.memory_space<vmem_shared>> -> memref<128x128xf32, #tpu.memory_space<vmem_shared>>
      %dma_wait3A_76 = arith.constant 0 : i32
      %dma_wait3A_77 = arith.constant 0 : i32
      %dma_wait3A_78 = tpu.memref_slice %arg8[%run_scoped3A, %dma_wait3A_76, %dma_wait3A_77] : memref<2x128x128xf32, #tpu.memory_space<vmem>> -> memref<1x128x128xf32, #tpu.memory_space<vmem>>
      %dma_wait3A_79 = tpu.memref_squeeze %dma_wait3A_78 : memref<1x128x128xf32, #tpu.memory_space<vmem>> -> memref<128x128xf32, #tpu.memory_space<vmem>>
      tpu.wait_dma2 semaphore(%run_scoped3A_57 : memref<!tpu.dma_semaphore, #tpu.memory_space<semaphore_mem>>) src(%dma_wait3A_79 : memref<128x128xf32, #tpu.memory_space<vmem>>) dst(%dma_wait3A_75 : memref<128x128xf32, #tpu.memory_space<vmem_shared>>)
      tpu.yield
    }) : () -> ()
    %mul3A_11 = arith.constant 640 : i32
    %mul3A_12 = arith.muli %arg1, %mul3A_11 : i32
    %add3A_13 = arith.constant 128 : i32
    %add3A_14 = arith.addi %mul3A_12, %add3A_13 : i32
    %run_scoped3A_15 = arith.constant 0 : i32
    "tpu.region"() ({
      %run_scoped3A_57 = tpu.sem_alloc : memref<!tpu.dma_semaphore, #tpu.memory_space<semaphore_mem>>
      %dma_start3A = arith.constant 0 : i32
      %dma_start3A_58 = arith.constant 0 : i32
      %dma_start3A_59 = tpu.memref_slice %arg8[%run_scoped3A_15, %dma_start3A, %dma_start3A_58] : memref<2x128x128xf32, #tpu.memory_space<vmem>> -> memref<1x128x128xf32, #tpu.memory_space<vmem>>
      %dma_start3A_60 = tpu.memref_squeeze %dma_start3A_59 : memref<1x128x128xf32, #tpu.memory_space<vmem>> -> memref<128x128xf32, #tpu.memory_space<vmem>>
      %dma_start3A_61 = arith.constant 0 : i32
      %dma_start3A_62 = tpu.memref_slice %arg9[%add3A_14, %dma_start3A_61] : memref<10240x128xf32, #tpu.memory_space<vmem_shared>> -> memref<128x128xf32, #tpu.memory_space<vmem_shared>>
      %dma_start3A_63 = arith.constant 0 : i32
      %dma_start3A_64 = tpu.memref_slice %arg9[%add3A_14, %dma_start3A_63] : memref<10240x128xf32, #tpu.memory_space<vmem_shared>> -> memref<128x128xf32, #tpu.memory_space<vmem_shared>>
      %dma_start3A_65 = arith.constant 0 : i32
      %dma_start3A_66 = arith.constant 0 : i32
      %dma_start3A_67 = tpu.memref_slice %arg8[%run_scoped3A_15, %dma_start3A_65, %dma_start3A_66] : memref<2x128x128xf32, #tpu.memory_space<vmem>> -> memref<1x128x128xf32, #tpu.memory_space<vmem>>
      %dma_start3A_68 = tpu.memref_squeeze %dma_start3A_67 : memref<1x128x128xf32, #tpu.memory_space<vmem>> -> memref<128x128xf32, #tpu.memory_space<vmem>>
      tpu.enqueue_dma source(%dma_start3A_68 : memref<128x128xf32, #tpu.memory_space<vmem>>) target(%dma_start3A_64 : memref<128x128xf32, #tpu.memory_space<vmem_shared>>) target_semaphore(%run_scoped3A_57 : memref<!tpu.dma_semaphore, #tpu.memory_space<semaphore_mem>>)
      %dma_wait3A = arith.constant 0 : i32
      %dma_wait3A_69 = arith.constant 0 : i32
      %dma_wait3A_70 = tpu.memref_slice %arg8[%run_scoped3A_15, %dma_wait3A, %dma_wait3A_69] : memref<2x128x128xf32, #tpu.memory_space<vmem>> -> memref<1x128x128xf32, #tpu.memory_space<vmem>>
      %dma_wait3A_71 = tpu.memref_squeeze %dma_wait3A_70 : memref<1x128x128xf32, #tpu.memory_space<vmem>> -> memref<128x128xf32, #tpu.memory_space<vmem>>
      %dma_wait3A_72 = arith.constant 0 : i32
      %dma_wait3A_73 = tpu.memref_slice %arg9[%add3A_14, %dma_wait3A_72] : memref<10240x128xf32, #tpu.memory_space<vmem_shared>> -> memref<128x128xf32, #tpu.memory_space<vmem_shared>>
      %dma_wait3A_74 = arith.constant 0 : i32
      %dma_wait3A_75 = tpu.memref_slice %arg9[%add3A_14, %dma_wait3A_74] : memref<10240x128xf32, #tpu.memory_space<vmem_shared>> -> memref<128x128xf32, #tpu.memory_space<vmem_shared>>
      %dma_wait3A_76 = arith.constant 0 : i32
      %dma_wait3A_77 = arith.constant 0 : i32
      %dma_wait3A_78 = tpu.memref_slice %arg8[%run_scoped3A_15, %dma_wait3A_76, %dma_wait3A_77] : memref<2x128x128xf32, #tpu.memory_space<vmem>> -> memref<1x128x128xf32, #tpu.memory_space<vmem>>
      %dma_wait3A_79 = tpu.memref_squeeze %dma_wait3A_78 : memref<1x128x128xf32, #tpu.memory_space<vmem>> -> memref<128x128xf32, #tpu.memory_space<vmem>>
      tpu.wait_dma2 semaphore(%run_scoped3A_57 : memref<!tpu.dma_semaphore, #tpu.memory_space<semaphore_mem>>) src(%dma_wait3A_79 : memref<128x128xf32, #tpu.memory_space<vmem>>) dst(%dma_wait3A_75 : memref<128x128xf32, #tpu.memory_space<vmem_shared>>)
      tpu.yield
    }) : () -> ()
    %mul3A_16 = arith.constant 640 : i32
    %mul3A_17 = arith.muli %arg1, %mul3A_16 : i32
    %add3A_18 = arith.constant 256 : i32
    %add3A_19 = arith.addi %mul3A_17, %add3A_18 : i32
    %run_scoped3A_20 = arith.constant 0 : i32
    "tpu.region"() ({
      %run_scoped3A_57 = tpu.sem_alloc : memref<!tpu.dma_semaphore, #tpu.memory_space<semaphore_mem>>
      %dma_start3A = arith.constant 0 : i32
      %dma_start3A_58 = arith.constant 0 : i32
      %dma_start3A_59 = tpu.memref_slice %arg8[%run_scoped3A_20, %dma_start3A, %dma_start3A_58] : memref<2x128x128xf32, #tpu.memory_space<vmem>> -> memref<1x128x128xf32, #tpu.memory_space<vmem>>
      %dma_start3A_60 = tpu.memref_squeeze %dma_start3A_59 : memref<1x128x128xf32, #tpu.memory_space<vmem>> -> memref<128x128xf32, #tpu.memory_space<vmem>>
      %dma_start3A_61 = arith.constant 0 : i32
      %dma_start3A_62 = tpu.memref_slice %arg9[%add3A_19, %dma_start3A_61] : memref<10240x128xf32, #tpu.memory_space<vmem_shared>> -> memref<128x128xf32, #tpu.memory_space<vmem_shared>>
      %dma_start3A_63 = arith.constant 0 : i32
      %dma_start3A_64 = tpu.memref_slice %arg9[%add3A_19, %dma_start3A_63] : memref<10240x128xf32, #tpu.memory_space<vmem_shared>> -> memref<128x128xf32, #tpu.memory_space<vmem_shared>>
      %dma_start3A_65 = arith.constant 0 : i32
      %dma_start3A_66 = arith.constant 0 : i32
      %dma_start3A_67 = tpu.memref_slice %arg8[%run_scoped3A_20, %dma_start3A_65, %dma_start3A_66] : memref<2x128x128xf32, #tpu.memory_space<vmem>> -> memref<1x128x128xf32, #tpu.memory_space<vmem>>
      %dma_start3A_68 = tpu.memref_squeeze %dma_start3A_67 : memref<1x128x128xf32, #tpu.memory_space<vmem>> -> memref<128x128xf32, #tpu.memory_space<vmem>>
      tpu.enqueue_dma source(%dma_start3A_68 : memref<128x128xf32, #tpu.memory_space<vmem>>) target(%dma_start3A_64 : memref<128x128xf32, #tpu.memory_space<vmem_shared>>) target_semaphore(%run_scoped3A_57 : memref<!tpu.dma_semaphore, #tpu.memory_space<semaphore_mem>>)
      %dma_wait3A = arith.constant 0 : i32
      %dma_wait3A_69 = arith.constant 0 : i32
      %dma_wait3A_70 = tpu.memref_slice %arg8[%run_scoped3A_20, %dma_wait3A, %dma_wait3A_69] : memref<2x128x128xf32, #tpu.memory_space<vmem>> -> memref<1x128x128xf32, #tpu.memory_space<vmem>>
      %dma_wait3A_71 = tpu.memref_squeeze %dma_wait3A_70 : memref<1x128x128xf32, #tpu.memory_space<vmem>> -> memref<128x128xf32, #tpu.memory_space<vmem>>
      %dma_wait3A_72 = arith.constant 0 : i32
      %dma_wait3A_73 = tpu.memref_slice %arg9[%add3A_19, %dma_wait3A_72] : memref<10240x128xf32, #tpu.memory_space<vmem_shared>> -> memref<128x128xf32, #tpu.memory_space<vmem_shared>>
      %dma_wait3A_74 = arith.constant 0 : i32
      %dma_wait3A_75 = tpu.memref_slice %arg9[%add3A_19, %dma_wait3A_74] : memref<10240x128xf32, #tpu.memory_space<vmem_shared>> -> memref<128x128xf32, #tpu.memory_space<vmem_shared>>
      %dma_wait3A_76 = arith.constant 0 : i32
      %dma_wait3A_77 = arith.constant 0 : i32
      %dma_wait3A_78 = tpu.memref_slice %arg8[%run_scoped3A_20, %dma_wait3A_76, %dma_wait3A_77] : memref<2x128x128xf32, #tpu.memory_space<vmem>> -> memref<1x128x128xf32, #tpu.memory_space<vmem>>
      %dma_wait3A_79 = tpu.memref_squeeze %dma_wait3A_78 : memref<1x128x128xf32, #tpu.memory_space<vmem>> -> memref<128x128xf32, #tpu.memory_space<vmem>>
      tpu.wait_dma2 semaphore(%run_scoped3A_57 : memref<!tpu.dma_semaphore, #tpu.memory_space<semaphore_mem>>) src(%dma_wait3A_79 : memref<128x128xf32, #tpu.memory_space<vmem>>) dst(%dma_wait3A_75 : memref<128x128xf32, #tpu.memory_space<vmem_shared>>)
      tpu.yield
    }) : () -> ()
    %mul3A_21 = arith.constant 640 : i32
    %mul3A_22 = arith.muli %arg1, %mul3A_21 : i32
    %add3A_23 = arith.constant 384 : i32
    %add3A_24 = arith.addi %mul3A_22, %add3A_23 : i32
    %run_scoped3A_25 = arith.constant 0 : i32
    "tpu.region"() ({
      %run_scoped3A_57 = tpu.sem_alloc : memref<!tpu.dma_semaphore, #tpu.memory_space<semaphore_mem>>
      %dma_start3A = arith.constant 0 : i32
      %dma_start3A_58 = arith.constant 0 : i32
      %dma_start3A_59 = tpu.memref_slice %arg8[%run_scoped3A_25, %dma_start3A, %dma_start3A_58] : memref<2x128x128xf32, #tpu.memory_space<vmem>> -> memref<1x128x128xf32, #tpu.memory_space<vmem>>
      %dma_start3A_60 = tpu.memref_squeeze %dma_start3A_59 : memref<1x128x128xf32, #tpu.memory_space<vmem>> -> memref<128x128xf32, #tpu.memory_space<vmem>>
      %dma_start3A_61 = arith.constant 0 : i32
      %dma_start3A_62 = tpu.memref_slice %arg9[%add3A_24, %dma_start3A_61] : memref<10240x128xf32, #tpu.memory_space<vmem_shared>> -> memref<128x128xf32, #tpu.memory_space<vmem_shared>>
      %dma_start3A_63 = arith.constant 0 : i32
      %dma_start3A_64 = tpu.memref_slice %arg9[%add3A_24, %dma_start3A_63] : memref<10240x128xf32, #tpu.memory_space<vmem_shared>> -> memref<128x128xf32, #tpu.memory_space<vmem_shared>>
      %dma_start3A_65 = arith.constant 0 : i32
      %dma_start3A_66 = arith.constant 0 : i32
      %dma_start3A_67 = tpu.memref_slice %arg8[%run_scoped3A_25, %dma_start3A_65, %dma_start3A_66] : memref<2x128x128xf32, #tpu.memory_space<vmem>> -> memref<1x128x128xf32, #tpu.memory_space<vmem>>
      %dma_start3A_68 = tpu.memref_squeeze %dma_start3A_67 : memref<1x128x128xf32, #tpu.memory_space<vmem>> -> memref<128x128xf32, #tpu.memory_space<vmem>>
      tpu.enqueue_dma source(%dma_start3A_68 : memref<128x128xf32, #tpu.memory_space<vmem>>) target(%dma_start3A_64 : memref<128x128xf32, #tpu.memory_space<vmem_shared>>) target_semaphore(%run_scoped3A_57 : memref<!tpu.dma_semaphore, #tpu.memory_space<semaphore_mem>>)
      %dma_wait3A = arith.constant 0 : i32
      %dma_wait3A_69 = arith.constant 0 : i32
      %dma_wait3A_70 = tpu.memref_slice %arg8[%run_scoped3A_25, %dma_wait3A, %dma_wait3A_69] : memref<2x128x128xf32, #tpu.memory_space<vmem>> -> memref<1x128x128xf32, #tpu.memory_space<vmem>>
      %dma_wait3A_71 = tpu.memref_squeeze %dma_wait3A_70 : memref<1x128x128xf32, #tpu.memory_space<vmem>> -> memref<128x128xf32, #tpu.memory_space<vmem>>
      %dma_wait3A_72 = arith.constant 0 : i32
      %dma_wait3A_73 = tpu.memref_slice %arg9[%add3A_24, %dma_wait3A_72] : memref<10240x128xf32, #tpu.memory_space<vmem_shared>> -> memref<128x128xf32, #tpu.memory_space<vmem_shared>>
      %dma_wait3A_74 = arith.constant 0 : i32
      %dma_wait3A_75 = tpu.memref_slice %arg9[%add3A_24, %dma_wait3A_74] : memref<10240x128xf32, #tpu.memory_space<vmem_shared>> -> memref<128x128xf32, #tpu.memory_space<vmem_shared>>
      %dma_wait3A_76 = arith.constant 0 : i32
      %dma_wait3A_77 = arith.constant 0 : i32
      %dma_wait3A_78 = tpu.memref_slice %arg8[%run_scoped3A_25, %dma_wait3A_76, %dma_wait3A_77] : memref<2x128x128xf32, #tpu.memory_space<vmem>> -> memref<1x128x128xf32, #tpu.memory_space<vmem>>
      %dma_wait3A_79 = tpu.memref_squeeze %dma_wait3A_78 : memref<1x128x128xf32, #tpu.memory_space<vmem>> -> memref<128x128xf32, #tpu.memory_space<vmem>>
      tpu.wait_dma2 semaphore(%run_scoped3A_57 : memref<!tpu.dma_semaphore, #tpu.memory_space<semaphore_mem>>) src(%dma_wait3A_79 : memref<128x128xf32, #tpu.memory_space<vmem>>) dst(%dma_wait3A_75 : memref<128x128xf32, #tpu.memory_space<vmem_shared>>)
      tpu.yield
    }) : () -> ()
    %mul3A_26 = arith.constant 640 : i32
    %mul3A_27 = arith.muli %arg1, %mul3A_26 : i32
    %add3A_28 = arith.constant 512 : i32
    %add3A_29 = arith.addi %mul3A_27, %add3A_28 : i32
    %run_scoped3A_30 = arith.constant 0 : i32
    "tpu.region"() ({
      %run_scoped3A_57 = tpu.sem_alloc : memref<!tpu.dma_semaphore, #tpu.memory_space<semaphore_mem>>
      %dma_start3A = arith.constant 0 : i32
      %dma_start3A_58 = arith.constant 0 : i32
      %dma_start3A_59 = tpu.memref_slice %arg8[%run_scoped3A_30, %dma_start3A, %dma_start3A_58] : memref<2x128x128xf32, #tpu.memory_space<vmem>> -> memref<1x128x128xf32, #tpu.memory_space<vmem>>
      %dma_start3A_60 = tpu.memref_squeeze %dma_start3A_59 : memref<1x128x128xf32, #tpu.memory_space<vmem>> -> memref<128x128xf32, #tpu.memory_space<vmem>>
      %dma_start3A_61 = arith.constant 0 : i32
      %dma_start3A_62 = tpu.memref_slice %arg9[%add3A_29, %dma_start3A_61] : memref<10240x128xf32, #tpu.memory_space<vmem_shared>> -> memref<128x128xf32, #tpu.memory_space<vmem_shared>>
      %dma_start3A_63 = arith.constant 0 : i32
      %dma_start3A_64 = tpu.memref_slice %arg9[%add3A_29, %dma_start3A_63] : memref<10240x128xf32, #tpu.memory_space<vmem_shared>> -> memref<128x128xf32, #tpu.memory_space<vmem_shared>>
      %dma_start3A_65 = arith.constant 0 : i32
      %dma_start3A_66 = arith.constant 0 : i32
      %dma_start3A_67 = tpu.memref_slice %arg8[%run_scoped3A_30, %dma_start3A_65, %dma_start3A_66] : memref<2x128x128xf32, #tpu.memory_space<vmem>> -> memref<1x128x128xf32, #tpu.memory_space<vmem>>
      %dma_start3A_68 = tpu.memref_squeeze %dma_start3A_67 : memref<1x128x128xf32, #tpu.memory_space<vmem>> -> memref<128x128xf32, #tpu.memory_space<vmem>>
      tpu.enqueue_dma source(%dma_start3A_68 : memref<128x128xf32, #tpu.memory_space<vmem>>) target(%dma_start3A_64 : memref<128x128xf32, #tpu.memory_space<vmem_shared>>) target_semaphore(%run_scoped3A_57 : memref<!tpu.dma_semaphore, #tpu.memory_space<semaphore_mem>>)
      %dma_wait3A = arith.constant 0 : i32
      %dma_wait3A_69 = arith.constant 0 : i32
      %dma_wait3A_70 = tpu.memref_slice %arg8[%run_scoped3A_30, %dma_wait3A, %dma_wait3A_69] : memref<2x128x128xf32, #tpu.memory_space<vmem>> -> memref<1x128x128xf32, #tpu.memory_space<vmem>>
      %dma_wait3A_71 = tpu.memref_squeeze %dma_wait3A_70 : memref<1x128x128xf32, #tpu.memory_space<vmem>> -> memref<128x128xf32, #tpu.memory_space<vmem>>
      %dma_wait3A_72 = arith.constant 0 : i32
      %dma_wait3A_73 = tpu.memref_slice %arg9[%add3A_29, %dma_wait3A_72] : memref<10240x128xf32, #tpu.memory_space<vmem_shared>> -> memref<128x128xf32, #tpu.memory_space<vmem_shared>>
      %dma_wait3A_74 = arith.constant 0 : i32
      %dma_wait3A_75 = tpu.memref_slice %arg9[%add3A_29, %dma_wait3A_74] : memref<10240x128xf32, #tpu.memory_space<vmem_shared>> -> memref<128x128xf32, #tpu.memory_space<vmem_shared>>
      %dma_wait3A_76 = arith.constant 0 : i32
      %dma_wait3A_77 = arith.constant 0 : i32
      %dma_wait3A_78 = tpu.memref_slice %arg8[%run_scoped3A_30, %dma_wait3A_76, %dma_wait3A_77] : memref<2x128x128xf32, #tpu.memory_space<vmem>> -> memref<1x128x128xf32, #tpu.memory_space<vmem>>
      %dma_wait3A_79 = tpu.memref_squeeze %dma_wait3A_78 : memref<1x128x128xf32, #tpu.memory_space<vmem>> -> memref<128x128xf32, #tpu.memory_space<vmem>>
      tpu.wait_dma2 semaphore(%run_scoped3A_57 : memref<!tpu.dma_semaphore, #tpu.memory_space<semaphore_mem>>) src(%dma_wait3A_79 : memref<128x128xf32, #tpu.memory_space<vmem>>) dst(%dma_wait3A_75 : memref<128x128xf32, #tpu.memory_space<vmem_shared>>)
      tpu.yield
    }) : () -> ()
    %barrier3A = arith.constant 0 : index
    tpu.barrier barrier_id(%barrier3A)
    %scan3A_31 = arith.constant 0 : i32
    %scan3A_32 = arith.constant 2 : i32
    %scan3A_33 = arith.addi %scan3A_31, %scan3A_32 : i32
    %scan3A_34 = arith.constant 1 : i32
    scf.for %scan3A_57 = %scan3A_31 to %scan3A_33 step %scan3A_34  : i32 {
      %mul3A_58 = arith.constant 1 : i32
      %mul3A_59 = arith.muli %scan3A_57, %mul3A_58 : i32
      %add3A_60 = arith.constant 0 : i32
      %add3A_61 = arith.addi %add3A_60, %mul3A_59 : i32
      %mul3A_62 = arith.constant 40 : i32
      %mul3A_63 = arith.muli %add3A_61, %mul3A_62 : i32
      %add3A_64 = arith.addi %add3A, %mul3A_63 : i32
      "tpu.region"() ({
        %run_scoped3A_96 = tpu.sem_alloc : memref<!tpu.dma_semaphore, #tpu.memory_space<semaphore_mem>>
        %dma_start3A_97 = arith.constant 0 : i32
        %dma_start3A_98 = tpu.memref_slice %arg3[%add3A_64, %dma_start3A_97] : memref<2560x128xi32, #tpu.memory_space<hbm>> -> memref<40x128xi32, #tpu.memory_space<hbm>>
        %dma_start3A_99 = arith.constant 0 : i32
        %dma_start3A_100 = tpu.memref_slice %arg3[%add3A_64, %dma_start3A_99] : memref<2560x128xi32, #tpu.memory_space<hbm>> -> memref<40x128xi32, #tpu.memory_space<hbm>>
        tpu.enqueue_dma source(%dma_start3A_100 : memref<40x128xi32, #tpu.memory_space<hbm>>) target(%arg6 : memref<40x128xi32, #tpu.memory_space<vmem>>) target_semaphore(%run_scoped3A_96 : memref<!tpu.dma_semaphore, #tpu.memory_space<semaphore_mem>>)
        %dma_wait3A = arith.constant 0 : i32
        %dma_wait3A_101 = tpu.memref_slice %arg3[%add3A_64, %dma_wait3A] : memref<2560x128xi32, #tpu.memory_space<hbm>> -> memref<40x128xi32, #tpu.memory_space<hbm>>
        %dma_wait3A_102 = arith.constant 0 : i32
        %dma_wait3A_103 = tpu.memref_slice %arg3[%add3A_64, %dma_wait3A_102] : memref<2560x128xi32, #tpu.memory_space<hbm>> -> memref<40x128xi32, #tpu.memory_space<hbm>>
        tpu.wait_dma2 semaphore(%run_scoped3A_96 : memref<!tpu.dma_semaphore, #tpu.memory_space<semaphore_mem>>) src(%dma_wait3A_103 : memref<40x128xi32, #tpu.memory_space<hbm>>) dst(%arg6 : memref<40x128xi32, #tpu.memory_space<vmem>>)
        tpu.yield
      }) : () -> ()
      %mul3A_65 = arith.constant 40 : i32
      %mul3A_66 = arith.muli %add3A_61, %mul3A_65 : i32
      %add3A_67 = arith.addi %add3A, %mul3A_66 : i32
      "tpu.region"() ({
        %run_scoped3A_96 = tpu.sem_alloc : memref<!tpu.dma_semaphore, #tpu.memory_space<semaphore_mem>>
        %dma_start3A_97 = arith.constant 0 : i32
        %dma_start3A_98 = tpu.memref_slice %arg4[%add3A_67, %dma_start3A_97] : memref<2560x128xi32, #tpu.memory_space<hbm>> -> memref<40x128xi32, #tpu.memory_space<hbm>>
        %dma_start3A_99 = arith.constant 0 : i32
        %dma_start3A_100 = tpu.memref_slice %arg4[%add3A_67, %dma_start3A_99] : memref<2560x128xi32, #tpu.memory_space<hbm>> -> memref<40x128xi32, #tpu.memory_space<hbm>>
        tpu.enqueue_dma source(%dma_start3A_100 : memref<40x128xi32, #tpu.memory_space<hbm>>) target(%arg7 : memref<40x128xi32, #tpu.memory_space<vmem>>) target_semaphore(%run_scoped3A_96 : memref<!tpu.dma_semaphore, #tpu.memory_space<semaphore_mem>>)
        %dma_wait3A = arith.constant 0 : i32
        %dma_wait3A_101 = tpu.memref_slice %arg4[%add3A_67, %dma_wait3A] : memref<2560x128xi32, #tpu.memory_space<hbm>> -> memref<40x128xi32, #tpu.memory_space<hbm>>
        %dma_wait3A_102 = arith.constant 0 : i32
        %dma_wait3A_103 = tpu.memref_slice %arg4[%add3A_67, %dma_wait3A_102] : memref<2560x128xi32, #tpu.memory_space<hbm>> -> memref<40x128xi32, #tpu.memory_space<hbm>>
        tpu.wait_dma2 semaphore(%run_scoped3A_96 : memref<!tpu.dma_semaphore, #tpu.memory_space<semaphore_mem>>) src(%dma_wait3A_103 : memref<40x128xi32, #tpu.memory_space<hbm>>) dst(%arg7 : memref<40x128xi32, #tpu.memory_space<vmem>>)
        tpu.yield
      }) : () -> ()
      %dma_start3A = arith.constant 0 : i32
      %dma_start3A_68 = arith.constant 0 : i32
      %dma_start3A_69 = arith.constant 0 : i32
      %dma_start3A_70 = arith.constant 0 : i32
      %dma_start3A_71 = tpu.memref_slice %arg8[%dma_start3A_68, %dma_start3A_69, %dma_start3A_70] : memref<2x128x128xf32, #tpu.memory_space<vmem>> -> memref<1x128x128xf32, #tpu.memory_space<vmem>>
      %dma_start3A_72 = tpu.memref_squeeze %dma_start3A_71 : memref<1x128x128xf32, #tpu.memory_space<vmem>> -> memref<128x128xf32, #tpu.memory_space<vmem>>
      %dma_start3A_73 = arith.constant 0 : i32
      %dma_start3A_74 = tpu.memref_slice %arg6[%dma_start3A, %dma_start3A_73] : memref<40x128xi32, #tpu.memory_space<vmem>> -> memref<1x128xi32, #tpu.memory_space<vmem>>
      %dma_start3A_75 = tpu.memref_squeeze %dma_start3A_74 : memref<1x128xi32, #tpu.memory_space<vmem>> -> memref<128xi32, #tpu.memory_space<vmem>>
      %dma_start3A_76 = arith.constant 0 : i32
      %dma_start3A_77 = arith.constant 0 : i32
      %dma_start3A_78 = tpu.memref_slice %arg2[%dma_start3A_76, %dma_start3A_77] : memref<10000x128xf32, #tpu.memory_space<hbm>> -> memref<10000x128xf32, #tpu.memory_space<hbm>>
      tpu.enqueue_indirect_dma source(%dma_start3A_78 : memref<10000x128xf32, #tpu.memory_space<hbm>>) target(%dma_start3A_72 : memref<128x128xf32, #tpu.memory_space<vmem>>) offsets(%dma_start3A_75 : memref<128xi32, #tpu.memory_space<vmem>>) semaphore(%arg10 : memref<!tpu.dma_semaphore, #tpu.memory_space<semaphore_mem>>)
      %dma_start3A_79 = arith.constant 1 : i32
      %dma_start3A_80 = arith.constant 1 : i32
      %dma_start3A_81 = arith.constant 0 : i32
      %dma_start3A_82 = arith.constant 0 : i32
      %dma_start3A_83 = tpu.memref_slice %arg8[%dma_start3A_80, %dma_start3A_81, %dma_start3A_82] : memref<2x128x128xf32, #tpu.memory_space<vmem>> -> memref<1x128x128xf32, #tpu.memory_space<vmem>>
      %dma_start3A_84 = tpu.memref_squeeze %dma_start3A_83 : memref<1x128x128xf32, #tpu.memory_space<vmem>> -> memref<128x128xf32, #tpu.memory_space<vmem>>
      %dma_start3A_85 = arith.constant 0 : i32
      %dma_start3A_86 = tpu.memref_slice %arg6[%dma_start3A_79, %dma_start3A_85] : memref<40x128xi32, #tpu.memory_space<vmem>> -> memref<1x128xi32, #tpu.memory_space<vmem>>
      %dma_start3A_87 = tpu.memref_squeeze %dma_start3A_86 : memref<1x128xi32, #tpu.memory_space<vmem>> -> memref<128xi32, #tpu.memory_space<vmem>>
      %dma_start3A_88 = arith.constant 0 : i32
      %dma_start3A_89 = arith.constant 0 : i32
      %dma_start3A_90 = tpu.memref_slice %arg2[%dma_start3A_88, %dma_start3A_89] : memref<10000x128xf32, #tpu.memory_space<hbm>> -> memref<10000x128xf32, #tpu.memory_space<hbm>>
      tpu.enqueue_indirect_dma source(%dma_start3A_90 : memref<10000x128xf32, #tpu.memory_space<hbm>>) target(%dma_start3A_84 : memref<128x128xf32, #tpu.memory_space<vmem>>) offsets(%dma_start3A_87 : memref<128xi32, #tpu.memory_space<vmem>>) semaphore(%arg11 : memref<!tpu.dma_semaphore, #tpu.memory_space<semaphore_mem>>)
      %scan3A_91 = arith.constant 0 : i32
      %scan3A_92 = arith.constant 5 : i32
      %scan3A_93 = arith.addi %scan3A_91, %scan3A_92 : i32
      %scan3A_94 = arith.constant 1 : i32
      scf.for %scan3A_96 = %scan3A_91 to %scan3A_93 step %scan3A_94  : i32 {
        %mul3A_97 = arith.constant 1 : i32
        %mul3A_98 = arith.muli %scan3A_96, %mul3A_97 : i32
        %add3A_99 = arith.constant 0 : i32
        %add3A_100 = arith.addi %add3A_99, %mul3A_98 : i32
        %mul3A_101 = arith.constant 8 : i32
        %mul3A_102 = arith.muli %add3A_100, %mul3A_101 : i32
        %add3A_103 = arith.constant 0 : i32
        %add3A_104 = arith.addi %mul3A_102, %add3A_103 : i32
        %dma_wait3A = arith.constant 0 : i32
        %dma_wait3A_105 = arith.constant 0 : i32
        %dma_wait3A_106 = arith.constant 0 : i32
        %dma_wait3A_107 = arith.constant 0 : i32
        %dma_wait3A_108 = tpu.memref_slice %arg8[%dma_wait3A_105, %dma_wait3A_106, %dma_wait3A_107] : memref<2x128x128xf32, #tpu.memory_space<vmem>> -> memref<1x128x128xf32, #tpu.memory_space<vmem>>
        %dma_wait3A_109 = tpu.memref_squeeze %dma_wait3A_108 : memref<1x128x128xf32, #tpu.memory_space<vmem>> -> memref<128x128xf32, #tpu.memory_space<vmem>>
        %dma_wait3A_110 = arith.constant 0 : i32
        %dma_wait3A_111 = tpu.memref_slice %arg6[%dma_wait3A, %dma_wait3A_110] : memref<40x128xi32, #tpu.memory_space<vmem>> -> memref<1x128xi32, #tpu.memory_space<vmem>>
        %dma_wait3A_112 = tpu.memref_squeeze %dma_wait3A_111 : memref<1x128xi32, #tpu.memory_space<vmem>> -> memref<128xi32, #tpu.memory_space<vmem>>
        %dma_wait3A_113 = arith.constant 0 : i32
        %dma_wait3A_114 = arith.constant 0 : i32
        %dma_wait3A_115 = tpu.memref_slice %arg2[%dma_wait3A_113, %dma_wait3A_114] : memref<10000x128xf32, #tpu.memory_space<hbm>> -> memref<10000x128xf32, #tpu.memory_space<hbm>>
        tpu.wait_indirect_dma semaphore(%arg10 : memref<!tpu.dma_semaphore, #tpu.memory_space<semaphore_mem>>) src(%dma_wait3A_115 : memref<10000x128xf32, #tpu.memory_space<hbm>>) dst(%dma_wait3A_109 : memref<128x128xf32, #tpu.memory_space<vmem>>)
        %run_scoped3A_116 = arith.constant 0 : i32
        "tpu.region"() ({
          %run_scoped3A_289 = tpu.sem_alloc : memref<!tpu.dma_semaphore, #tpu.memory_space<semaphore_mem>>
          %dma_start3A_290 = arith.constant 0 : i32
          %dma_start3A_291 = arith.constant 0 : i32
          %dma_start3A_292 = tpu.memref_slice %arg8[%run_scoped3A_116, %dma_start3A_290, %dma_start3A_291] : memref<2x128x128xf32, #tpu.memory_space<vmem>> -> memref<1x128x128xf32, #tpu.memory_space<vmem>>
          %dma_start3A_293 = tpu.memref_squeeze %dma_start3A_292 : memref<1x128x128xf32, #tpu.memory_space<vmem>> -> memref<128x128xf32, #tpu.memory_space<vmem>>
          %dma_start3A_294 = arith.constant 0 : i32
          %dma_start3A_295 = tpu.memref_slice %arg7[%add3A_104, %dma_start3A_294] : memref<40x128xi32, #tpu.memory_space<vmem>> -> memref<1x128xi32, #tpu.memory_space<vmem>>
          %dma_start3A_296 = tpu.memref_squeeze %dma_start3A_295 : memref<1x128xi32, #tpu.memory_space<vmem>> -> memref<128xi32, #tpu.memory_space<vmem>>
          %dma_start3A_297 = arith.constant 0 : i32
          %dma_start3A_298 = arith.constant 0 : i32
          %dma_start3A_299 = tpu.memref_slice %arg9[%dma_start3A_297, %dma_start3A_298] : memref<10240x128xf32, #tpu.memory_space<vmem_shared>> -> memref<10240x128xf32, #tpu.memory_space<vmem_shared>>
          tpu.enqueue_indirect_dma source(%dma_start3A_293 : memref<128x128xf32, #tpu.memory_space<vmem>>) target(%dma_start3A_299 : memref<10240x128xf32, #tpu.memory_space<vmem_shared>>) offsets(%dma_start3A_296 : memref<128xi32, #tpu.memory_space<vmem>>) semaphore(%run_scoped3A_289 : memref<!tpu.dma_semaphore, #tpu.memory_space<semaphore_mem>>) {add = true}
          %dma_wait3A_300 = arith.constant 0 : i32
          %dma_wait3A_301 = arith.constant 0 : i32
          %dma_wait3A_302 = tpu.memref_slice %arg8[%run_scoped3A_116, %dma_wait3A_300, %dma_wait3A_301] : memref<2x128x128xf32, #tpu.memory_space<vmem>> -> memref<1x128x128xf32, #tpu.memory_space<vmem>>
          %dma_wait3A_303 = tpu.memref_squeeze %dma_wait3A_302 : memref<1x128x128xf32, #tpu.memory_space<vmem>> -> memref<128x128xf32, #tpu.memory_space<vmem>>
          %dma_wait3A_304 = arith.constant 0 : i32
          %dma_wait3A_305 = tpu.memref_slice %arg7[%add3A_104, %dma_wait3A_304] : memref<40x128xi32, #tpu.memory_space<vmem>> -> memref<1x128xi32, #tpu.memory_space<vmem>>
          %dma_wait3A_306 = tpu.memref_squeeze %dma_wait3A_305 : memref<1x128xi32, #tpu.memory_space<vmem>> -> memref<128xi32, #tpu.memory_space<vmem>>
          %dma_wait3A_307 = arith.constant 0 : i32
          %dma_wait3A_308 = arith.constant 0 : i32
          %dma_wait3A_309 = tpu.memref_slice %arg9[%dma_wait3A_307, %dma_wait3A_308] : memref<10240x128xf32, #tpu.memory_space<vmem_shared>> -> memref<10240x128xf32, #tpu.memory_space<vmem_shared>>
          tpu.wait_indirect_dma semaphore(%run_scoped3A_289 : memref<!tpu.dma_semaphore, #tpu.memory_space<semaphore_mem>>) src(%dma_wait3A_303 : memref<128x128xf32, #tpu.memory_space<vmem>>) dst(%dma_wait3A_309 : memref<10240x128xf32, #tpu.memory_space<vmem_shared>>)
          tpu.yield
        }) : () -> ()
        %add3A_117 = arith.constant 2 : i32
        %add3A_118 = arith.addi %add3A_104, %add3A_117 : i32
        %lt3A = arith.constant 40 : i32
        %lt3A_119 = arith.cmpi slt, %add3A_118, %lt3A : i32
        %convert_element_type3A = arith.extui %lt3A_119 : i1 to i32
        %cond3A = arith.constant 0 : i32
        %cond3A_120 = arith.cmpi ne, %convert_element_type3A, %cond3A : i32
        scf.if %cond3A_120 {
          %add3A_289 = arith.constant 2 : i32
          %add3A_290 = arith.addi %add3A_104, %add3A_289 : i32
          %dma_start3A_291 = arith.constant 0 : i32
          %dma_start3A_292 = arith.constant 0 : i32
          %dma_start3A_293 = arith.constant 0 : i32
          %dma_start3A_294 = tpu.memref_slice %arg8[%dma_start3A_291, %dma_start3A_292, %dma_start3A_293] : memref<2x128x128xf32, #tpu.memory_space<vmem>> -> memref<1x128x128xf32, #tpu.memory_space<vmem>>
          %dma_start3A_295 = tpu.memref_squeeze %dma_start3A_294 : memref<1x128x128xf32, #tpu.memory_space<vmem>> -> memref<128x128xf32, #tpu.memory_space<vmem>>
          %dma_start3A_296 = arith.constant 0 : i32
          %dma_start3A_297 = tpu.memref_slice %arg6[%add3A_290, %dma_start3A_296] : memref<40x128xi32, #tpu.memory_space<vmem>> -> memref<1x128xi32, #tpu.memory_space<vmem>>
          %dma_start3A_298 = tpu.memref_squeeze %dma_start3A_297 : memref<1x128xi32, #tpu.memory_space<vmem>> -> memref<128xi32, #tpu.memory_space<vmem>>
          %dma_start3A_299 = arith.constant 0 : i32
          %dma_start3A_300 = arith.constant 0 : i32
          %dma_start3A_301 = tpu.memref_slice %arg2[%dma_start3A_299, %dma_start3A_300] : memref<10000x128xf32, #tpu.memory_space<hbm>> -> memref<10000x128xf32, #tpu.memory_space<hbm>>
          tpu.enqueue_indirect_dma source(%dma_start3A_301 : memref<10000x128xf32, #tpu.memory_space<hbm>>) target(%dma_start3A_295 : memref<128x128xf32, #tpu.memory_space<vmem>>) offsets(%dma_start3A_298 : memref<128xi32, #tpu.memory_space<vmem>>) semaphore(%arg10 : memref<!tpu.dma_semaphore, #tpu.memory_space<semaphore_mem>>)
        } else {
        }
        %mul3A_121 = arith.constant 8 : i32
        %mul3A_122 = arith.muli %add3A_100, %mul3A_121 : i32
        %add3A_123 = arith.constant 1 : i32
        %add3A_124 = arith.addi %mul3A_122, %add3A_123 : i32
        %dma_wait3A_125 = arith.constant 0 : i32
        %dma_wait3A_126 = arith.constant 1 : i32
        %dma_wait3A_127 = arith.constant 0 : i32
        %dma_wait3A_128 = arith.constant 0 : i32
        %dma_wait3A_129 = tpu.memref_slice %arg8[%dma_wait3A_126, %dma_wait3A_127, %dma_wait3A_128] : memref<2x128x128xf32, #tpu.memory_space<vmem>> -> memref<1x128x128xf32, #tpu.memory_space<vmem>>
        %dma_wait3A_130 = tpu.memref_squeeze %dma_wait3A_129 : memref<1x128x128xf32, #tpu.memory_space<vmem>> -> memref<128x128xf32, #tpu.memory_space<vmem>>
        %dma_wait3A_131 = arith.constant 0 : i32
        %dma_wait3A_132 = tpu.memref_slice %arg6[%dma_wait3A_125, %dma_wait3A_131] : memref<40x128xi32, #tpu.memory_space<vmem>> -> memref<1x128xi32, #tpu.memory_space<vmem>>
        %dma_wait3A_133 = tpu.memref_squeeze %dma_wait3A_132 : memref<1x128xi32, #tpu.memory_space<vmem>> -> memref<128xi32, #tpu.memory_space<vmem>>
        %dma_wait3A_134 = arith.constant 0 : i32
        %dma_wait3A_135 = arith.constant 0 : i32
        %dma_wait3A_136 = tpu.memref_slice %arg2[%dma_wait3A_134, %dma_wait3A_135] : memref<10000x128xf32, #tpu.memory_space<hbm>> -> memref<10000x128xf32, #tpu.memory_space<hbm>>
        tpu.wait_indirect_dma semaphore(%arg11 : memref<!tpu.dma_semaphore, #tpu.memory_space<semaphore_mem>>) src(%dma_wait3A_136 : memref<10000x128xf32, #tpu.memory_space<hbm>>) dst(%dma_wait3A_130 : memref<128x128xf32, #tpu.memory_space<vmem>>)
        %run_scoped3A_137 = arith.constant 1 : i32
        "tpu.region"() ({
          %run_scoped3A_289 = tpu.sem_alloc : memref<!tpu.dma_semaphore, #tpu.memory_space<semaphore_mem>>
          %dma_start3A_290 = arith.constant 0 : i32
          %dma_start3A_291 = arith.constant 0 : i32
          %dma_start3A_292 = tpu.memref_slice %arg8[%run_scoped3A_137, %dma_start3A_290, %dma_start3A_291] : memref<2x128x128xf32, #tpu.memory_space<vmem>> -> memref<1x128x128xf32, #tpu.memory_space<vmem>>
          %dma_start3A_293 = tpu.memref_squeeze %dma_start3A_292 : memref<1x128x128xf32, #tpu.memory_space<vmem>> -> memref<128x128xf32, #tpu.memory_space<vmem>>
          %dma_start3A_294 = arith.constant 0 : i32
          %dma_start3A_295 = tpu.memref_slice %arg7[%add3A_124, %dma_start3A_294] : memref<40x128xi32, #tpu.memory_space<vmem>> -> memref<1x128xi32, #tpu.memory_space<vmem>>
          %dma_start3A_296 = tpu.memref_squeeze %dma_start3A_295 : memref<1x128xi32, #tpu.memory_space<vmem>> -> memref<128xi32, #tpu.memory_space<vmem>>
          %dma_start3A_297 = arith.constant 0 : i32
          %dma_start3A_298 = arith.constant 0 : i32
          %dma_start3A_299 = tpu.memref_slice %arg9[%dma_start3A_297, %dma_start3A_298] : memref<10240x128xf32, #tpu.memory_space<vmem_shared>> -> memref<10240x128xf32, #tpu.memory_space<vmem_shared>>
          tpu.enqueue_indirect_dma source(%dma_start3A_293 : memref<128x128xf32, #tpu.memory_space<vmem>>) target(%dma_start3A_299 : memref<10240x128xf32, #tpu.memory_space<vmem_shared>>) offsets(%dma_start3A_296 : memref<128xi32, #tpu.memory_space<vmem>>) semaphore(%run_scoped3A_289 : memref<!tpu.dma_semaphore, #tpu.memory_space<semaphore_mem>>) {add = true}
          %dma_wait3A_300 = arith.constant 0 : i32
          %dma_wait3A_301 = arith.constant 0 : i32
          %dma_wait3A_302 = tpu.memref_slice %arg8[%run_scoped3A_137, %dma_wait3A_300, %dma_wait3A_301] : memref<2x128x128xf32, #tpu.memory_space<vmem>> -> memref<1x128x128xf32, #tpu.memory_space<vmem>>
          %dma_wait3A_303 = tpu.memref_squeeze %dma_wait3A_302 : memref<1x128x128xf32, #tpu.memory_space<vmem>> -> memref<128x128xf32, #tpu.memory_space<vmem>>
          %dma_wait3A_304 = arith.constant 0 : i32
          %dma_wait3A_305 = tpu.memref_slice %arg7[%add3A_124, %dma_wait3A_304] : memref<40x128xi32, #tpu.memory_space<vmem>> -> memref<1x128xi32, #tpu.memory_space<vmem>>
          %dma_wait3A_306 = tpu.memref_squeeze %dma_wait3A_305 : memref<1x128xi32, #tpu.memory_space<vmem>> -> memref<128xi32, #tpu.memory_space<vmem>>
          %dma_wait3A_307 = arith.constant 0 : i32
          %dma_wait3A_308 = arith.constant 0 : i32
          %dma_wait3A_309 = tpu.memref_slice %arg9[%dma_wait3A_307, %dma_wait3A_308] : memref<10240x128xf32, #tpu.memory_space<vmem_shared>> -> memref<10240x128xf32, #tpu.memory_space<vmem_shared>>
          tpu.wait_indirect_dma semaphore(%run_scoped3A_289 : memref<!tpu.dma_semaphore, #tpu.memory_space<semaphore_mem>>) src(%dma_wait3A_303 : memref<128x128xf32, #tpu.memory_space<vmem>>) dst(%dma_wait3A_309 : memref<10240x128xf32, #tpu.memory_space<vmem_shared>>)
          tpu.yield
        }) : () -> ()
        %add3A_138 = arith.constant 2 : i32
        %add3A_139 = arith.addi %add3A_124, %add3A_138 : i32
        %lt3A_140 = arith.constant 40 : i32
        %lt3A_141 = arith.cmpi slt, %add3A_139, %lt3A_140 : i32
        %convert_element_type3A_142 = arith.extui %lt3A_141 : i1 to i32
        %cond3A_143 = arith.constant 0 : i32
        %cond3A_144 = arith.cmpi ne, %convert_element_type3A_142, %cond3A_143 : i32
        scf.if %cond3A_144 {
          %add3A_289 = arith.constant 2 : i32
          %add3A_290 = arith.addi %add3A_124, %add3A_289 : i32
          %dma_start3A_291 = arith.constant 1 : i32
          %dma_start3A_292 = arith.constant 0 : i32
          %dma_start3A_293 = arith.constant 0 : i32
          %dma_start3A_294 = tpu.memref_slice %arg8[%dma_start3A_291, %dma_start3A_292, %dma_start3A_293] : memref<2x128x128xf32, #tpu.memory_space<vmem>> -> memref<1x128x128xf32, #tpu.memory_space<vmem>>
          %dma_start3A_295 = tpu.memref_squeeze %dma_start3A_294 : memref<1x128x128xf32, #tpu.memory_space<vmem>> -> memref<128x128xf32, #tpu.memory_space<vmem>>
          %dma_start3A_296 = arith.constant 0 : i32
          %dma_start3A_297 = tpu.memref_slice %arg6[%add3A_290, %dma_start3A_296] : memref<40x128xi32, #tpu.memory_space<vmem>> -> memref<1x128xi32, #tpu.memory_space<vmem>>
          %dma_start3A_298 = tpu.memref_squeeze %dma_start3A_297 : memref<1x128xi32, #tpu.memory_space<vmem>> -> memref<128xi32, #tpu.memory_space<vmem>>
          %dma_start3A_299 = arith.constant 0 : i32
          %dma_start3A_300 = arith.constant 0 : i32
          %dma_start3A_301 = tpu.memref_slice %arg2[%dma_start3A_299, %dma_start3A_300] : memref<10000x128xf32, #tpu.memory_space<hbm>> -> memref<10000x128xf32, #tpu.memory_space<hbm>>
          tpu.enqueue_indirect_dma source(%dma_start3A_301 : memref<10000x128xf32, #tpu.memory_space<hbm>>) target(%dma_start3A_295 : memref<128x128xf32, #tpu.memory_space<vmem>>) offsets(%dma_start3A_298 : memref<128xi32, #tpu.memory_space<vmem>>) semaphore(%arg11 : memref<!tpu.dma_semaphore, #tpu.memory_space<semaphore_mem>>)
        } else {
        }
        %mul3A_145 = arith.constant 8 : i32
        %mul3A_146 = arith.muli %add3A_100, %mul3A_145 : i32
        %add3A_147 = arith.constant 2 : i32
        %add3A_148 = arith.addi %mul3A_146, %add3A_147 : i32
        %dma_wait3A_149 = arith.constant 0 : i32
        %dma_wait3A_150 = arith.constant 0 : i32
        %dma_wait3A_151 = arith.constant 0 : i32
        %dma_wait3A_152 = arith.constant 0 : i32
        %dma_wait3A_153 = tpu.memref_slice %arg8[%dma_wait3A_150, %dma_wait3A_151, %dma_wait3A_152] : memref<2x128x128xf32, #tpu.memory_space<vmem>> -> memref<1x128x128xf32, #tpu.memory_space<vmem>>
        %dma_wait3A_154 = tpu.memref_squeeze %dma_wait3A_153 : memref<1x128x128xf32, #tpu.memory_space<vmem>> -> memref<128x128xf32, #tpu.memory_space<vmem>>
        %dma_wait3A_155 = arith.constant 0 : i32
        %dma_wait3A_156 = tpu.memref_slice %arg6[%dma_wait3A_149, %dma_wait3A_155] : memref<40x128xi32, #tpu.memory_space<vmem>> -> memref<1x128xi32, #tpu.memory_space<vmem>>
        %dma_wait3A_157 = tpu.memref_squeeze %dma_wait3A_156 : memref<1x128xi32, #tpu.memory_space<vmem>> -> memref<128xi32, #tpu.memory_space<vmem>>
        %dma_wait3A_158 = arith.constant 0 : i32
        %dma_wait3A_159 = arith.constant 0 : i32
        %dma_wait3A_160 = tpu.memref_slice %arg2[%dma_wait3A_158, %dma_wait3A_159] : memref<10000x128xf32, #tpu.memory_space<hbm>> -> memref<10000x128xf32, #tpu.memory_space<hbm>>
        tpu.wait_indirect_dma semaphore(%arg10 : memref<!tpu.dma_semaphore, #tpu.memory_space<semaphore_mem>>) src(%dma_wait3A_160 : memref<10000x128xf32, #tpu.memory_space<hbm>>) dst(%dma_wait3A_154 : memref<128x128xf32, #tpu.memory_space<vmem>>)
        %run_scoped3A_161 = arith.constant 0 : i32
        "tpu.region"() ({
          %run_scoped3A_289 = tpu.sem_alloc : memref<!tpu.dma_semaphore, #tpu.memory_space<semaphore_mem>>
          %dma_start3A_290 = arith.constant 0 : i32
          %dma_start3A_291 = arith.constant 0 : i32
          %dma_start3A_292 = tpu.memref_slice %arg8[%run_scoped3A_161, %dma_start3A_290, %dma_start3A_291] : memref<2x128x128xf32, #tpu.memory_space<vmem>> -> memref<1x128x128xf32, #tpu.memory_space<vmem>>
          %dma_start3A_293 = tpu.memref_squeeze %dma_start3A_292 : memref<1x128x128xf32, #tpu.memory_space<vmem>> -> memref<128x128xf32, #tpu.memory_space<vmem>>
          %dma_start3A_294 = arith.constant 0 : i32
          %dma_start3A_295 = tpu.memref_slice %arg7[%add3A_148, %dma_start3A_294] : memref<40x128xi32, #tpu.memory_space<vmem>> -> memref<1x128xi32, #tpu.memory_space<vmem>>
          %dma_start3A_296 = tpu.memref_squeeze %dma_start3A_295 : memref<1x128xi32, #tpu.memory_space<vmem>> -> memref<128xi32, #tpu.memory_space<vmem>>
          %dma_start3A_297 = arith.constant 0 : i32
          %dma_start3A_298 = arith.constant 0 : i32
          %dma_start3A_299 = tpu.memref_slice %arg9[%dma_start3A_297, %dma_start3A_298] : memref<10240x128xf32, #tpu.memory_space<vmem_shared>> -> memref<10240x128xf32, #tpu.memory_space<vmem_shared>>
          tpu.enqueue_indirect_dma source(%dma_start3A_293 : memref<128x128xf32, #tpu.memory_space<vmem>>) target(%dma_start3A_299 : memref<10240x128xf32, #tpu.memory_space<vmem_shared>>) offsets(%dma_start3A_296 : memref<128xi32, #tpu.memory_space<vmem>>) semaphore(%run_scoped3A_289 : memref<!tpu.dma_semaphore, #tpu.memory_space<semaphore_mem>>) {add = true}
          %dma_wait3A_300 = arith.constant 0 : i32
          %dma_wait3A_301 = arith.constant 0 : i32
          %dma_wait3A_302 = tpu.memref_slice %arg8[%run_scoped3A_161, %dma_wait3A_300, %dma_wait3A_301] : memref<2x128x128xf32, #tpu.memory_space<vmem>> -> memref<1x128x128xf32, #tpu.memory_space<vmem>>
          %dma_wait3A_303 = tpu.memref_squeeze %dma_wait3A_302 : memref<1x128x128xf32, #tpu.memory_space<vmem>> -> memref<128x128xf32, #tpu.memory_space<vmem>>
          %dma_wait3A_304 = arith.constant 0 : i32
          %dma_wait3A_305 = tpu.memref_slice %arg7[%add3A_148, %dma_wait3A_304] : memref<40x128xi32, #tpu.memory_space<vmem>> -> memref<1x128xi32, #tpu.memory_space<vmem>>
          %dma_wait3A_306 = tpu.memref_squeeze %dma_wait3A_305 : memref<1x128xi32, #tpu.memory_space<vmem>> -> memref<128xi32, #tpu.memory_space<vmem>>
          %dma_wait3A_307 = arith.constant 0 : i32
          %dma_wait3A_308 = arith.constant 0 : i32
          %dma_wait3A_309 = tpu.memref_slice %arg9[%dma_wait3A_307, %dma_wait3A_308] : memref<10240x128xf32, #tpu.memory_space<vmem_shared>> -> memref<10240x128xf32, #tpu.memory_space<vmem_shared>>
          tpu.wait_indirect_dma semaphore(%run_scoped3A_289 : memref<!tpu.dma_semaphore, #tpu.memory_space<semaphore_mem>>) src(%dma_wait3A_303 : memref<128x128xf32, #tpu.memory_space<vmem>>) dst(%dma_wait3A_309 : memref<10240x128xf32, #tpu.memory_space<vmem_shared>>)
          tpu.yield
        }) : () -> ()
        %add3A_162 = arith.constant 2 : i32
        %add3A_163 = arith.addi %add3A_148, %add3A_162 : i32
        %lt3A_164 = arith.constant 40 : i32
        %lt3A_165 = arith.cmpi slt, %add3A_163, %lt3A_164 : i32
        %convert_element_type3A_166 = arith.extui %lt3A_165 : i1 to i32
        %cond3A_167 = arith.constant 0 : i32
        %cond3A_168 = arith.cmpi ne, %convert_element_type3A_166, %cond3A_167 : i32
        scf.if %cond3A_168 {
          %add3A_289 = arith.constant 2 : i32
          %add3A_290 = arith.addi %add3A_148, %add3A_289 : i32
          %dma_start3A_291 = arith.constant 0 : i32
          %dma_start3A_292 = arith.constant 0 : i32
          %dma_start3A_293 = arith.constant 0 : i32
          %dma_start3A_294 = tpu.memref_slice %arg8[%dma_start3A_291, %dma_start3A_292, %dma_start3A_293] : memref<2x128x128xf32, #tpu.memory_space<vmem>> -> memref<1x128x128xf32, #tpu.memory_space<vmem>>
          %dma_start3A_295 = tpu.memref_squeeze %dma_start3A_294 : memref<1x128x128xf32, #tpu.memory_space<vmem>> -> memref<128x128xf32, #tpu.memory_space<vmem>>
          %dma_start3A_296 = arith.constant 0 : i32
          %dma_start3A_297 = tpu.memref_slice %arg6[%add3A_290, %dma_start3A_296] : memref<40x128xi32, #tpu.memory_space<vmem>> -> memref<1x128xi32, #tpu.memory_space<vmem>>
          %dma_start3A_298 = tpu.memref_squeeze %dma_start3A_297 : memref<1x128xi32, #tpu.memory_space<vmem>> -> memref<128xi32, #tpu.memory_space<vmem>>
          %dma_start3A_299 = arith.constant 0 : i32
          %dma_start3A_300 = arith.constant 0 : i32
          %dma_start3A_301 = tpu.memref_slice %arg2[%dma_start3A_299, %dma_start3A_300] : memref<10000x128xf32, #tpu.memory_space<hbm>> -> memref<10000x128xf32, #tpu.memory_space<hbm>>
          tpu.enqueue_indirect_dma source(%dma_start3A_301 : memref<10000x128xf32, #tpu.memory_space<hbm>>) target(%dma_start3A_295 : memref<128x128xf32, #tpu.memory_space<vmem>>) offsets(%dma_start3A_298 : memref<128xi32, #tpu.memory_space<vmem>>) semaphore(%arg10 : memref<!tpu.dma_semaphore, #tpu.memory_space<semaphore_mem>>)
        } else {
        }
        %mul3A_169 = arith.constant 8 : i32
        %mul3A_170 = arith.muli %add3A_100, %mul3A_169 : i32
        %add3A_171 = arith.constant 3 : i32
        %add3A_172 = arith.addi %mul3A_170, %add3A_171 : i32
        %dma_wait3A_173 = arith.constant 0 : i32
        %dma_wait3A_174 = arith.constant 1 : i32
        %dma_wait3A_175 = arith.constant 0 : i32
        %dma_wait3A_176 = arith.constant 0 : i32
        %dma_wait3A_177 = tpu.memref_slice %arg8[%dma_wait3A_174, %dma_wait3A_175, %dma_wait3A_176] : memref<2x128x128xf32, #tpu.memory_space<vmem>> -> memref<1x128x128xf32, #tpu.memory_space<vmem>>
        %dma_wait3A_178 = tpu.memref_squeeze %dma_wait3A_177 : memref<1x128x128xf32, #tpu.memory_space<vmem>> -> memref<128x128xf32, #tpu.memory_space<vmem>>
        %dma_wait3A_179 = arith.constant 0 : i32
        %dma_wait3A_180 = tpu.memref_slice %arg6[%dma_wait3A_173, %dma_wait3A_179] : memref<40x128xi32, #tpu.memory_space<vmem>> -> memref<1x128xi32, #tpu.memory_space<vmem>>
        %dma_wait3A_181 = tpu.memref_squeeze %dma_wait3A_180 : memref<1x128xi32, #tpu.memory_space<vmem>> -> memref<128xi32, #tpu.memory_space<vmem>>
        %dma_wait3A_182 = arith.constant 0 : i32
        %dma_wait3A_183 = arith.constant 0 : i32
        %dma_wait3A_184 = tpu.memref_slice %arg2[%dma_wait3A_182, %dma_wait3A_183] : memref<10000x128xf32, #tpu.memory_space<hbm>> -> memref<10000x128xf32, #tpu.memory_space<hbm>>
        tpu.wait_indirect_dma semaphore(%arg11 : memref<!tpu.dma_semaphore, #tpu.memory_space<semaphore_mem>>) src(%dma_wait3A_184 : memref<10000x128xf32, #tpu.memory_space<hbm>>) dst(%dma_wait3A_178 : memref<128x128xf32, #tpu.memory_space<vmem>>)
        %run_scoped3A_185 = arith.constant 1 : i32
        "tpu.region"() ({
          %run_scoped3A_289 = tpu.sem_alloc : memref<!tpu.dma_semaphore, #tpu.memory_space<semaphore_mem>>
          %dma_start3A_290 = arith.constant 0 : i32
          %dma_start3A_291 = arith.constant 0 : i32
          %dma_start3A_292 = tpu.memref_slice %arg8[%run_scoped3A_185, %dma_start3A_290, %dma_start3A_291] : memref<2x128x128xf32, #tpu.memory_space<vmem>> -> memref<1x128x128xf32, #tpu.memory_space<vmem>>
          %dma_start3A_293 = tpu.memref_squeeze %dma_start3A_292 : memref<1x128x128xf32, #tpu.memory_space<vmem>> -> memref<128x128xf32, #tpu.memory_space<vmem>>
          %dma_start3A_294 = arith.constant 0 : i32
          %dma_start3A_295 = tpu.memref_slice %arg7[%add3A_172, %dma_start3A_294] : memref<40x128xi32, #tpu.memory_space<vmem>> -> memref<1x128xi32, #tpu.memory_space<vmem>>
          %dma_start3A_296 = tpu.memref_squeeze %dma_start3A_295 : memref<1x128xi32, #tpu.memory_space<vmem>> -> memref<128xi32, #tpu.memory_space<vmem>>
          %dma_start3A_297 = arith.constant 0 : i32
          %dma_start3A_298 = arith.constant 0 : i32
          %dma_start3A_299 = tpu.memref_slice %arg9[%dma_start3A_297, %dma_start3A_298] : memref<10240x128xf32, #tpu.memory_space<vmem_shared>> -> memref<10240x128xf32, #tpu.memory_space<vmem_shared>>
          tpu.enqueue_indirect_dma source(%dma_start3A_293 : memref<128x128xf32, #tpu.memory_space<vmem>>) target(%dma_start3A_299 : memref<10240x128xf32, #tpu.memory_space<vmem_shared>>) offsets(%dma_start3A_296 : memref<128xi32, #tpu.memory_space<vmem>>) semaphore(%run_scoped3A_289 : memref<!tpu.dma_semaphore, #tpu.memory_space<semaphore_mem>>) {add = true}
          %dma_wait3A_300 = arith.constant 0 : i32
          %dma_wait3A_301 = arith.constant 0 : i32
          %dma_wait3A_302 = tpu.memref_slice %arg8[%run_scoped3A_185, %dma_wait3A_300, %dma_wait3A_301] : memref<2x128x128xf32, #tpu.memory_space<vmem>> -> memref<1x128x128xf32, #tpu.memory_space<vmem>>
          %dma_wait3A_303 = tpu.memref_squeeze %dma_wait3A_302 : memref<1x128x128xf32, #tpu.memory_space<vmem>> -> memref<128x128xf32, #tpu.memory_space<vmem>>
          %dma_wait3A_304 = arith.constant 0 : i32
          %dma_wait3A_305 = tpu.memref_slice %arg7[%add3A_172, %dma_wait3A_304] : memref<40x128xi32, #tpu.memory_space<vmem>> -> memref<1x128xi32, #tpu.memory_space<vmem>>
          %dma_wait3A_306 = tpu.memref_squeeze %dma_wait3A_305 : memref<1x128xi32, #tpu.memory_space<vmem>> -> memref<128xi32, #tpu.memory_space<vmem>>
          %dma_wait3A_307 = arith.constant 0 : i32
          %dma_wait3A_308 = arith.constant 0 : i32
          %dma_wait3A_309 = tpu.memref_slice %arg9[%dma_wait3A_307, %dma_wait3A_308] : memref<10240x128xf32, #tpu.memory_space<vmem_shared>> -> memref<10240x128xf32, #tpu.memory_space<vmem_shared>>
          tpu.wait_indirect_dma semaphore(%run_scoped3A_289 : memref<!tpu.dma_semaphore, #tpu.memory_space<semaphore_mem>>) src(%dma_wait3A_303 : memref<128x128xf32, #tpu.memory_space<vmem>>) dst(%dma_wait3A_309 : memref<10240x128xf32, #tpu.memory_space<vmem_shared>>)
          tpu.yield
        }) : () -> ()
        %add3A_186 = arith.constant 2 : i32
        %add3A_187 = arith.addi %add3A_172, %add3A_186 : i32
        %lt3A_188 = arith.constant 40 : i32
        %lt3A_189 = arith.cmpi slt, %add3A_187, %lt3A_188 : i32
        %convert_element_type3A_190 = arith.extui %lt3A_189 : i1 to i32
        %cond3A_191 = arith.constant 0 : i32
        %cond3A_192 = arith.cmpi ne, %convert_element_type3A_190, %cond3A_191 : i32
        scf.if %cond3A_192 {
          %add3A_289 = arith.constant 2 : i32
          %add3A_290 = arith.addi %add3A_172, %add3A_289 : i32
          %dma_start3A_291 = arith.constant 1 : i32
          %dma_start3A_292 = arith.constant 0 : i32
          %dma_start3A_293 = arith.constant 0 : i32
          %dma_start3A_294 = tpu.memref_slice %arg8[%dma_start3A_291, %dma_start3A_292, %dma_start3A_293] : memref<2x128x128xf32, #tpu.memory_space<vmem>> -> memref<1x128x128xf32, #tpu.memory_space<vmem>>
          %dma_start3A_295 = tpu.memref_squeeze %dma_start3A_294 : memref<1x128x128xf32, #tpu.memory_space<vmem>> -> memref<128x128xf32, #tpu.memory_space<vmem>>
          %dma_start3A_296 = arith.constant 0 : i32
          %dma_start3A_297 = tpu.memref_slice %arg6[%add3A_290, %dma_start3A_296] : memref<40x128xi32, #tpu.memory_space<vmem>> -> memref<1x128xi32, #tpu.memory_space<vmem>>
          %dma_start3A_298 = tpu.memref_squeeze %dma_start3A_297 : memref<1x128xi32, #tpu.memory_space<vmem>> -> memref<128xi32, #tpu.memory_space<vmem>>
          %dma_start3A_299 = arith.constant 0 : i32
          %dma_start3A_300 = arith.constant 0 : i32
          %dma_start3A_301 = tpu.memref_slice %arg2[%dma_start3A_299, %dma_start3A_300] : memref<10000x128xf32, #tpu.memory_space<hbm>> -> memref<10000x128xf32, #tpu.memory_space<hbm>>
          tpu.enqueue_indirect_dma source(%dma_start3A_301 : memref<10000x128xf32, #tpu.memory_space<hbm>>) target(%dma_start3A_295 : memref<128x128xf32, #tpu.memory_space<vmem>>) offsets(%dma_start3A_298 : memref<128xi32, #tpu.memory_space<vmem>>) semaphore(%arg11 : memref<!tpu.dma_semaphore, #tpu.memory_space<semaphore_mem>>)
        } else {
        }
        %mul3A_193 = arith.constant 8 : i32
        %mul3A_194 = arith.muli %add3A_100, %mul3A_193 : i32
        %add3A_195 = arith.constant 4 : i32
        %add3A_196 = arith.addi %mul3A_194, %add3A_195 : i32
        %dma_wait3A_197 = arith.constant 0 : i32
        %dma_wait3A_198 = arith.constant 0 : i32
        %dma_wait3A_199 = arith.constant 0 : i32
        %dma_wait3A_200 = arith.constant 0 : i32
        %dma_wait3A_201 = tpu.memref_slice %arg8[%dma_wait3A_198, %dma_wait3A_199, %dma_wait3A_200] : memref<2x128x128xf32, #tpu.memory_space<vmem>> -> memref<1x128x128xf32, #tpu.memory_space<vmem>>
        %dma_wait3A_202 = tpu.memref_squeeze %dma_wait3A_201 : memref<1x128x128xf32, #tpu.memory_space<vmem>> -> memref<128x128xf32, #tpu.memory_space<vmem>>
        %dma_wait3A_203 = arith.constant 0 : i32
        %dma_wait3A_204 = tpu.memref_slice %arg6[%dma_wait3A_197, %dma_wait3A_203] : memref<40x128xi32, #tpu.memory_space<vmem>> -> memref<1x128xi32, #tpu.memory_space<vmem>>
        %dma_wait3A_205 = tpu.memref_squeeze %dma_wait3A_204 : memref<1x128xi32, #tpu.memory_space<vmem>> -> memref<128xi32, #tpu.memory_space<vmem>>
        %dma_wait3A_206 = arith.constant 0 : i32
        %dma_wait3A_207 = arith.constant 0 : i32
        %dma_wait3A_208 = tpu.memref_slice %arg2[%dma_wait3A_206, %dma_wait3A_207] : memref<10000x128xf32, #tpu.memory_space<hbm>> -> memref<10000x128xf32, #tpu.memory_space<hbm>>
        tpu.wait_indirect_dma semaphore(%arg10 : memref<!tpu.dma_semaphore, #tpu.memory_space<semaphore_mem>>) src(%dma_wait3A_208 : memref<10000x128xf32, #tpu.memory_space<hbm>>) dst(%dma_wait3A_202 : memref<128x128xf32, #tpu.memory_space<vmem>>)
        %run_scoped3A_209 = arith.constant 0 : i32
        "tpu.region"() ({
          %run_scoped3A_289 = tpu.sem_alloc : memref<!tpu.dma_semaphore, #tpu.memory_space<semaphore_mem>>
          %dma_start3A_290 = arith.constant 0 : i32
          %dma_start3A_291 = arith.constant 0 : i32
          %dma_start3A_292 = tpu.memref_slice %arg8[%run_scoped3A_209, %dma_start3A_290, %dma_start3A_291] : memref<2x128x128xf32, #tpu.memory_space<vmem>> -> memref<1x128x128xf32, #tpu.memory_space<vmem>>
          %dma_start3A_293 = tpu.memref_squeeze %dma_start3A_292 : memref<1x128x128xf32, #tpu.memory_space<vmem>> -> memref<128x128xf32, #tpu.memory_space<vmem>>
          %dma_start3A_294 = arith.constant 0 : i32
          %dma_start3A_295 = tpu.memref_slice %arg7[%add3A_196, %dma_start3A_294] : memref<40x128xi32, #tpu.memory_space<vmem>> -> memref<1x128xi32, #tpu.memory_space<vmem>>
          %dma_start3A_296 = tpu.memref_squeeze %dma_start3A_295 : memref<1x128xi32, #tpu.memory_space<vmem>> -> memref<128xi32, #tpu.memory_space<vmem>>
          %dma_start3A_297 = arith.constant 0 : i32
          %dma_start3A_298 = arith.constant 0 : i32
          %dma_start3A_299 = tpu.memref_slice %arg9[%dma_start3A_297, %dma_start3A_298] : memref<10240x128xf32, #tpu.memory_space<vmem_shared>> -> memref<10240x128xf32, #tpu.memory_space<vmem_shared>>
          tpu.enqueue_indirect_dma source(%dma_start3A_293 : memref<128x128xf32, #tpu.memory_space<vmem>>) target(%dma_start3A_299 : memref<10240x128xf32, #tpu.memory_space<vmem_shared>>) offsets(%dma_start3A_296 : memref<128xi32, #tpu.memory_space<vmem>>) semaphore(%run_scoped3A_289 : memref<!tpu.dma_semaphore, #tpu.memory_space<semaphore_mem>>) {add = true}
          %dma_wait3A_300 = arith.constant 0 : i32
          %dma_wait3A_301 = arith.constant 0 : i32
          %dma_wait3A_302 = tpu.memref_slice %arg8[%run_scoped3A_209, %dma_wait3A_300, %dma_wait3A_301] : memref<2x128x128xf32, #tpu.memory_space<vmem>> -> memref<1x128x128xf32, #tpu.memory_space<vmem>>
          %dma_wait3A_303 = tpu.memref_squeeze %dma_wait3A_302 : memref<1x128x128xf32, #tpu.memory_space<vmem>> -> memref<128x128xf32, #tpu.memory_space<vmem>>
          %dma_wait3A_304 = arith.constant 0 : i32
          %dma_wait3A_305 = tpu.memref_slice %arg7[%add3A_196, %dma_wait3A_304] : memref<40x128xi32, #tpu.memory_space<vmem>> -> memref<1x128xi32, #tpu.memory_space<vmem>>
          %dma_wait3A_306 = tpu.memref_squeeze %dma_wait3A_305 : memref<1x128xi32, #tpu.memory_space<vmem>> -> memref<128xi32, #tpu.memory_space<vmem>>
          %dma_wait3A_307 = arith.constant 0 : i32
          %dma_wait3A_308 = arith.constant 0 : i32
          %dma_wait3A_309 = tpu.memref_slice %arg9[%dma_wait3A_307, %dma_wait3A_308] : memref<10240x128xf32, #tpu.memory_space<vmem_shared>> -> memref<10240x128xf32, #tpu.memory_space<vmem_shared>>
          tpu.wait_indirect_dma semaphore(%run_scoped3A_289 : memref<!tpu.dma_semaphore, #tpu.memory_space<semaphore_mem>>) src(%dma_wait3A_303 : memref<128x128xf32, #tpu.memory_space<vmem>>) dst(%dma_wait3A_309 : memref<10240x128xf32, #tpu.memory_space<vmem_shared>>)
          tpu.yield
        }) : () -> ()
        %add3A_210 = arith.constant 2 : i32
        %add3A_211 = arith.addi %add3A_196, %add3A_210 : i32
        %lt3A_212 = arith.constant 40 : i32
        %lt3A_213 = arith.cmpi slt, %add3A_211, %lt3A_212 : i32
        %convert_element_type3A_214 = arith.extui %lt3A_213 : i1 to i32
        %cond3A_215 = arith.constant 0 : i32
        %cond3A_216 = arith.cmpi ne, %convert_element_type3A_214, %cond3A_215 : i32
        scf.if %cond3A_216 {
          %add3A_289 = arith.constant 2 : i32
          %add3A_290 = arith.addi %add3A_196, %add3A_289 : i32
          %dma_start3A_291 = arith.constant 0 : i32
          %dma_start3A_292 = arith.constant 0 : i32
          %dma_start3A_293 = arith.constant 0 : i32
          %dma_start3A_294 = tpu.memref_slice %arg8[%dma_start3A_291, %dma_start3A_292, %dma_start3A_293] : memref<2x128x128xf32, #tpu.memory_space<vmem>> -> memref<1x128x128xf32, #tpu.memory_space<vmem>>
          %dma_start3A_295 = tpu.memref_squeeze %dma_start3A_294 : memref<1x128x128xf32, #tpu.memory_space<vmem>> -> memref<128x128xf32, #tpu.memory_space<vmem>>
          %dma_start3A_296 = arith.constant 0 : i32
          %dma_start3A_297 = tpu.memref_slice %arg6[%add3A_290, %dma_start3A_296] : memref<40x128xi32, #tpu.memory_space<vmem>> -> memref<1x128xi32, #tpu.memory_space<vmem>>
          %dma_start3A_298 = tpu.memref_squeeze %dma_start3A_297 : memref<1x128xi32, #tpu.memory_space<vmem>> -> memref<128xi32, #tpu.memory_space<vmem>>
          %dma_start3A_299 = arith.constant 0 : i32
          %dma_start3A_300 = arith.constant 0 : i32
          %dma_start3A_301 = tpu.memref_slice %arg2[%dma_start3A_299, %dma_start3A_300] : memref<10000x128xf32, #tpu.memory_space<hbm>> -> memref<10000x128xf32, #tpu.memory_space<hbm>>
          tpu.enqueue_indirect_dma source(%dma_start3A_301 : memref<10000x128xf32, #tpu.memory_space<hbm>>) target(%dma_start3A_295 : memref<128x128xf32, #tpu.memory_space<vmem>>) offsets(%dma_start3A_298 : memref<128xi32, #tpu.memory_space<vmem>>) semaphore(%arg10 : memref<!tpu.dma_semaphore, #tpu.memory_space<semaphore_mem>>)
        } else {
        }
        %mul3A_217 = arith.constant 8 : i32
        %mul3A_218 = arith.muli %add3A_100, %mul3A_217 : i32
        %add3A_219 = arith.constant 5 : i32
        %add3A_220 = arith.addi %mul3A_218, %add3A_219 : i32
        %dma_wait3A_221 = arith.constant 0 : i32
        %dma_wait3A_222 = arith.constant 1 : i32
        %dma_wait3A_223 = arith.constant 0 : i32
        %dma_wait3A_224 = arith.constant 0 : i32
        %dma_wait3A_225 = tpu.memref_slice %arg8[%dma_wait3A_222, %dma_wait3A_223, %dma_wait3A_224] : memref<2x128x128xf32, #tpu.memory_space<vmem>> -> memref<1x128x128xf32, #tpu.memory_space<vmem>>
        %dma_wait3A_226 = tpu.memref_squeeze %dma_wait3A_225 : memref<1x128x128xf32, #tpu.memory_space<vmem>> -> memref<128x128xf32, #tpu.memory_space<vmem>>
        %dma_wait3A_227 = arith.constant 0 : i32
        %dma_wait3A_228 = tpu.memref_slice %arg6[%dma_wait3A_221, %dma_wait3A_227] : memref<40x128xi32, #tpu.memory_space<vmem>> -> memref<1x128xi32, #tpu.memory_space<vmem>>
        %dma_wait3A_229 = tpu.memref_squeeze %dma_wait3A_228 : memref<1x128xi32, #tpu.memory_space<vmem>> -> memref<128xi32, #tpu.memory_space<vmem>>
        %dma_wait3A_230 = arith.constant 0 : i32
        %dma_wait3A_231 = arith.constant 0 : i32
        %dma_wait3A_232 = tpu.memref_slice %arg2[%dma_wait3A_230, %dma_wait3A_231] : memref<10000x128xf32, #tpu.memory_space<hbm>> -> memref<10000x128xf32, #tpu.memory_space<hbm>>
        tpu.wait_indirect_dma semaphore(%arg11 : memref<!tpu.dma_semaphore, #tpu.memory_space<semaphore_mem>>) src(%dma_wait3A_232 : memref<10000x128xf32, #tpu.memory_space<hbm>>) dst(%dma_wait3A_226 : memref<128x128xf32, #tpu.memory_space<vmem>>)
        %run_scoped3A_233 = arith.constant 1 : i32
        "tpu.region"() ({
          %run_scoped3A_289 = tpu.sem_alloc : memref<!tpu.dma_semaphore, #tpu.memory_space<semaphore_mem>>
          %dma_start3A_290 = arith.constant 0 : i32
          %dma_start3A_291 = arith.constant 0 : i32
          %dma_start3A_292 = tpu.memref_slice %arg8[%run_scoped3A_233, %dma_start3A_290, %dma_start3A_291] : memref<2x128x128xf32, #tpu.memory_space<vmem>> -> memref<1x128x128xf32, #tpu.memory_space<vmem>>
          %dma_start3A_293 = tpu.memref_squeeze %dma_start3A_292 : memref<1x128x128xf32, #tpu.memory_space<vmem>> -> memref<128x128xf32, #tpu.memory_space<vmem>>
          %dma_start3A_294 = arith.constant 0 : i32
          %dma_start3A_295 = tpu.memref_slice %arg7[%add3A_220, %dma_start3A_294] : memref<40x128xi32, #tpu.memory_space<vmem>> -> memref<1x128xi32, #tpu.memory_space<vmem>>
          %dma_start3A_296 = tpu.memref_squeeze %dma_start3A_295 : memref<1x128xi32, #tpu.memory_space<vmem>> -> memref<128xi32, #tpu.memory_space<vmem>>
          %dma_start3A_297 = arith.constant 0 : i32
          %dma_start3A_298 = arith.constant 0 : i32
          %dma_start3A_299 = tpu.memref_slice %arg9[%dma_start3A_297, %dma_start3A_298] : memref<10240x128xf32, #tpu.memory_space<vmem_shared>> -> memref<10240x128xf32, #tpu.memory_space<vmem_shared>>
          tpu.enqueue_indirect_dma source(%dma_start3A_293 : memref<128x128xf32, #tpu.memory_space<vmem>>) target(%dma_start3A_299 : memref<10240x128xf32, #tpu.memory_space<vmem_shared>>) offsets(%dma_start3A_296 : memref<128xi32, #tpu.memory_space<vmem>>) semaphore(%run_scoped3A_289 : memref<!tpu.dma_semaphore, #tpu.memory_space<semaphore_mem>>) {add = true}
          %dma_wait3A_300 = arith.constant 0 : i32
          %dma_wait3A_301 = arith.constant 0 : i32
          %dma_wait3A_302 = tpu.memref_slice %arg8[%run_scoped3A_233, %dma_wait3A_300, %dma_wait3A_301] : memref<2x128x128xf32, #tpu.memory_space<vmem>> -> memref<1x128x128xf32, #tpu.memory_space<vmem>>
          %dma_wait3A_303 = tpu.memref_squeeze %dma_wait3A_302 : memref<1x128x128xf32, #tpu.memory_space<vmem>> -> memref<128x128xf32, #tpu.memory_space<vmem>>
          %dma_wait3A_304 = arith.constant 0 : i32
          %dma_wait3A_305 = tpu.memref_slice %arg7[%add3A_220, %dma_wait3A_304] : memref<40x128xi32, #tpu.memory_space<vmem>> -> memref<1x128xi32, #tpu.memory_space<vmem>>
          %dma_wait3A_306 = tpu.memref_squeeze %dma_wait3A_305 : memref<1x128xi32, #tpu.memory_space<vmem>> -> memref<128xi32, #tpu.memory_space<vmem>>
          %dma_wait3A_307 = arith.constant 0 : i32
          %dma_wait3A_308 = arith.constant 0 : i32
          %dma_wait3A_309 = tpu.memref_slice %arg9[%dma_wait3A_307, %dma_wait3A_308] : memref<10240x128xf32, #tpu.memory_space<vmem_shared>> -> memref<10240x128xf32, #tpu.memory_space<vmem_shared>>
          tpu.wait_indirect_dma semaphore(%run_scoped3A_289 : memref<!tpu.dma_semaphore, #tpu.memory_space<semaphore_mem>>) src(%dma_wait3A_303 : memref<128x128xf32, #tpu.memory_space<vmem>>) dst(%dma_wait3A_309 : memref<10240x128xf32, #tpu.memory_space<vmem_shared>>)
          tpu.yield
        }) : () -> ()
        %add3A_234 = arith.constant 2 : i32
        %add3A_235 = arith.addi %add3A_220, %add3A_234 : i32
        %lt3A_236 = arith.constant 40 : i32
        %lt3A_237 = arith.cmpi slt, %add3A_235, %lt3A_236 : i32
        %convert_element_type3A_238 = arith.extui %lt3A_237 : i1 to i32
        %cond3A_239 = arith.constant 0 : i32
        %cond3A_240 = arith.cmpi ne, %convert_element_type3A_238, %cond3A_239 : i32
        scf.if %cond3A_240 {
          %add3A_289 = arith.constant 2 : i32
          %add3A_290 = arith.addi %add3A_220, %add3A_289 : i32
          %dma_start3A_291 = arith.constant 1 : i32
          %dma_start3A_292 = arith.constant 0 : i32
          %dma_start3A_293 = arith.constant 0 : i32
          %dma_start3A_294 = tpu.memref_slice %arg8[%dma_start3A_291, %dma_start3A_292, %dma_start3A_293] : memref<2x128x128xf32, #tpu.memory_space<vmem>> -> memref<1x128x128xf32, #tpu.memory_space<vmem>>
          %dma_start3A_295 = tpu.memref_squeeze %dma_start3A_294 : memref<1x128x128xf32, #tpu.memory_space<vmem>> -> memref<128x128xf32, #tpu.memory_space<vmem>>
          %dma_start3A_296 = arith.constant 0 : i32
          %dma_start3A_297 = tpu.memref_slice %arg6[%add3A_290, %dma_start3A_296] : memref<40x128xi32, #tpu.memory_space<vmem>> -> memref<1x128xi32, #tpu.memory_space<vmem>>
          %dma_start3A_298 = tpu.memref_squeeze %dma_start3A_297 : memref<1x128xi32, #tpu.memory_space<vmem>> -> memref<128xi32, #tpu.memory_space<vmem>>
          %dma_start3A_299 = arith.constant 0 : i32
          %dma_start3A_300 = arith.constant 0 : i32
          %dma_start3A_301 = tpu.memref_slice %arg2[%dma_start3A_299, %dma_start3A_300] : memref<10000x128xf32, #tpu.memory_space<hbm>> -> memref<10000x128xf32, #tpu.memory_space<hbm>>
          tpu.enqueue_indirect_dma source(%dma_start3A_301 : memref<10000x128xf32, #tpu.memory_space<hbm>>) target(%dma_start3A_295 : memref<128x128xf32, #tpu.memory_space<vmem>>) offsets(%dma_start3A_298 : memref<128xi32, #tpu.memory_space<vmem>>) semaphore(%arg11 : memref<!tpu.dma_semaphore, #tpu.memory_space<semaphore_mem>>)
        } else {
        }
        %mul3A_241 = arith.constant 8 : i32
        %mul3A_242 = arith.muli %add3A_100, %mul3A_241 : i32
        %add3A_243 = arith.constant 6 : i32
        %add3A_244 = arith.addi %mul3A_242, %add3A_243 : i32
        %dma_wait3A_245 = arith.constant 0 : i32
        %dma_wait3A_246 = arith.constant 0 : i32
        %dma_wait3A_247 = arith.constant 0 : i32
        %dma_wait3A_248 = arith.constant 0 : i32
        %dma_wait3A_249 = tpu.memref_slice %arg8[%dma_wait3A_246, %dma_wait3A_247, %dma_wait3A_248] : memref<2x128x128xf32, #tpu.memory_space<vmem>> -> memref<1x128x128xf32, #tpu.memory_space<vmem>>
        %dma_wait3A_250 = tpu.memref_squeeze %dma_wait3A_249 : memref<1x128x128xf32, #tpu.memory_space<vmem>> -> memref<128x128xf32, #tpu.memory_space<vmem>>
        %dma_wait3A_251 = arith.constant 0 : i32
        %dma_wait3A_252 = tpu.memref_slice %arg6[%dma_wait3A_245, %dma_wait3A_251] : memref<40x128xi32, #tpu.memory_space<vmem>> -> memref<1x128xi32, #tpu.memory_space<vmem>>
        %dma_wait3A_253 = tpu.memref_squeeze %dma_wait3A_252 : memref<1x128xi32, #tpu.memory_space<vmem>> -> memref<128xi32, #tpu.memory_space<vmem>>
        %dma_wait3A_254 = arith.constant 0 : i32
        %dma_wait3A_255 = arith.constant 0 : i32
        %dma_wait3A_256 = tpu.memref_slice %arg2[%dma_wait3A_254, %dma_wait3A_255] : memref<10000x128xf32, #tpu.memory_space<hbm>> -> memref<10000x128xf32, #tpu.memory_space<hbm>>
        tpu.wait_indirect_dma semaphore(%arg10 : memref<!tpu.dma_semaphore, #tpu.memory_space<semaphore_mem>>) src(%dma_wait3A_256 : memref<10000x128xf32, #tpu.memory_space<hbm>>) dst(%dma_wait3A_250 : memref<128x128xf32, #tpu.memory_space<vmem>>)
        %run_scoped3A_257 = arith.constant 0 : i32
        "tpu.region"() ({
          %run_scoped3A_289 = tpu.sem_alloc : memref<!tpu.dma_semaphore, #tpu.memory_space<semaphore_mem>>
          %dma_start3A_290 = arith.constant 0 : i32
          %dma_start3A_291 = arith.constant 0 : i32
          %dma_start3A_292 = tpu.memref_slice %arg8[%run_scoped3A_257, %dma_start3A_290, %dma_start3A_291] : memref<2x128x128xf32, #tpu.memory_space<vmem>> -> memref<1x128x128xf32, #tpu.memory_space<vmem>>
          %dma_start3A_293 = tpu.memref_squeeze %dma_start3A_292 : memref<1x128x128xf32, #tpu.memory_space<vmem>> -> memref<128x128xf32, #tpu.memory_space<vmem>>
          %dma_start3A_294 = arith.constant 0 : i32
          %dma_start3A_295 = tpu.memref_slice %arg7[%add3A_244, %dma_start3A_294] : memref<40x128xi32, #tpu.memory_space<vmem>> -> memref<1x128xi32, #tpu.memory_space<vmem>>
          %dma_start3A_296 = tpu.memref_squeeze %dma_start3A_295 : memref<1x128xi32, #tpu.memory_space<vmem>> -> memref<128xi32, #tpu.memory_space<vmem>>
          %dma_start3A_297 = arith.constant 0 : i32
          %dma_start3A_298 = arith.constant 0 : i32
          %dma_start3A_299 = tpu.memref_slice %arg9[%dma_start3A_297, %dma_start3A_298] : memref<10240x128xf32, #tpu.memory_space<vmem_shared>> -> memref<10240x128xf32, #tpu.memory_space<vmem_shared>>
          tpu.enqueue_indirect_dma source(%dma_start3A_293 : memref<128x128xf32, #tpu.memory_space<vmem>>) target(%dma_start3A_299 : memref<10240x128xf32, #tpu.memory_space<vmem_shared>>) offsets(%dma_start3A_296 : memref<128xi32, #tpu.memory_space<vmem>>) semaphore(%run_scoped3A_289 : memref<!tpu.dma_semaphore, #tpu.memory_space<semaphore_mem>>) {add = true}
          %dma_wait3A_300 = arith.constant 0 : i32
          %dma_wait3A_301 = arith.constant 0 : i32
          %dma_wait3A_302 = tpu.memref_slice %arg8[%run_scoped3A_257, %dma_wait3A_300, %dma_wait3A_301] : memref<2x128x128xf32, #tpu.memory_space<vmem>> -> memref<1x128x128xf32, #tpu.memory_space<vmem>>
          %dma_wait3A_303 = tpu.memref_squeeze %dma_wait3A_302 : memref<1x128x128xf32, #tpu.memory_space<vmem>> -> memref<128x128xf32, #tpu.memory_space<vmem>>
          %dma_wait3A_304 = arith.constant 0 : i32
          %dma_wait3A_305 = tpu.memref_slice %arg7[%add3A_244, %dma_wait3A_304] : memref<40x128xi32, #tpu.memory_space<vmem>> -> memref<1x128xi32, #tpu.memory_space<vmem>>
          %dma_wait3A_306 = tpu.memref_squeeze %dma_wait3A_305 : memref<1x128xi32, #tpu.memory_space<vmem>> -> memref<128xi32, #tpu.memory_space<vmem>>
          %dma_wait3A_307 = arith.constant 0 : i32
          %dma_wait3A_308 = arith.constant 0 : i32
          %dma_wait3A_309 = tpu.memref_slice %arg9[%dma_wait3A_307, %dma_wait3A_308] : memref<10240x128xf32, #tpu.memory_space<vmem_shared>> -> memref<10240x128xf32, #tpu.memory_space<vmem_shared>>
          tpu.wait_indirect_dma semaphore(%run_scoped3A_289 : memref<!tpu.dma_semaphore, #tpu.memory_space<semaphore_mem>>) src(%dma_wait3A_303 : memref<128x128xf32, #tpu.memory_space<vmem>>) dst(%dma_wait3A_309 : memref<10240x128xf32, #tpu.memory_space<vmem_shared>>)
          tpu.yield
        }) : () -> ()
        %add3A_258 = arith.constant 2 : i32
        %add3A_259 = arith.addi %add3A_244, %add3A_258 : i32
        %lt3A_260 = arith.constant 40 : i32
        %lt3A_261 = arith.cmpi slt, %add3A_259, %lt3A_260 : i32
        %convert_element_type3A_262 = arith.extui %lt3A_261 : i1 to i32
        %cond3A_263 = arith.constant 0 : i32
        %cond3A_264 = arith.cmpi ne, %convert_element_type3A_262, %cond3A_263 : i32
        scf.if %cond3A_264 {
          %add3A_289 = arith.constant 2 : i32
          %add3A_290 = arith.addi %add3A_244, %add3A_289 : i32
          %dma_start3A_291 = arith.constant 0 : i32
          %dma_start3A_292 = arith.constant 0 : i32
          %dma_start3A_293 = arith.constant 0 : i32
          %dma_start3A_294 = tpu.memref_slice %arg8[%dma_start3A_291, %dma_start3A_292, %dma_start3A_293] : memref<2x128x128xf32, #tpu.memory_space<vmem>> -> memref<1x128x128xf32, #tpu.memory_space<vmem>>
          %dma_start3A_295 = tpu.memref_squeeze %dma_start3A_294 : memref<1x128x128xf32, #tpu.memory_space<vmem>> -> memref<128x128xf32, #tpu.memory_space<vmem>>
          %dma_start3A_296 = arith.constant 0 : i32
          %dma_start3A_297 = tpu.memref_slice %arg6[%add3A_290, %dma_start3A_296] : memref<40x128xi32, #tpu.memory_space<vmem>> -> memref<1x128xi32, #tpu.memory_space<vmem>>
          %dma_start3A_298 = tpu.memref_squeeze %dma_start3A_297 : memref<1x128xi32, #tpu.memory_space<vmem>> -> memref<128xi32, #tpu.memory_space<vmem>>
          %dma_start3A_299 = arith.constant 0 : i32
          %dma_start3A_300 = arith.constant 0 : i32
          %dma_start3A_301 = tpu.memref_slice %arg2[%dma_start3A_299, %dma_start3A_300] : memref<10000x128xf32, #tpu.memory_space<hbm>> -> memref<10000x128xf32, #tpu.memory_space<hbm>>
          tpu.enqueue_indirect_dma source(%dma_start3A_301 : memref<10000x128xf32, #tpu.memory_space<hbm>>) target(%dma_start3A_295 : memref<128x128xf32, #tpu.memory_space<vmem>>) offsets(%dma_start3A_298 : memref<128xi32, #tpu.memory_space<vmem>>) semaphore(%arg10 : memref<!tpu.dma_semaphore, #tpu.memory_space<semaphore_mem>>)
        } else {
        }
        %mul3A_265 = arith.constant 8 : i32
        %mul3A_266 = arith.muli %add3A_100, %mul3A_265 : i32
        %add3A_267 = arith.constant 7 : i32
        %add3A_268 = arith.addi %mul3A_266, %add3A_267 : i32
        %dma_wait3A_269 = arith.constant 0 : i32
        %dma_wait3A_270 = arith.constant 1 : i32
        %dma_wait3A_271 = arith.constant 0 : i32
        %dma_wait3A_272 = arith.constant 0 : i32
        %dma_wait3A_273 = tpu.memref_slice %arg8[%dma_wait3A_270, %dma_wait3A_271, %dma_wait3A_272] : memref<2x128x128xf32, #tpu.memory_space<vmem>> -> memref<1x128x128xf32, #tpu.memory_space<vmem>>
        %dma_wait3A_274 = tpu.memref_squeeze %dma_wait3A_273 : memref<1x128x128xf32, #tpu.memory_space<vmem>> -> memref<128x128xf32, #tpu.memory_space<vmem>>
        %dma_wait3A_275 = arith.constant 0 : i32
        %dma_wait3A_276 = tpu.memref_slice %arg6[%dma_wait3A_269, %dma_wait3A_275] : memref<40x128xi32, #tpu.memory_space<vmem>> -> memref<1x128xi32, #tpu.memory_space<vmem>>
        %dma_wait3A_277 = tpu.memref_squeeze %dma_wait3A_276 : memref<1x128xi32, #tpu.memory_space<vmem>> -> memref<128xi32, #tpu.memory_space<vmem>>
        %dma_wait3A_278 = arith.constant 0 : i32
        %dma_wait3A_279 = arith.constant 0 : i32
        %dma_wait3A_280 = tpu.memref_slice %arg2[%dma_wait3A_278, %dma_wait3A_279] : memref<10000x128xf32, #tpu.memory_space<hbm>> -> memref<10000x128xf32, #tpu.memory_space<hbm>>
        tpu.wait_indirect_dma semaphore(%arg11 : memref<!tpu.dma_semaphore, #tpu.memory_space<semaphore_mem>>) src(%dma_wait3A_280 : memref<10000x128xf32, #tpu.memory_space<hbm>>) dst(%dma_wait3A_274 : memref<128x128xf32, #tpu.memory_space<vmem>>)
        %run_scoped3A_281 = arith.constant 1 : i32
        "tpu.region"() ({
          %run_scoped3A_289 = tpu.sem_alloc : memref<!tpu.dma_semaphore, #tpu.memory_space<semaphore_mem>>
          %dma_start3A_290 = arith.constant 0 : i32
          %dma_start3A_291 = arith.constant 0 : i32
          %dma_start3A_292 = tpu.memref_slice %arg8[%run_scoped3A_281, %dma_start3A_290, %dma_start3A_291] : memref<2x128x128xf32, #tpu.memory_space<vmem>> -> memref<1x128x128xf32, #tpu.memory_space<vmem>>
          %dma_start3A_293 = tpu.memref_squeeze %dma_start3A_292 : memref<1x128x128xf32, #tpu.memory_space<vmem>> -> memref<128x128xf32, #tpu.memory_space<vmem>>
          %dma_start3A_294 = arith.constant 0 : i32
          %dma_start3A_295 = tpu.memref_slice %arg7[%add3A_268, %dma_start3A_294] : memref<40x128xi32, #tpu.memory_space<vmem>> -> memref<1x128xi32, #tpu.memory_space<vmem>>
          %dma_start3A_296 = tpu.memref_squeeze %dma_start3A_295 : memref<1x128xi32, #tpu.memory_space<vmem>> -> memref<128xi32, #tpu.memory_space<vmem>>
          %dma_start3A_297 = arith.constant 0 : i32
          %dma_start3A_298 = arith.constant 0 : i32
          %dma_start3A_299 = tpu.memref_slice %arg9[%dma_start3A_297, %dma_start3A_298] : memref<10240x128xf32, #tpu.memory_space<vmem_shared>> -> memref<10240x128xf32, #tpu.memory_space<vmem_shared>>
          tpu.enqueue_indirect_dma source(%dma_start3A_293 : memref<128x128xf32, #tpu.memory_space<vmem>>) target(%dma_start3A_299 : memref<10240x128xf32, #tpu.memory_space<vmem_shared>>) offsets(%dma_start3A_296 : memref<128xi32, #tpu.memory_space<vmem>>) semaphore(%run_scoped3A_289 : memref<!tpu.dma_semaphore, #tpu.memory_space<semaphore_mem>>) {add = true}
          %dma_wait3A_300 = arith.constant 0 : i32
          %dma_wait3A_301 = arith.constant 0 : i32
          %dma_wait3A_302 = tpu.memref_slice %arg8[%run_scoped3A_281, %dma_wait3A_300, %dma_wait3A_301] : memref<2x128x128xf32, #tpu.memory_space<vmem>> -> memref<1x128x128xf32, #tpu.memory_space<vmem>>
          %dma_wait3A_303 = tpu.memref_squeeze %dma_wait3A_302 : memref<1x128x128xf32, #tpu.memory_space<vmem>> -> memref<128x128xf32, #tpu.memory_space<vmem>>
          %dma_wait3A_304 = arith.constant 0 : i32
          %dma_wait3A_305 = tpu.memref_slice %arg7[%add3A_268, %dma_wait3A_304] : memref<40x128xi32, #tpu.memory_space<vmem>> -> memref<1x128xi32, #tpu.memory_space<vmem>>
          %dma_wait3A_306 = tpu.memref_squeeze %dma_wait3A_305 : memref<1x128xi32, #tpu.memory_space<vmem>> -> memref<128xi32, #tpu.memory_space<vmem>>
          %dma_wait3A_307 = arith.constant 0 : i32
          %dma_wait3A_308 = arith.constant 0 : i32
          %dma_wait3A_309 = tpu.memref_slice %arg9[%dma_wait3A_307, %dma_wait3A_308] : memref<10240x128xf32, #tpu.memory_space<vmem_shared>> -> memref<10240x128xf32, #tpu.memory_space<vmem_shared>>
          tpu.wait_indirect_dma semaphore(%run_scoped3A_289 : memref<!tpu.dma_semaphore, #tpu.memory_space<semaphore_mem>>) src(%dma_wait3A_303 : memref<128x128xf32, #tpu.memory_space<vmem>>) dst(%dma_wait3A_309 : memref<10240x128xf32, #tpu.memory_space<vmem_shared>>)
          tpu.yield
        }) : () -> ()
        %add3A_282 = arith.constant 2 : i32
        %add3A_283 = arith.addi %add3A_268, %add3A_282 : i32
        %lt3A_284 = arith.constant 40 : i32
        %lt3A_285 = arith.cmpi slt, %add3A_283, %lt3A_284 : i32
        %convert_element_type3A_286 = arith.extui %lt3A_285 : i1 to i32
        %cond3A_287 = arith.constant 0 : i32
        %cond3A_288 = arith.cmpi ne, %convert_element_type3A_286, %cond3A_287 : i32
        scf.if %cond3A_288 {
          %add3A_289 = arith.constant 2 : i32
          %add3A_290 = arith.addi %add3A_268, %add3A_289 : i32
          %dma_start3A_291 = arith.constant 1 : i32
          %dma_start3A_292 = arith.constant 0 : i32
          %dma_start3A_293 = arith.constant 0 : i32
          %dma_start3A_294 = tpu.memref_slice %arg8[%dma_start3A_291, %dma_start3A_292, %dma_start3A_293] : memref<2x128x128xf32, #tpu.memory_space<vmem>> -> memref<1x128x128xf32, #tpu.memory_space<vmem>>
          %dma_start3A_295 = tpu.memref_squeeze %dma_start3A_294 : memref<1x128x128xf32, #tpu.memory_space<vmem>> -> memref<128x128xf32, #tpu.memory_space<vmem>>
          %dma_start3A_296 = arith.constant 0 : i32
          %dma_start3A_297 = tpu.memref_slice %arg6[%add3A_290, %dma_start3A_296] : memref<40x128xi32, #tpu.memory_space<vmem>> -> memref<1x128xi32, #tpu.memory_space<vmem>>
          %dma_start3A_298 = tpu.memref_squeeze %dma_start3A_297 : memref<1x128xi32, #tpu.memory_space<vmem>> -> memref<128xi32, #tpu.memory_space<vmem>>
          %dma_start3A_299 = arith.constant 0 : i32
          %dma_start3A_300 = arith.constant 0 : i32
          %dma_start3A_301 = tpu.memref_slice %arg2[%dma_start3A_299, %dma_start3A_300] : memref<10000x128xf32, #tpu.memory_space<hbm>> -> memref<10000x128xf32, #tpu.memory_space<hbm>>
          tpu.enqueue_indirect_dma source(%dma_start3A_301 : memref<10000x128xf32, #tpu.memory_space<hbm>>) target(%dma_start3A_295 : memref<128x128xf32, #tpu.memory_space<vmem>>) offsets(%dma_start3A_298 : memref<128xi32, #tpu.memory_space<vmem>>) semaphore(%arg11 : memref<!tpu.dma_semaphore, #tpu.memory_space<semaphore_mem>>)
        } else {
        }
      }
      %scan3A_95 = arith.constant 5 : i32
    }
    %scan3A_35 = arith.constant 2 : i32
    %barrier3A_36 = arith.constant 0 : index
    tpu.barrier barrier_id(%barrier3A_36)
    %mul3A_37 = arith.constant 640 : i32
    %mul3A_38 = arith.muli %arg1, %mul3A_37 : i32
    %add3A_39 = arith.constant 0 : i32
    %add3A_40 = arith.addi %mul3A_38, %add3A_39 : i32
    "tpu.region"() ({
      %run_scoped3A_57 = tpu.sem_alloc : memref<!tpu.dma_semaphore, #tpu.memory_space<semaphore_mem>>
      %dma_start3A = arith.constant 0 : i32
      %dma_start3A_58 = tpu.memref_slice %arg5[%arg0, %add3A_40, %dma_start3A] : memref<2x10240x128xf32, #tpu.memory_space<hbm>> -> memref<1x128x128xf32, #tpu.memory_space<hbm>>
      %dma_start3A_59 = tpu.memref_squeeze %dma_start3A_58 : memref<1x128x128xf32, #tpu.memory_space<hbm>> -> memref<128x128xf32, #tpu.memory_space<hbm>>
      %dma_start3A_60 = arith.constant 0 : i32
      %dma_start3A_61 = tpu.memref_slice %arg9[%add3A_40, %dma_start3A_60] : memref<10240x128xf32, #tpu.memory_space<vmem_shared>> -> memref<128x128xf32, #tpu.memory_space<vmem_shared>>
      tpu.enqueue_dma source(%dma_start3A_61 : memref<128x128xf32, #tpu.memory_space<vmem_shared>>) target(%dma_start3A_59 : memref<128x128xf32, #tpu.memory_space<hbm>>) target_semaphore(%run_scoped3A_57 : memref<!tpu.dma_semaphore, #tpu.memory_space<semaphore_mem>>)
      %dma_wait3A = arith.constant 0 : i32
      %dma_wait3A_62 = tpu.memref_slice %arg5[%arg0, %add3A_40, %dma_wait3A] : memref<2x10240x128xf32, #tpu.memory_space<hbm>> -> memref<1x128x128xf32, #tpu.memory_space<hbm>>
      %dma_wait3A_63 = tpu.memref_squeeze %dma_wait3A_62 : memref<1x128x128xf32, #tpu.memory_space<hbm>> -> memref<128x128xf32, #tpu.memory_space<hbm>>
      %dma_wait3A_64 = arith.constant 0 : i32
      %dma_wait3A_65 = tpu.memref_slice %arg9[%add3A_40, %dma_wait3A_64] : memref<10240x128xf32, #tpu.memory_space<vmem_shared>> -> memref<128x128xf32, #tpu.memory_space<vmem_shared>>
      tpu.wait_dma2 semaphore(%run_scoped3A_57 : memref<!tpu.dma_semaphore, #tpu.memory_space<semaphore_mem>>) src(%dma_wait3A_65 : memref<128x128xf32, #tpu.memory_space<vmem_shared>>) dst(%dma_wait3A_63 : memref<128x128xf32, #tpu.memory_space<hbm>>)
      tpu.yield
    }) : () -> ()
    %mul3A_41 = arith.constant 640 : i32
    %mul3A_42 = arith.muli %arg1, %mul3A_41 : i32
    %add3A_43 = arith.constant 128 : i32
    %add3A_44 = arith.addi %mul3A_42, %add3A_43 : i32
    "tpu.region"() ({
      %run_scoped3A_57 = tpu.sem_alloc : memref<!tpu.dma_semaphore, #tpu.memory_space<semaphore_mem>>
      %dma_start3A = arith.constant 0 : i32
      %dma_start3A_58 = tpu.memref_slice %arg5[%arg0, %add3A_44, %dma_start3A] : memref<2x10240x128xf32, #tpu.memory_space<hbm>> -> memref<1x128x128xf32, #tpu.memory_space<hbm>>
      %dma_start3A_59 = tpu.memref_squeeze %dma_start3A_58 : memref<1x128x128xf32, #tpu.memory_space<hbm>> -> memref<128x128xf32, #tpu.memory_space<hbm>>
      %dma_start3A_60 = arith.constant 0 : i32
      %dma_start3A_61 = tpu.memref_slice %arg9[%add3A_44, %dma_start3A_60] : memref<10240x128xf32, #tpu.memory_space<vmem_shared>> -> memref<128x128xf32, #tpu.memory_space<vmem_shared>>
      tpu.enqueue_dma source(%dma_start3A_61 : memref<128x128xf32, #tpu.memory_space<vmem_shared>>) target(%dma_start3A_59 : memref<128x128xf32, #tpu.memory_space<hbm>>) target_semaphore(%run_scoped3A_57 : memref<!tpu.dma_semaphore, #tpu.memory_space<semaphore_mem>>)
      %dma_wait3A = arith.constant 0 : i32
      %dma_wait3A_62 = tpu.memref_slice %arg5[%arg0, %add3A_44, %dma_wait3A] : memref<2x10240x128xf32, #tpu.memory_space<hbm>> -> memref<1x128x128xf32, #tpu.memory_space<hbm>>
      %dma_wait3A_63 = tpu.memref_squeeze %dma_wait3A_62 : memref<1x128x128xf32, #tpu.memory_space<hbm>> -> memref<128x128xf32, #tpu.memory_space<hbm>>
      %dma_wait3A_64 = arith.constant 0 : i32
      %dma_wait3A_65 = tpu.memref_slice %arg9[%add3A_44, %dma_wait3A_64] : memref<10240x128xf32, #tpu.memory_space<vmem_shared>> -> memref<128x128xf32, #tpu.memory_space<vmem_shared>>
      tpu.wait_dma2 semaphore(%run_scoped3A_57 : memref<!tpu.dma_semaphore, #tpu.memory_space<semaphore_mem>>) src(%dma_wait3A_65 : memref<128x128xf32, #tpu.memory_space<vmem_shared>>) dst(%dma_wait3A_63 : memref<128x128xf32, #tpu.memory_space<hbm>>)
      tpu.yield
    }) : () -> ()
    %mul3A_45 = arith.constant 640 : i32
    %mul3A_46 = arith.muli %arg1, %mul3A_45 : i32
    %add3A_47 = arith.constant 256 : i32
    %add3A_48 = arith.addi %mul3A_46, %add3A_47 : i32
    "tpu.region"() ({
      %run_scoped3A_57 = tpu.sem_alloc : memref<!tpu.dma_semaphore, #tpu.memory_space<semaphore_mem>>
      %dma_start3A = arith.constant 0 : i32
      %dma_start3A_58 = tpu.memref_slice %arg5[%arg0, %add3A_48, %dma_start3A] : memref<2x10240x128xf32, #tpu.memory_space<hbm>> -> memref<1x128x128xf32, #tpu.memory_space<hbm>>
      %dma_start3A_59 = tpu.memref_squeeze %dma_start3A_58 : memref<1x128x128xf32, #tpu.memory_space<hbm>> -> memref<128x128xf32, #tpu.memory_space<hbm>>
      %dma_start3A_60 = arith.constant 0 : i32
      %dma_start3A_61 = tpu.memref_slice %arg9[%add3A_48, %dma_start3A_60] : memref<10240x128xf32, #tpu.memory_space<vmem_shared>> -> memref<128x128xf32, #tpu.memory_space<vmem_shared>>
      tpu.enqueue_dma source(%dma_start3A_61 : memref<128x128xf32, #tpu.memory_space<vmem_shared>>) target(%dma_start3A_59 : memref<128x128xf32, #tpu.memory_space<hbm>>) target_semaphore(%run_scoped3A_57 : memref<!tpu.dma_semaphore, #tpu.memory_space<semaphore_mem>>)
      %dma_wait3A = arith.constant 0 : i32
      %dma_wait3A_62 = tpu.memref_slice %arg5[%arg0, %add3A_48, %dma_wait3A] : memref<2x10240x128xf32, #tpu.memory_space<hbm>> -> memref<1x128x128xf32, #tpu.memory_space<hbm>>
      %dma_wait3A_63 = tpu.memref_squeeze %dma_wait3A_62 : memref<1x128x128xf32, #tpu.memory_space<hbm>> -> memref<128x128xf32, #tpu.memory_space<hbm>>
      %dma_wait3A_64 = arith.constant 0 : i32
      %dma_wait3A_65 = tpu.memref_slice %arg9[%add3A_48, %dma_wait3A_64] : memref<10240x128xf32, #tpu.memory_space<vmem_shared>> -> memref<128x128xf32, #tpu.memory_space<vmem_shared>>
      tpu.wait_dma2 semaphore(%run_scoped3A_57 : memref<!tpu.dma_semaphore, #tpu.memory_space<semaphore_mem>>) src(%dma_wait3A_65 : memref<128x128xf32, #tpu.memory_space<vmem_shared>>) dst(%dma_wait3A_63 : memref<128x128xf32, #tpu.memory_space<hbm>>)
      tpu.yield
    }) : () -> ()
    %mul3A_49 = arith.constant 640 : i32
    %mul3A_50 = arith.muli %arg1, %mul3A_49 : i32
    %add3A_51 = arith.constant 384 : i32
    %add3A_52 = arith.addi %mul3A_50, %add3A_51 : i32
    "tpu.region"() ({
      %run_scoped3A_57 = tpu.sem_alloc : memref<!tpu.dma_semaphore, #tpu.memory_space<semaphore_mem>>
      %dma_start3A = arith.constant 0 : i32
      %dma_start3A_58 = tpu.memref_slice %arg5[%arg0, %add3A_52, %dma_start3A] : memref<2x10240x128xf32, #tpu.memory_space<hbm>> -> memref<1x128x128xf32, #tpu.memory_space<hbm>>
      %dma_start3A_59 = tpu.memref_squeeze %dma_start3A_58 : memref<1x128x128xf32, #tpu.memory_space<hbm>> -> memref<128x128xf32, #tpu.memory_space<hbm>>
      %dma_start3A_60 = arith.constant 0 : i32
      %dma_start3A_61 = tpu.memref_slice %arg9[%add3A_52, %dma_start3A_60] : memref<10240x128xf32, #tpu.memory_space<vmem_shared>> -> memref<128x128xf32, #tpu.memory_space<vmem_shared>>
      tpu.enqueue_dma source(%dma_start3A_61 : memref<128x128xf32, #tpu.memory_space<vmem_shared>>) target(%dma_start3A_59 : memref<128x128xf32, #tpu.memory_space<hbm>>) target_semaphore(%run_scoped3A_57 : memref<!tpu.dma_semaphore, #tpu.memory_space<semaphore_mem>>)
      %dma_wait3A = arith.constant 0 : i32
      %dma_wait3A_62 = tpu.memref_slice %arg5[%arg0, %add3A_52, %dma_wait3A] : memref<2x10240x128xf32, #tpu.memory_space<hbm>> -> memref<1x128x128xf32, #tpu.memory_space<hbm>>
      %dma_wait3A_63 = tpu.memref_squeeze %dma_wait3A_62 : memref<1x128x128xf32, #tpu.memory_space<hbm>> -> memref<128x128xf32, #tpu.memory_space<hbm>>
      %dma_wait3A_64 = arith.constant 0 : i32
      %dma_wait3A_65 = tpu.memref_slice %arg9[%add3A_52, %dma_wait3A_64] : memref<10240x128xf32, #tpu.memory_space<vmem_shared>> -> memref<128x128xf32, #tpu.memory_space<vmem_shared>>
      tpu.wait_dma2 semaphore(%run_scoped3A_57 : memref<!tpu.dma_semaphore, #tpu.memory_space<semaphore_mem>>) src(%dma_wait3A_65 : memref<128x128xf32, #tpu.memory_space<vmem_shared>>) dst(%dma_wait3A_63 : memref<128x128xf32, #tpu.memory_space<hbm>>)
      tpu.yield
    }) : () -> ()
    %mul3A_53 = arith.constant 640 : i32
    %mul3A_54 = arith.muli %arg1, %mul3A_53 : i32
    %add3A_55 = arith.constant 512 : i32
    %add3A_56 = arith.addi %mul3A_54, %add3A_55 : i32
    "tpu.region"() ({
      %run_scoped3A_57 = tpu.sem_alloc : memref<!tpu.dma_semaphore, #tpu.memory_space<semaphore_mem>>
      %dma_start3A = arith.constant 0 : i32
      %dma_start3A_58 = tpu.memref_slice %arg5[%arg0, %add3A_56, %dma_start3A] : memref<2x10240x128xf32, #tpu.memory_space<hbm>> -> memref<1x128x128xf32, #tpu.memory_space<hbm>>
      %dma_start3A_59 = tpu.memref_squeeze %dma_start3A_58 : memref<1x128x128xf32, #tpu.memory_space<hbm>> -> memref<128x128xf32, #tpu.memory_space<hbm>>
      %dma_start3A_60 = arith.constant 0 : i32
      %dma_start3A_61 = tpu.memref_slice %arg9[%add3A_56, %dma_start3A_60] : memref<10240x128xf32, #tpu.memory_space<vmem_shared>> -> memref<128x128xf32, #tpu.memory_space<vmem_shared>>
      tpu.enqueue_dma source(%dma_start3A_61 : memref<128x128xf32, #tpu.memory_space<vmem_shared>>) target(%dma_start3A_59 : memref<128x128xf32, #tpu.memory_space<hbm>>) target_semaphore(%run_scoped3A_57 : memref<!tpu.dma_semaphore, #tpu.memory_space<semaphore_mem>>)
      %dma_wait3A = arith.constant 0 : i32
      %dma_wait3A_62 = tpu.memref_slice %arg5[%arg0, %add3A_56, %dma_wait3A] : memref<2x10240x128xf32, #tpu.memory_space<hbm>> -> memref<1x128x128xf32, #tpu.memory_space<hbm>>
      %dma_wait3A_63 = tpu.memref_squeeze %dma_wait3A_62 : memref<1x128x128xf32, #tpu.memory_space<hbm>> -> memref<128x128xf32, #tpu.memory_space<hbm>>
      %dma_wait3A_64 = arith.constant 0 : i32
      %dma_wait3A_65 = tpu.memref_slice %arg9[%add3A_56, %dma_wait3A_64] : memref<10240x128xf32, #tpu.memory_space<vmem_shared>> -> memref<128x128xf32, #tpu.memory_space<vmem_shared>>
      tpu.wait_dma2 semaphore(%run_scoped3A_57 : memref<!tpu.dma_semaphore, #tpu.memory_space<semaphore_mem>>) src(%dma_wait3A_65 : memref<128x128xf32, #tpu.memory_space<vmem_shared>>) dst(%dma_wait3A_63 : memref<128x128xf32, #tpu.memory_space<hbm>>)
      tpu.yield
    }) : () -> ()
    return
  }
}

module attributes {stable_mosaic.version = 14 : i64} {
  func.func @_tc_linear_relu_body(%arg0: i32, %arg1: memref<2x1000x128xf32, #tpu.memory_space<vmem>>, %arg2: memref<128x128xf32, #tpu.memory_space<vmem>>, %arg3: memref<1x128xf32, #tpu.memory_space<vmem>>, %arg4: memref<1000x128xf32, #tpu.memory_space<vmem>>) attributes {dimension_semantics = [#tpu.dimension_semantics<arbitrary>], iteration_bounds = array<i64: 10>, scalar_prefetch = 0 : i64, scratch_operands = 0 : i64, tpu.core_type = #tpu.core_type<tc>, window_params = [{transform_indices = @transform_0, window_bounds = array<i64: 2, 1000, 128>}, {pipeline_mode = #tpu.pipeline_mode<synchronous>, transform_indices = @transform_1, window_bounds = array<i64: 128, 128>}, {pipeline_mode = #tpu.pipeline_mode<synchronous>, transform_indices = @transform_2, window_bounds = array<i64: 1, 128>}, {transform_indices = @transform_3, window_bounds = array<i64: 1000, 128>}]} {
    %get3A = arith.constant 0 : index
    %get3A_0 = arith.constant 0 : index
    %get3A_1 = arith.constant 0 : index
    %get3A_2 = vector.load %arg1[%get3A, %get3A_0, %get3A_1] : memref<2x1000x128xf32, #tpu.memory_space<vmem>>, vector<1x1000x128xf32>
    %get3A_3 = vector.shape_cast %get3A_2 : vector<1x1000x128xf32> to vector<1000x128xf32>
    %get3A_4 = arith.constant 1 : index
    %get3A_5 = arith.constant 0 : index
    %get3A_6 = arith.constant 0 : index
    %get3A_7 = vector.load %arg1[%get3A_4, %get3A_5, %get3A_6] : memref<2x1000x128xf32, #tpu.memory_space<vmem>>, vector<1x1000x128xf32>
    %get3A_8 = vector.shape_cast %get3A_7 : vector<1x1000x128xf32> to vector<1000x128xf32>
    %add3A = arith.addf %get3A_3, %get3A_8 : vector<1000x128xf32>
    %get3A_9 = arith.constant 0 : index
    %get3A_10 = arith.constant 0 : index
    %get3A_11 = vector.load %arg2[%get3A_9, %get3A_10] : memref<128x128xf32, #tpu.memory_space<vmem>>, vector<128x128xf32>
    %dot_general3A = arith.constant dense<0.000000e+00> : vector<1000x128xf32>
    %dot_general3A_12 = tpu.matmul %add3A, %get3A_11, %dot_general3A {dimension_numbers = #tpu.dot_dimension_numbers<[1], [0], [0], [1], [0, 0, 1, 1], [], []>, transpose_lhs_hint = false} : vector<1000x128xf32>, vector<128x128xf32>, vector<1000x128xf32> -> vector<1000x128xf32>
    %get3A_13 = arith.constant 0 : index
    %get3A_14 = arith.constant 0 : index
    %get3A_15 = vector.load %arg3[%get3A_13, %get3A_14] : memref<1x128xf32, #tpu.memory_space<vmem>>, vector<1x128xf32>
    %add3A_16 = vector.broadcast %get3A_15 : vector<1x128xf32> to vector<1000x128xf32>
    %add3A_17 = arith.addf %dot_general3A_12, %add3A_16 : vector<1000x128xf32>
    %max3A = arith.constant 0.000000e+00 : f32
    %max3A_18 = vector.broadcast %max3A : f32 to vector<1000x128xf32>
    %max3A_19 = arith.maximumf %add3A_17, %max3A_18 : vector<1000x128xf32>
    %swap3A = arith.constant 0 : index
    %swap3A_20 = arith.constant 0 : index
    %swap3A_21 = vector.load %arg4[%swap3A, %swap3A_20] : memref<1000x128xf32, #tpu.memory_space<vmem>>, vector<1000x128xf32>
    tpu.vector_store %arg4[%swap3A, %swap3A_20], %max3A_19 {strides = array<i32>} : memref<1000x128xf32, #tpu.memory_space<vmem>>, vector<1000x128xf32>,
    return
  }
  func.func @transform_0(%arg0: i32) -> (i32, i32, i32) {
    %c0_i32 = arith.constant 0 : i32
    %c0_i32_0 = arith.constant 0 : i32
    %c0_i32_1 = arith.constant 0 : i32
    return %c0_i32, %arg0, %c0_i32_0 : i32, i32, i32
  }
  func.func @transform_1(%arg0: i32) -> (i32, i32) {
    %c0_i32 = arith.constant 0 : i32
    %c0_i32_0 = arith.constant 0 : i32
    %c0_i32_1 = arith.constant 0 : i32
    return %c0_i32, %c0_i32_0 : i32, i32
  }
  func.func @transform_2(%arg0: i32) -> (i32, i32) {
    %c0_i32 = arith.constant 0 : i32
    %c0_i32_0 = arith.constant 0 : i32
    %c0_i32_1 = arith.constant 0 : i32
    return %c0_i32, %c0_i32_0 : i32, i32
  }
  func.func @transform_3(%arg0: i32) -> (i32, i32) {
    %c0_i32 = arith.constant 0 : i32
    %c0_i32_0 = arith.constant 0 : i32
    return %arg0, %c0_i32 : i32, i32
  }
}

module attributes {stable_mosaic.version = 14 : i64} {
  func.func @_tc_final_body(%arg0: i32, %arg1: memref<2x1000x128xf32, #tpu.memory_space<vmem>>, %arg2: memref<128x128xf32, #tpu.memory_space<vmem>>, %arg3: memref<1x128xf32, #tpu.memory_space<vmem>>, %arg4: memref<128x40xf32, #tpu.memory_space<vmem>>, %arg5: memref<1x40xf32, #tpu.memory_space<vmem>>, %arg6: memref<1x40xf32, #tpu.memory_space<vmem>>, %arg7: memref<1x128xf32, #tpu.memory_space<vmem>>) attributes {dimension_semantics = [#tpu.dimension_semantics<arbitrary>], iteration_bounds = array<i64: 10>, scalar_prefetch = 0 : i64, scratch_operands = 1 : i64, tpu.core_type = #tpu.core_type<tc>, window_params = [{transform_indices = @transform_0, window_bounds = array<i64: 2, 1000, 128>}, {pipeline_mode = #tpu.pipeline_mode<synchronous>, transform_indices = @transform_1, window_bounds = array<i64: 128, 128>}, {pipeline_mode = #tpu.pipeline_mode<synchronous>, transform_indices = @transform_2, window_bounds = array<i64: 1, 128>}, {pipeline_mode = #tpu.pipeline_mode<synchronous>, transform_indices = @transform_3, window_bounds = array<i64: 128, 40>}, {pipeline_mode = #tpu.pipeline_mode<synchronous>, transform_indices = @transform_4, window_bounds = array<i64: 1, 40>}, {pipeline_mode = #tpu.pipeline_mode<synchronous>, transform_indices = @transform_5, window_bounds = array<i64: 1, 40>}]} {
    %get3A = arith.constant 0 : index
    %get3A_0 = arith.constant 0 : index
    %get3A_1 = arith.constant 0 : index
    %get3A_2 = vector.load %arg1[%get3A, %get3A_0, %get3A_1] : memref<2x1000x128xf32, #tpu.memory_space<vmem>>, vector<1x1000x128xf32>
    %get3A_3 = vector.shape_cast %get3A_2 : vector<1x1000x128xf32> to vector<1000x128xf32>
    %get3A_4 = arith.constant 1 : index
    %get3A_5 = arith.constant 0 : index
    %get3A_6 = arith.constant 0 : index
    %get3A_7 = vector.load %arg1[%get3A_4, %get3A_5, %get3A_6] : memref<2x1000x128xf32, #tpu.memory_space<vmem>>, vector<1x1000x128xf32>
    %get3A_8 = vector.shape_cast %get3A_7 : vector<1x1000x128xf32> to vector<1000x128xf32>
    %add3A = arith.addf %get3A_3, %get3A_8 : vector<1000x128xf32>
    %get3A_9 = arith.constant 0 : index
    %get3A_10 = arith.constant 0 : index
    %get3A_11 = vector.load %arg2[%get3A_9, %get3A_10] : memref<128x128xf32, #tpu.memory_space<vmem>>, vector<128x128xf32>
    %dot_general3A = arith.constant dense<0.000000e+00> : vector<1000x128xf32>
    %dot_general3A_12 = tpu.matmul %add3A, %get3A_11, %dot_general3A {dimension_numbers = #tpu.dot_dimension_numbers<[1], [0], [0], [1], [0, 0, 1, 1], [], []>, transpose_lhs_hint = false} : vector<1000x128xf32>, vector<128x128xf32>, vector<1000x128xf32> -> vector<1000x128xf32>
    %get3A_13 = arith.constant 0 : index
    %get3A_14 = arith.constant 0 : index
    %get3A_15 = vector.load %arg3[%get3A_13, %get3A_14] : memref<1x128xf32, #tpu.memory_space<vmem>>, vector<1x128xf32>
    %add3A_16 = vector.broadcast %get3A_15 : vector<1x128xf32> to vector<1000x128xf32>
    %add3A_17 = arith.addf %dot_general3A_12, %add3A_16 : vector<1000x128xf32>
    %max3A = arith.constant 0.000000e+00 : f32
    %max3A_18 = vector.broadcast %max3A : f32 to vector<1000x128xf32>
    %max3A_19 = arith.maximumf %add3A_17, %max3A_18 : vector<1000x128xf32>
    %reduce_sum3A = arith.constant dense<0.000000e+00> : vector<128xf32>
    %reduce_sum3A_20 = vector.multi_reduction <add>, %max3A_19, %reduce_sum3A [0] : vector<1000x128xf32> to vector<128xf32>
    %broadcast_in_dim3A = vector.shape_cast %reduce_sum3A_20 : vector<128xf32> to vector<1x128xf32>
    %eq3A = arith.constant 0 : i32
    %eq3A_21 = arith.cmpi eq, %arg0, %eq3A : i32
    %convert_element_type3A = arith.extui %eq3A_21 : i1 to i32
    %cond3A = arith.constant 0 : i32
    %cond3A_22 = arith.cmpi ne, %convert_element_type3A, %cond3A : i32
    scf.if %cond3A_22 {
      %broadcast_in_dim3A_34 = arith.constant 0.000000e+00 : f32
      %broadcast_in_dim3A_35 = vector.broadcast %broadcast_in_dim3A_34 : f32 to vector<1x128xf32>
      %swap3A_36 = arith.constant 0 : index
      %swap3A_37 = arith.constant 0 : index
      %swap3A_38 = vector.load %arg7[%swap3A_36, %swap3A_37] : memref<1x128xf32, #tpu.memory_space<vmem>>, vector<1x128xf32>
      tpu.vector_store %arg7[%swap3A_36, %swap3A_37], %broadcast_in_dim3A_35 {strides = array<i32>} : memref<1x128xf32, #tpu.memory_space<vmem>>, vector<1x128xf32>,
    } else {
    }
    %get3A_23 = arith.constant 0 : index
    %get3A_24 = arith.constant 0 : index
    %get3A_25 = vector.load %arg7[%get3A_23, %get3A_24] : memref<1x128xf32, #tpu.memory_space<vmem>>, vector<1x128xf32>
    %add3A_26 = arith.addf %get3A_25, %broadcast_in_dim3A : vector<1x128xf32>
    %swap3A = arith.constant 0 : index
    %swap3A_27 = arith.constant 0 : index
    %swap3A_28 = vector.load %arg7[%swap3A, %swap3A_27] : memref<1x128xf32, #tpu.memory_space<vmem>>, vector<1x128xf32>
    tpu.vector_store %arg7[%swap3A, %swap3A_27], %add3A_26 {strides = array<i32>} : memref<1x128xf32, #tpu.memory_space<vmem>>, vector<1x128xf32>,
    %eq3A_29 = arith.constant 9 : i32
    %eq3A_30 = arith.cmpi eq, %arg0, %eq3A_29 : i32
    %convert_element_type3A_31 = arith.extui %eq3A_30 : i1 to i32
    %cond3A_32 = arith.constant 0 : i32
    %cond3A_33 = arith.cmpi ne, %convert_element_type3A_31, %cond3A_32 : i32
    scf.if %cond3A_33 {
      %get3A_34 = arith.constant 0 : index
      %get3A_35 = arith.constant 0 : index
      %get3A_36 = vector.load %arg7[%get3A_34, %get3A_35] : memref<1x128xf32, #tpu.memory_space<vmem>>, vector<1x128xf32>
      %mul3A = arith.constant 9.99999974E-5 : f32
      %mul3A_37 = vector.broadcast %mul3A : f32 to vector<1x128xf32>
      %mul3A_38 = arith.mulf %get3A_36, %mul3A_37 : vector<1x128xf32>
      %get3A_39 = arith.constant 0 : index
      %get3A_40 = arith.constant 0 : index
      %get3A_41 = vector.load %arg4[%get3A_39, %get3A_40] : memref<128x40xf32, #tpu.memory_space<vmem>>, vector<128x40xf32>
      %dot_general3A_42 = arith.constant dense<0.000000e+00> : vector<1x40xf32>
      %dot_general3A_43 = tpu.matmul %mul3A_38, %get3A_41, %dot_general3A_42 {dimension_numbers = #tpu.dot_dimension_numbers<[1], [0], [0], [1], [0, 0, 1, 1], [], []>, transpose_lhs_hint = false} : vector<1x128xf32>, vector<128x40xf32>, vector<1x40xf32> -> vector<1x40xf32>
      %get3A_44 = arith.constant 0 : index
      %get3A_45 = arith.constant 0 : index
      %get3A_46 = vector.load %arg5[%get3A_44, %get3A_45] : memref<1x40xf32, #tpu.memory_space<vmem>>, vector<1x40xf32>
      %add3A_47 = arith.addf %dot_general3A_43, %get3A_46 : vector<1x40xf32>
      %swap3A_48 = arith.constant 0 : index
      %swap3A_49 = arith.constant 0 : index
      %swap3A_50 = vector.load %arg6[%swap3A_48, %swap3A_49] : memref<1x40xf32, #tpu.memory_space<vmem>>, vector<1x40xf32>
      tpu.vector_store %arg6[%swap3A_48, %swap3A_49], %add3A_47 {strides = array<i32>} : memref<1x40xf32, #tpu.memory_space<vmem>>, vector<1x40xf32>,
    } else {
    }
    return
  }
  func.func @transform_0(%arg0: i32) -> (i32, i32, i32) {
    %c0_i32 = arith.constant 0 : i32
    %c0_i32_0 = arith.constant 0 : i32
    %c0_i32_1 = arith.constant 0 : i32
    return %c0_i32, %arg0, %c0_i32_0 : i32, i32, i32
  }
  func.func @transform_1(%arg0: i32) -> (i32, i32) {
    %c0_i32 = arith.constant 0 : i32
    %c0_i32_0 = arith.constant 0 : i32
    %c0_i32_1 = arith.constant 0 : i32
    return %c0_i32, %c0_i32_0 : i32, i32
  }
  func.func @transform_2(%arg0: i32) -> (i32, i32) {
    %c0_i32 = arith.constant 0 : i32
    %c0_i32_0 = arith.constant 0 : i32
    %c0_i32_1 = arith.constant 0 : i32
    return %c0_i32, %c0_i32_0 : i32, i32
  }
  func.func @transform_3(%arg0: i32) -> (i32, i32) {
    %c0_i32 = arith.constant 0 : i32
    %c0_i32_0 = arith.constant 0 : i32
    %c0_i32_1 = arith.constant 0 : i32
    return %c0_i32, %c0_i32_0 : i32, i32
  }
  func.func @transform_4(%arg0: i32) -> (i32, i32) {
    %c0_i32 = arith.constant 0 : i32
    %c0_i32_0 = arith.constant 0 : i32
    %c0_i32_1 = arith.constant 0 : i32
    return %c0_i32, %c0_i32_0 : i32, i32
  }
  func.func @transform_5(%arg0: i32) -> (i32, i32) {
    %c0_i32 = arith.constant 0 : i32
    %c0_i32_0 = arith.constant 0 : i32
    %c0_i32_1 = arith.constant 0 : i32
    return %c0_i32, %c0_i32_0 : i32, i32
  }
}

</mosaic_0001>

<sc_bundles>
// kernel: kernel.6.cloned.1.call-start
scs
__scs_entry_jumppad:
0x0: {  	(pc) =	sbr.rel $0x88, $3  }
0x1: {  	(tag) =	ssettag $0x0;
	lr =	simm.s32 $0x1  }
0x2: {  	[smem:$0x3F99] =	sst lr;
	_ =	strace $0xD0000000  }
0x3: {  	_ = 	snop  }
0x4: {  	_ = 	snop  }
0x5: {  	_ = 	snop  }
0x6: {  	_ = 	snop  }
0x7: {  	_ = 	snop  }
__scs_overlays_trampoline_lowered:
0x8: {  	[smem:$0x3FA8] =	sst s0  }
0x9: {  	[smem:$0x3FA9] =	sst s1  }
0xa: {  	[smem:$0x3FAA] =	sst s2  }
0xb: {  	[smem:$0x3FAB] =	sst s3  }
0xc: {  	[smem:$0x3FAC] =	sst s4  }
0xd: {  	[smem:$0x3FAD] =	sst s5  }
0xe: {  	[smem:$0x3FAE] =	sst s6  }
0xf: {  	[smem:$0x3FAF] =	sst s7  }
0x10: {  	[smem:$0x3FB0] =	sst s8  }
0x11: {  	[smem:$0x3FB1] =	sst s9;
	s0 =	simm.s32 @!p0 $0x0  }
0x12: {  	s1 =	sld [smem:$0x3F97];
	s0 =	simm.s32 @p0 $0x1  }
0x13: {  	[smem:$0x3FB2] =	sst s0;
	s0 =	simm.s32 @!p1 $0x0  }
0x14: {  	s2 =	sld [smem:$0x3F96];
	s0 =	simm.s32 @p1 $0x1  }
0x15: {  	[smem:$0x3FB3] =	sst s0;
	s0 =	simm.s32 @!p2 $0x0  }
0x16: {  	s3 =	sld [smem:$0x3FDB];
	s0 =	simm.s32 @p2 $0x1  }
0x17: {  	s4 =	simm.s32 $0x1BF5;
	[smem:$0x3FB5] =	sst s0  }
0x18: {  	s0 =	sld [smem:$0x3F98];
	_ =	swait.ge [sflag:s4], $0x0  }
0x19: {  	s7 =	sld [smem:$0x3F99]  }
0x1a: {  	s8 =	sadd.s32 $0xFFFFE003, lr  }
0x1b: {  	s9 =	sadd.s32 $0xFFFFFEF7, lr;
	s5 =	simm.s32 $0xFFFFFFFF;
	p2 =	slt.u32 s8, $0xFFFFF086  }
0x1c: {  	p1 =	slt.u32 s9, $0xF7A;
	s5 =	simm.s32 @!p2 $0x0  }
0x1d: {  	s5 =	simm.s32 @p1 $0x1;
	p0 =	seq.s32 s7, s2  }
0x1e: {  	s7 =	smul.u32 @!p0 $0xF7A, s2;
	p2 =	seq.s32 @!p0 s5, $0x0  }
0x1f: {  	s9 =	smul.u32 $0xF7A, s1;
	s8 =	simm.s32 @!p0 $0x1BF5;
	p2 =	por !p2, p0  }
0x20: {  	[sflag:s8] =	ssyncset.s32 @!p0 $0xFFFFF086;
	s6 =	sadd.s32 @!p0 s3, s7;
	s7 =	simm.s32 @!p0 $0x108  }
0x21: {  	s3 =	sadd.s32 s3, s9;
	s6 =	sadd.s32 @!p0 $0x88, s6;
	s7 =	simm.s32 @p2 $0x1082  }
0x22: {  	[simem:s7], [sflag:s8] =	dma.local @!p0 [hbm:s6], $0xF7A  }
0x23: {  	s9 =	sor.u32 $0xD0000000, s2;
	s6 =	simm.s32 $0x108;
	_ =	swait.ge @!p0 [sflag:s8], $0x0  }
0x24: {  	s3 =	sadd.s32 $0x88, s3;
	s6 =	simm.s32 @!p1 $0x1082;
	[sflag:s4] =	ssyncset.s32 $0xFFFFF086  }
0x25: {  	[simem:s6], [sflag:s4] =	dma.local [hbm:s3], $0xF7A  }
0x26: {  	[smem:$0x3F99] =	sst s1;
	(tag) =	ssettag s2;
	_ =	strace s9  }
0x27: {  	s1 =	sld [smem:$0x3FA9]  }
0x28: {  	s2 =	sld [smem:$0x3FAA]  }
0x29: {  	s4 =	sld [smem:$0x3FAC]  }
0x2a: {  	p0 =	seq.s32 s5, $0x0;
	s5 =	sld [smem:$0x3FAD]  }
0x2b: {  	s6 =	sld [smem:$0x3FAE]  }
0x2c: {  	s7 =	sld [smem:$0x3FAF]  }
0x2d: {  	s3 =	simm.s32 $0x108;
	s8 =	sld [smem:$0x3FB0]  }
0x2e: {  	s3 =	simm.s32 @!p0 $0x1082;
	s9 =	sld [smem:$0x3FB1]  }
0x2f: {  	lr =	sadd.s32 s0, s3;
	s0 =	sld [smem:$0x3FA8]  }
0x30: {  	s3 =	sld [smem:$0x3FAB]  }
0x31: {  	[smem:$0x3FB4] =	sst s10  }
0x32: {  	s10 =	sld [smem:$0x3FB2];
	_ =	sdelay $0x3  }
0x33: {  	p0 =	seq.s32 s10, $0x1;
	s10 =	sld [smem:$0x3FB4];
	_ =	sdelay $0x3  }
0x34: {  	[smem:$0x3FB4] =	sst s10  }
0x35: {  	s10 =	sld [smem:$0x3FB3];
	_ =	sdelay $0x3  }
0x36: {  	p1 =	seq.s32 s10, $0x1;
	s10 =	sld [smem:$0x3FB4];
	_ =	sdelay $0x3  }
0x37: {  	[smem:$0x3FB4] =	sst s10  }
0x38: {  	s10 =	sld [smem:$0x3FB5]  }
0x39: {  	_ = 	snop;
	(pc) =	sbr.ind lr, $3  }
0x3a: {  	_ = 	snop  }
0x3b: {  	_ = 	snop  }
0x3c: {  	p2 =	seq.s32 s10, $0x1;
	s10 =	sld [smem:$0x3FB4]  }
0x3d: {  	_ =	shalt  }
0x3e: {  	_ =	shalt  }
0x3f: {  	_ =	shalt  }
0x40: {  	_ =	shalt  }
0x41: {  	_ =	shalt  }
0x42: {  	_ =	shalt  }
0x43: {  	_ =	shalt  }
0x44: {  	_ =	shalt  }
0x45: {  	_ =	shalt  }
0x46: {  	_ =	shalt  }
0x47: {  	_ =	shalt  }
0x48: {  	_ =	shalt  }
0x49: {  	_ =	shalt  }
0x4a: {  	_ =	shalt  }
0x4b: {  	_ =	shalt  }
0x4c: {  	_ =	shalt  }
0x4d: {  	_ =	shalt  }
0x4e: {  	_ =	shalt  }
0x4f: {  	_ =	shalt  }
0x50: {  	_ =	shalt  }
0x51: {  	_ =	shalt  }
0x52: {  	_ =	shalt  }
0x53: {  	_ =	shalt  }
0x54: {  	_ =	shalt  }
0x55: {  	_ =	shalt  }
0x56: {  	_ =	shalt  }
0x57: {  	_ =	shalt  }
0x58: {  	_ =	shalt  }
0x59: {  	_ =	shalt  }
0x5a: {  	_ =	shalt  }
0x5b: {  	_ =	shalt  }
0x5c: {  	_ =	shalt  }
0x5d: {  	_ =	shalt  }
0x5e: {  	_ =	shalt  }
0x5f: {  	_ =	shalt  }
0x60: {  	_ =	shalt  }
0x61: {  	_ =	shalt  }
0x62: {  	_ =	shalt  }
0x63: {  	_ =	shalt  }
0x64: {  	_ =	shalt  }
0x65: {  	_ =	shalt  }
0x66: {  	_ =	shalt  }
0x67: {  	_ =	shalt  }
0x68: {  	_ =	shalt  }
0x69: {  	_ =	shalt  }
0x6a: {  	_ =	shalt  }
0x6b: {  	_ =	shalt  }
0x6c: {  	_ =	shalt  }
0x6d: {  	_ =	shalt  }
0x6e: {  	_ =	shalt  }
0x6f: {  	_ =	shalt  }
0x70: {  	_ =	shalt  }
0x71: {  	_ =	shalt  }
0x72: {  	_ =	shalt  }
0x73: {  	_ =	shalt  }
0x74: {  	_ =	shalt  }
0x75: {  	_ =	shalt  }
0x76: {  	_ =	shalt  }
0x77: {  	_ =	shalt  }
0x78: {  	_ =	shalt  }
0x79: {  	_ =	shalt  }
0x7a: {  	_ =	shalt  }
0x7b: {  	_ =	shalt  }
0x7c: {  	_ =	shalt  }
0x7d: {  	_ =	shalt  }
0x7e: {  	_ =	shalt  }
0x7f: {  	_ =	shalt  }
0x80: {  	_ =	shalt  }
0x81: {  	_ =	shalt  }
0x82: {  	_ =	shalt  }
0x83: {  	_ =	shalt  }
0x84: {  	_ =	shalt  }
0x85: {  	_ =	shalt  }
0x86: {  	_ =	shalt  }
0x87: {  	_ =	shalt  }
.Lfunc_end0:
.L_simem_size_0:
called_computation_lowered:
.L_overlay_start_0:
0x88: {  	s2 =	sld [smem:$0x3FD9]  }
0x89: {  	s3 =	sld [smem:$0x3FFE];
	_ =	sdelay $0x1  }
0x8a: {  	s1 =	srdreg.scid  }
0x8b: {  	s0 =	sand.u32 $0x1, s1  }
0x8c: {  	s17 =	sshll.u32 s0, $0xA;
	s2 =	sadd.s32 s3, s2  }
0x8d: {  	s2 =	sadd.s32 s2, s17  }
0x8e: {  	[smem:$0x3FC0] =	sst s2  }
0x8f: {  	_ = 	snop  }
0x90: {  	s2 =	sld [smem:$0x3FC9];
	(tm) =	ssettm $0x1  }
0x91: {  	s18 =	sld [smem:$0x3FFB];
	_ =	sdelay $0x3  }
0x92: {  	_ =	strace s18  }
0x93: {  	s3 =	sld [smem:$0x3FFC];
	_ =	sdelay $0x3  }
0x94: {  	_ =	strace s3  }
0x95: {  	s3 =	sld [smem:$0x3FFD];
	_ =	sdelay $0x3  }
0x96: {  	_ =	strace s3  }
0x97: {  	_ =	strace $0x8FFFFFFF  }
0x98: {  	s19 =	sld [smem:$0x3FDB];
	_ =	sdelay $0x1  }
0x99: {  	s4 =	simm.s32 $_scs_section_size  }
0x9a: {  	s5 =	simm.s32 $_size__tile_overlayer_lowered;
	s6 =	simm.s32 $_tile_overlayer_lowered  }
0x9b: {  	s22 =	simm.s32 $0x1BFF;
	s21 =	sshll.u32 s6, $0x1;
	s3 =	sadd.s32 s4, s19  }
0x9c: {  	s7 =	simm.s32 $0x0;
	s20 =	sshll.u32 s5, $0x1;
	s5 =	sadd.s32 s21, s3  }
0x9d: {  	[timem:s7], [sflag:s22] =	dma.local [hbm:s5], s20  }
0x9e: {  	_ =	swait.ge [sflag:s22], s20  }
0x9f: {  	s4 =	ssub.s32 $0x0, s20;
	[sflag:s22] =	ssyncset.done $0x0  }
0xa0: {  	[sflag:s22] =	ssyncadd.s32 s4;
	_ =	sdelay $0x1  }
0xa1: {  	s23 =	simm.s32 $0x1B8B  }
0xa2: {  	_ =	swait.ge [sflag:s23], $0x1  }
0xa3: {  	[sflag:s23] =	ssyncset.done $0x0  }
0xa4: {  	s25 =	simm.s32 $0x1B8E;
	s24 =	sld [smem:$0x3FFE];
	[sflag:s23] =	ssyncadd.s32 $0xFFFFFFFF  }
0xa5: {  	s26 =	simm.s32 $execute0_lowered;
	[smem:$0x3FD2] =	sst s25  }
0xa6: {  	s5 =	sshll.u32 s26, $0x1;
	_ =	strace $0x80000046;
	[dreg:$0x1] =	wrdreg $0xFFFFFFFF  }
0xa7: {  	s28 =	simm.s32 $_size_execute0_lowered;
	s3 =	sadd.s32 s3, s5;
	[dreg:$0x0] =	wrdreg $0x0  }
0xa8: {  	s5 =	sshll.u32 s28, $0x1;
	[dreg:$0x2] =	wrdreg s3  }
0xa9: {  	[dreg:$0x3] =	wrdreg s5  }
0xaa: {  	[dreg:$0x4] =	wrdreg $0xC0  }
0xab: {  	_ =	task [dreg:s7], $0x5FFFF  }
0xac: {  	[dreg:$0x1] =	wrdreg $0xFFFFFFFF  }
0xad: {  	[dreg:$0x0] =	wrdreg $0x60  }
0xae: {  	[dreg:$0x2] =	wrdreg s2  }
0xaf: {  	[dreg:$0x3] =	wrdreg s24  }
0xb0: {  	[dreg:$0x4] =	wrdreg $0xA8000  }
0xb1: {  	[dreg:$0x5] =	wrdreg $0x9  }
0xb2: {  	_ =	task.clear_ibuf [dreg:s7], $0x6FFFF;
	_ =	strace $0x90000046  }
0xb3: {  	s29 =	simm.s32 $0x9;
	_ =	strace $0x80000048  }
0xb4: {  	_ =	swait.ge [sflag:s29], $0x1  }
0xb5: {  	[sflag:s29] =	ssyncadd.s32 $0xFFFFFFFF  }
0xb6: {  	_ =	strace $0x90000048  }
0xb7: {  	_ =	sfence  }
0xb8: {  	s30 =	sld [smem:$0x0];
	_ =	sdelay $0x2  }
0xb9: {  	s31 =	sshll.u32 s1, $0xD;
	s1 =	sshrl.u32 s1, $0x2  }
0xba: {  	s3 =	sand.u32 $0x4000, s31;
	s1 =	sadd.s32 s1, s30  }
0xbb: {  	s0 =	sor.u32 s3, s0;
	s1 =	sshll.u32 s1, $0x11  }
0xbc: {  	s0 =	sor.u32 s1, s0  }
0xbd: {  	s0 =	sadd.s32 $0x8F2B, s0  }
0xbe: {  	[sflag:s0] =	ssyncadd.remote.s32 $0x1  }
0xbf: {  	_ =	sfence.sel $0xFFFF  }
0xc0: {  	[dreg:$0x0] =	wrdreg $0xFFFFFFFF;
	(pc) =	sbr.abs _section_cstart, $3  }
0xc1: {  	[dreg:$0x1] =	wrdreg $0xFFFFFFFF  }
0xc2: {  	_ =	task.clear_ibuf [dreg:s7], $0x2FFFF;
	_ =	strace $0x9FFFFFFF  }
0xc3: {  	(tm) =	ssettm $0x7FFFFFFF  }
tec
execute0_lowered:
.L_overlay_start_1:
0x0: {  	(tag) =	ssettag $0x1  }
0x1: {  	s1 =	rddreg [dreg:$0x0]  }
0x2: {  	s7 =	rddreg [dreg:$0x1]  }
0x3: {  	s2 =	rddreg [dreg:$0x2]  }
0x4: {  	s0 =	rddreg [dreg:$0x3];
	s4 =	simm.s32 $0x0  }
0x5: {  	s3 =	srdreg.scid;
	s21 =	simm.s32 $0x1400;
	s22 =	simm.s32 $0x80  }
0x6: {  	s23 =	simm.s32 $0x6800;
	[smem:$0x7FF] =	sst s4;
	s9 =	sand.u32 $0x1, s3  }
0x7: {  	s24 =	simm.s32 $0x1;
	s3 =	stileid.u32;
	s8 =	smul.u32 $0x500, s9  }
0x8: {  	s5 =	sadd.s32 $0x1400, s7;
	s6 =	sadd.s32 $0xB400, s7;
	s10 =	smul.u32 $0x50, s3  }
0x9: {  	s17 =	sadd.s32 $0x15400, s7;
	s11 =	ssub.s32 $0x2, s9;
	s12 =	smul.u32 $0x50000, s3  }
0xa: {  	_ =	strace $0x80000047;
	s13 =	smul.u32 $0x14000, s3;
	s25 =	sshrl.u32 s11, $0x1  }
0xb: {  	s15 =	smul.u32 $0x140000, s9;
	s18 =	ssub.s32 s11, s25;
	s7 =	sadd.s32 s10, s8  }
0xc: {  	s26 =	sshrl.u32 s12, $0x2;
	s28 =	sadd.s32 $0x4000, s13;
	s16 =	sadd.s32 $0x8000, s13  }
0xd: {  	s19 =	sadd.s32 $0xC000, s13;
	s14 =	sadd.s32 s13, s15;
	s20 =	sadd.s32 $0x10000, s13  }
0xe: {  	s25 =	simm.s32 $0x2;
	s8 =	sadd.s32 s26, s2;
	s9 =	sadd.s32 s28, s2  }
0xf: {  	s10 =	sadd.s32 s16, s2;
	s11 =	sadd.s32 s19, s2;
	s29 =	sshrl.u32 s14, $0x3  }
0x10: {  	s30 =	sadd.s32 s15, s28;
	s12 =	sadd.s32 s20, s2;
	s16 =	sadd.s32 s15, s16  }
.Ltmp0:
0x11: {  	s19 =	sadd.s32 s15, s19;
	s20 =	sadd.s32 s15, s20;
	(pc) =	sbr.rel .LBB2_1-.Ltmp0, $4  }
0x12: {  	s18 =	smax.u32 s18, $0x1;
	s13 =	sadd.s32 s17, s29;
	s14 =	sshrl.u32 s30, $0x3  }
0x13: {  	s16 =	sshrl.u32 s16, $0x3;
	s19 =	sshrl.u32 s19, $0x3;
	s31 =	sshrl.u32 s20, $0x3  }
0x14: {  	s20 =	simm.s32 $0x3;
	s14 =	sadd.s32 s17, s14;
	s15 =	sadd.s32 s17, s16  }
0x15: {  	v0 =	vimm.f32 $0.0e+00;
	s16 =	sadd.s32 s17, s19;
	s17 =	sadd.s32 s17, s31;
	s19 =	simm.s32 $0x2800  }
.LBB2_8:
0x16: {  	s26 =	sshll.u32 s3, $0x6  }
0x17: {  	[bflag:$0x0] =	sbarrier.arrive $0xFFFF;
	s28 =	sshrl.u32 s8, $0x3;
	s26 =	sor.u32 $0x1C03, s26  }
0x18: {  	[hbm:s13], [sflag:s26] =	dma.local [spmem:s28], $0x800  }
0x19: {  	_ =	swait.ge [sflag:s20], $0x800  }
0x1a: {  	[sflag:s20] =	ssyncset.done $0x0  }
0x1b: {  	s31 =	sshrl.u32 s9, $0x3;
	[sflag:s20] =	ssyncadd.s32 $0xFFFFF800  }
0x1c: {  	[hbm:s14], [sflag:s26] =	dma.local [spmem:s31], $0x800  }
0x1d: {  	_ =	swait.ge [sflag:s20], $0x800  }
0x1e: {  	[sflag:s20] =	ssyncset.done $0x0  }
0x1f: {  	s29 =	sshrl.u32 s10, $0x3;
	[sflag:s20] =	ssyncadd.s32 $0xFFFFF800  }
0x20: {  	[hbm:s15], [sflag:s26] =	dma.local [spmem:s29], $0x800  }
0x21: {  	_ =	swait.ge [sflag:s20], $0x800  }
0x22: {  	[sflag:s20] =	ssyncset.done $0x0  }
0x23: {  	s30 =	sshrl.u32 s11, $0x3;
	[sflag:s20] =	ssyncadd.s32 $0xFFFFF800  }
0x24: {  	[hbm:s16], [sflag:s26] =	dma.local [spmem:s30], $0x800  }
0x25: {  	s4 =	sadd.s32 $0x1, s4;
	_ =	swait.ge [sflag:s20], $0x800  }
0x26: {  	p0 =	sne.s32 s4, s18;
	[sflag:s20] =	ssyncset.done $0x0  }
.Ltmp1:
0x27: {  	s31 =	sshrl.u32 s12, $0x3;
	[sflag:s20] =	ssyncadd.s32 $0xFFFFF800;
	(pc) =	sbr.rel @!p0 .LBB2_9-.Ltmp1, $4  }
0x28: {  	[hbm:s17], [sflag:s26] =	dma.local [spmem:s31], $0x800  }
0x29: {  	_ =	swait.ge [sflag:s20], $0x800  }
0x2a: {  	[sflag:s20] =	ssyncset.done $0x0  }
0x2b: {  	[sflag:s20] =	ssyncadd.s32 $0xFFFFF800  }
.LBB2_1:
0x2c: {  	s26 =	simm.s32 $0x0;
	s28 =	simm.s32 $0x200  }
.LBB2_2:
0x2d: {  	p0 =	sne.s32 s28, $0xFE00;
	[tilespmem:s26+$0x2870] =	vst v0  }
0x2e: {  	[tilespmem:s26+$0x2800] =	vst v0  }
0x2f: {  	[tilespmem:s26+$0x2810] =	vst v0  }
.Ltmp2:
0x30: {  	[tilespmem:s26+$0x2820] =	vst v0;
	(pc) =	sbr.rel @p0 .LBB2_2-.Ltmp2, $4  }
0x31: {  	[tilespmem:s26+$0x2830] =	vst v0  }
0x32: {  	[tilespmem:s26+$0x2840] =	vst v0  }
0x33: {  	[tilespmem:s26+$0x2850] =	vst v0  }
0x34: {  	[tilespmem:s26+$0x2860] =	vst v0;
	s26 =	sshra.s32 s28, $0x2;
	s28 =	sadd.s32 $0x200, s28  }
0x35: {  	[tilespmem:s26+$0x2870] =	vst v0  }
0x36: {  	[tilespmem:s26+$0x2800] =	vst v0  }
0x37: {  	[tilespmem:s26+$0x2810] =	vst v0  }
0x38: {  	[tilespmem:s26+$0x2820] =	vst v0  }
0x39: {  	[tilespmem:s26+$0x2830] =	vst v0  }
0x3a: {  	[tilespmem:s26+$0x2840] =	vst v0  }
0x3b: {  	[tilespmem:s26+$0x2850] =	vst v0  }
0x3c: {  	[tilespmem:s26+$0x2860] =	vst v0  }
0x3d: {  	[spmem:s8] =	stream.linear.scatter [tilespmem:s19], [sflag:$0x3], $0x4000, $0x38;
	[tilespmem:$0x1E800] =	vst v63  }
0x3e: {  	_ =	swait.ge [sflag:s20], $0x4000  }
0x3f: {  	[sflag:s20] =	ssyncset.done $0x0  }
0x40: {  	[sflag:s20] =	ssyncadd.s32 $0xFFFFC000  }
0x41: {  	[spmem:s9] =	stream.linear.scatter [tilespmem:s19], [sflag:$0x3], $0x4000, $0x38;
	[tilespmem:$0x1E800] =	vst v63  }
0x42: {  	_ =	swait.ge [sflag:s20], $0x4000  }
0x43: {  	[sflag:s20] =	ssyncset.done $0x0  }
0x44: {  	[sflag:s20] =	ssyncadd.s32 $0xFFFFC000  }
0x45: {  	[spmem:s10] =	stream.linear.scatter [tilespmem:s19], [sflag:$0x3], $0x4000, $0x38;
	[tilespmem:$0x1E800] =	vst v63  }
0x46: {  	_ =	swait.ge [sflag:s20], $0x4000  }
0x47: {  	[sflag:s20] =	ssyncset.done $0x0  }
0x48: {  	[sflag:s20] =	ssyncadd.s32 $0xFFFFC000  }
0x49: {  	[spmem:s11] =	stream.linear.scatter [tilespmem:s19], [sflag:$0x3], $0x4000, $0x38;
	[tilespmem:$0x1E800] =	vst v63  }
0x4a: {  	_ =	swait.ge [sflag:s20], $0x4000  }
0x4b: {  	[sflag:s20] =	ssyncset.done $0x0  }
0x4c: {  	[sflag:s20] =	ssyncadd.s32 $0xFFFFC000  }
0x4d: {  	[spmem:s12] =	stream.linear.scatter [tilespmem:s19], [sflag:$0x3], $0x4000, $0x38;
	[tilespmem:$0x1E800] =	vst v63  }
.Ltmp3:
0x4e: {  	_ =	swait.ge [sflag:s20], $0x4000;
	(pc) =	sbr.rel .LBB2_4-.Ltmp3, $4  }
0x4f: {  	[sflag:s20] =	ssyncset.done $0x0  }
0x50: {  	[sflag:s20] =	ssyncadd.s32 $0xFFFFC000  }
0x51: {  	[bflag:$0x0] =	sbarrier.arrive $0xFFFF  }
0x52: {  	s26 =	simm.s32 $0x0;
	p1 =	por $0x1, $0x1;
	s28 =	simm.s32 $0x0  }
.LBB2_7:
0x53: {  	_ =	swait.ge [sflag:s25], $0x4000  }
0x54: {  	[sflag:s25] =	ssyncset.done $0x0  }
.Ltmp4:
0x55: {  	[sflag:s25] =	ssyncadd.s32 $0xFFFFC000;
	(pc) =	sbr.rel @!p0 .LBB2_8-.Ltmp4, $4  }
0x56: {  	[spmem:s2] =	stream.indirect.scatter.add.f32 [tilespmem:s23], [sflag:$0x3], $0x80, s30, s22, $0xb8;
	[tilespmem:$0x1E800] =	vst v63  }
0x57: {  	_ =	swait.ge [sflag:s20], $0x4000  }
0x58: {  	[sflag:s20] =	ssyncset.done $0x0  }
0x59: {  	s28 =	simm.s32 $0x28;
	p1 =	por $0x0, $0x0;
	[sflag:s20] =	ssyncadd.s32 $0xFFFFC000  }
.LBB2_4:
0x5a: {  	s28 =	sadd.s32 s28, s7  }
0x5b: {  	s28 =	sshll.u32 s28, $0x4  }
0x5c: {  	s29 =	sadd.s32 s5, s28  }
0x5d: {  	[tilespmem:s26], [sflag:$0x3] =	stream.linear.gather [hbm4b:s29+s26], $0x1400, $0x38;
	[tilespmem:$0x1E800] =	vst v63  }
0x5e: {  	_ =	swait.ge [sflag:s20], $0x1400  }
0x5f: {  	[sflag:s20] =	ssyncset.done $0x0  }
0x60: {  	s28 =	sadd.s32 s6, s28;
	[sflag:s20] =	ssyncadd.s32 $0xFFFFEC00  }
0x61: {  	[tilespmem:s21], [sflag:$0x3] =	stream.linear.gather [hbm4b:s28+s26], $0x1400, $0x38;
	[tilespmem:$0x1E800] =	vst v63  }
0x62: {  	_ =	swait.ge [sflag:s20], $0x1400  }
0x63: {  	[sflag:s20] =	ssyncset.done $0x0  }
0x64: {  	[sflag:s20] =	ssyncadd.s32 $0xFFFFEC00  }
0x65: {  	[tilespmem:s19], [sflag:$0x1] =	stream.indirect.gather [hbm4b:s1+s22], $0x80, s26, s22, $0xb8;
	[tilespmem:$0x1E800] =	vst v63  }
0x66: {  	p0 =	por p1, p1;
	s28 =	simm.s32 $0x0  }
0x67: {  	[tilespmem:s23], [sflag:$0x2] =	stream.indirect.gather [hbm4b:s1+s22], $0x80, s22, s22, $0xb8;
	[tilespmem:$0x1E800] =	vst v63  }
.LBB2_5:
0x68: {  	_ =	swait.ge [sflag:s24], $0x4000  }
0x69: {  	s29 =	sshra.s32 s28, $0x2;
	[sflag:s24] =	ssyncset.done $0x0  }
0x6a: {  	s30 =	sadd.s32 $0x1400, s29;
	[sflag:s24] =	ssyncadd.s32 $0xFFFFC000  }
0x6b: {  	[spmem:s2] =	stream.indirect.scatter.add.f32 [tilespmem:s19], [sflag:$0x3], $0x80, s30, s22, $0xb8;
	[tilespmem:$0x1E800] =	vst v63  }
0x6c: {  	_ =	swait.ge [sflag:s20], $0x4000  }
0x6d: {  	[sflag:s20] =	ssyncset.done $0x0  }
0x6e: {  	s30 =	sadd.s32 $0x100, s29;
	[sflag:s20] =	ssyncadd.s32 $0xFFFFC000  }
0x6f: {  	[tilespmem:s19], [sflag:$0x1] =	stream.indirect.gather [hbm4b:s1+s22], $0x80, s30, s22, $0xb8;
	[tilespmem:$0x1E800] =	vst v63  }
0x70: {  	_ =	swait.ge [sflag:s25], $0x4000  }
0x71: {  	[sflag:s25] =	ssyncset.done $0x0  }
0x72: {  	s30 =	sadd.s32 $0x1480, s29;
	[sflag:s25] =	ssyncadd.s32 $0xFFFFC000  }
0x73: {  	[spmem:s2] =	stream.indirect.scatter.add.f32 [tilespmem:s23], [sflag:$0x3], $0x80, s30, s22, $0xb8;
	[tilespmem:$0x1E800] =	vst v63  }
0x74: {  	_ =	swait.ge [sflag:s20], $0x4000  }
0x75: {  	[sflag:s20] =	ssyncset.done $0x0  }
0x76: {  	s30 =	sadd.s32 $0x180, s29;
	[sflag:s20] =	ssyncadd.s32 $0xFFFFC000  }
0x77: {  	[tilespmem:s23], [sflag:$0x2] =	stream.indirect.gather [hbm4b:s1+s22], $0x80, s30, s22, $0xb8;
	[tilespmem:$0x1E800] =	vst v63  }
0x78: {  	_ =	swait.ge [sflag:s24], $0x4000  }
0x79: {  	[sflag:s24] =	ssyncset.done $0x0  }
0x7a: {  	s30 =	sadd.s32 $0x1500, s29;
	[sflag:s24] =	ssyncadd.s32 $0xFFFFC000  }
0x7b: {  	[spmem:s2] =	stream.indirect.scatter.add.f32 [tilespmem:s19], [sflag:$0x3], $0x80, s30, s22, $0xb8;
	[tilespmem:$0x1E800] =	vst v63  }
0x7c: {  	_ =	swait.ge [sflag:s20], $0x4000  }
0x7d: {  	[sflag:s20] =	ssyncset.done $0x0  }
0x7e: {  	s30 =	sadd.s32 $0x200, s29;
	[sflag:s20] =	ssyncadd.s32 $0xFFFFC000  }
0x7f: {  	[tilespmem:s19], [sflag:$0x1] =	stream.indirect.gather [hbm4b:s1+s22], $0x80, s30, s22, $0xb8;
	[tilespmem:$0x1E800] =	vst v63  }
0x80: {  	_ =	swait.ge [sflag:s25], $0x4000  }
0x81: {  	[sflag:s25] =	ssyncset.done $0x0  }
0x82: {  	s30 =	sadd.s32 $0x1580, s29;
	[sflag:s25] =	ssyncadd.s32 $0xFFFFC000  }
0x83: {  	[spmem:s2] =	stream.indirect.scatter.add.f32 [tilespmem:s23], [sflag:$0x3], $0x80, s30, s22, $0xb8;
	[tilespmem:$0x1E800] =	vst v63  }
0x84: {  	_ =	swait.ge [sflag:s20], $0x4000  }
0x85: {  	[sflag:s20] =	ssyncset.done $0x0  }
0x86: {  	s30 =	sadd.s32 $0x280, s29;
	[sflag:s20] =	ssyncadd.s32 $0xFFFFC000  }
0x87: {  	[tilespmem:s23], [sflag:$0x2] =	stream.indirect.gather [hbm4b:s1+s22], $0x80, s30, s22, $0xb8;
	[tilespmem:$0x1E800] =	vst v63  }
0x88: {  	_ =	swait.ge [sflag:s24], $0x4000  }
0x89: {  	[sflag:s24] =	ssyncset.done $0x0  }
0x8a: {  	s30 =	sadd.s32 $0x1600, s29;
	[sflag:s24] =	ssyncadd.s32 $0xFFFFC000  }
0x8b: {  	[spmem:s2] =	stream.indirect.scatter.add.f32 [tilespmem:s19], [sflag:$0x3], $0x80, s30, s22, $0xb8;
	[tilespmem:$0x1E800] =	vst v63  }
0x8c: {  	_ =	swait.ge [sflag:s20], $0x4000  }
0x8d: {  	[sflag:s20] =	ssyncset.done $0x0  }
0x8e: {  	s30 =	sadd.s32 $0x300, s29;
	[sflag:s20] =	ssyncadd.s32 $0xFFFFC000  }
0x8f: {  	[tilespmem:s19], [sflag:$0x1] =	stream.indirect.gather [hbm4b:s1+s22], $0x80, s30, s22, $0xb8;
	[tilespmem:$0x1E800] =	vst v63  }
0x90: {  	_ =	swait.ge [sflag:s25], $0x4000  }
0x91: {  	[sflag:s25] =	ssyncset.done $0x0  }
0x92: {  	s30 =	sadd.s32 $0x1680, s29;
	[sflag:s25] =	ssyncadd.s32 $0xFFFFC000  }
0x93: {  	[spmem:s2] =	stream.indirect.scatter.add.f32 [tilespmem:s23], [sflag:$0x3], $0x80, s30, s22, $0xb8;
	[tilespmem:$0x1E800] =	vst v63  }
0x94: {  	_ =	swait.ge [sflag:s20], $0x4000  }
0x95: {  	[sflag:s20] =	ssyncset.done $0x0  }
0x96: {  	s30 =	sadd.s32 $0x380, s29;
	[sflag:s20] =	ssyncadd.s32 $0xFFFFC000  }
0x97: {  	[tilespmem:s23], [sflag:$0x2] =	stream.indirect.gather [hbm4b:s1+s22], $0x80, s30, s22, $0xb8;
	[tilespmem:$0x1E800] =	vst v63  }
0x98: {  	_ =	swait.ge [sflag:s24], $0x4000  }
0x99: {  	p1 =	seq.s32 s28, $0x4000;
	[sflag:s24] =	ssyncset.done $0x0  }
.Ltmp5:
0x9a: {  	s30 =	sadd.s32 $0x1700, s29;
	[sflag:s24] =	ssyncadd.s32 $0xFFFFC000;
	(pc) =	sbr.rel @p1 .LBB2_7-.Ltmp5, $4  }
0x9b: {  	[spmem:s2] =	stream.indirect.scatter.add.f32 [tilespmem:s19], [sflag:$0x3], $0x80, s30, s22, $0xb8;
	[tilespmem:$0x1E800] =	vst v63  }
0x9c: {  	_ =	swait.ge [sflag:s20], $0x4000  }
0x9d: {  	[sflag:s20] =	ssyncset.done $0x0  }
0x9e: {  	s30 =	sadd.s32 $0x1780, s29;
	[sflag:s20] =	ssyncadd.s32 $0xFFFFC000  }
0x9f: {  	s31 =	sadd.s32 $0x400, s29  }
0xa0: {  	[tilespmem:s19], [sflag:$0x1] =	stream.indirect.gather [hbm4b:s1+s22], $0x80, s31, s22, $0xb8;
	[tilespmem:$0x1E800] =	vst v63  }
0xa1: {  	_ =	swait.ge [sflag:s25], $0x4000  }
0xa2: {  	[sflag:s25] =	ssyncset.done $0x0  }
0xa3: {  	[sflag:s25] =	ssyncadd.s32 $0xFFFFC000  }
0xa4: {  	[spmem:s2] =	stream.indirect.scatter.add.f32 [tilespmem:s23], [sflag:$0x3], $0x80, s30, s22, $0xb8;
	[tilespmem:$0x1E800] =	vst v63  }
.Ltmp6:
0xa5: {  	_ = 	snop;
	(pc) =	sbr.rel .LBB2_5-.Ltmp6, $4  }
0xa6: {  	_ =	swait.ge [sflag:s20], $0x4000  }
0xa7: {  	[sflag:s20] =	ssyncset.done $0x0  }
0xa8: {  	s28 =	sadd.s32 $0x1000, s28;
	s31 =	sadd.s32 $0x480, s29;
	[sflag:s20] =	ssyncadd.s32 $0xFFFFC000  }
0xa9: {  	[tilespmem:s23], [sflag:$0x2] =	stream.indirect.gather [hbm4b:s1+s22], $0x80, s31, s22, $0xb8;
	[tilespmem:$0x1E800] =	vst v63  }
.LBB2_9:
0xaa: {  	_ =	sfence.sel $0x180000  }
0xab: {  	[bflag:$0x0] =	sbarrier.arrive $0xFFFF  }
0xac: {  	p0 =	sne.s32 s3, $0x0;
	_ =	strace $0x90000047  }
0xad: {  	s0 =	sadd.s32 @!p0 $0x100000, s0;
	[bflag:$0x2] =	sbarrier.arrive $0xFFFF  }
0xae: {  	[sflag:s0] =	ssyncadd.tile.s32 @!p0 $0x1;
	_ =	shalt  }
.Lfunc_end2:
_tile_overlayer_lowered:
.L_overlay_start_2:
0xaf: {  	(tag) =	ssettag $0x2  }
0xb0: {  	s0 =	rddreg [dreg:$0x0];
	s2 =	stileid.u32  }
0xb1: {  	s1 =	rddreg [dreg:$0x1];
	p0 =	sne.s32 s2, $0x0  }
0xb2: {  	s3 =	rddreg [dreg:$0x2];
	[bflag:$0x3] =	sbarrier.arrive $0xFFFF;
	s2 =	simm.s32 @!p0 $0x1C03  }
0xb3: {  	[timem:s3], [sflag:s2] =	dma.local @!p0 [hbm:s0], s1  }
0xb4: {  	s0 =	simm.s32 @!p0 $0x3  }
0xb5: {  	_ =	swait.ge @!p0 [sflag:s0], s1  }
0xb6: {  	s1 =	ssub.s32 @!p0 $0x0, s1;
	[sflag:s0] =	ssyncset.done @!p0 $0x0  }
0xb7: {  	[sflag:s0] =	ssyncadd.s32 @!p0 s1  }
0xb8: {  	[bflag:$0x3] =	sbarrier.arrive $0xFFFF  }
0xb9: {  	_ =	shalt  }

// kernel: kernel.9.cloned.1.call-start
scs
__scs_entry_jumppad:
0x0: {  	(pc) =	sbr.rel $0x88, $3  }
0x1: {  	(tag) =	ssettag $0x0;
	lr =	simm.s32 $0x1  }
0x2: {  	[smem:$0x3F99] =	sst lr;
	_ =	strace $0xD0000000  }
0x3: {  	_ = 	snop  }
0x4: {  	_ = 	snop  }
0x5: {  	_ = 	snop  }
0x6: {  	_ = 	snop  }
0x7: {  	_ = 	snop  }
__scs_overlays_trampoline_lowered:
0x8: {  	[smem:$0x3FA8] =	sst s0  }
0x9: {  	[smem:$0x3FA9] =	sst s1  }
0xa: {  	[smem:$0x3FAA] =	sst s2  }
0xb: {  	[smem:$0x3FAB] =	sst s3  }
0xc: {  	[smem:$0x3FAC] =	sst s4  }
0xd: {  	[smem:$0x3FAD] =	sst s5  }
0xe: {  	[smem:$0x3FAE] =	sst s6  }
0xf: {  	[smem:$0x3FAF] =	sst s7  }
0x10: {  	[smem:$0x3FB0] =	sst s8  }
0x11: {  	[smem:$0x3FB1] =	sst s9;
	s0 =	simm.s32 @!p0 $0x0  }
0x12: {  	s1 =	sld [smem:$0x3F97];
	s0 =	simm.s32 @p0 $0x1  }
0x13: {  	[smem:$0x3FB2] =	sst s0;
	s0 =	simm.s32 @!p1 $0x0  }
0x14: {  	s2 =	sld [smem:$0x3F96];
	s0 =	simm.s32 @p1 $0x1  }
0x15: {  	[smem:$0x3FB3] =	sst s0;
	s0 =	simm.s32 @!p2 $0x0  }
0x16: {  	s3 =	sld [smem:$0x3FDB];
	s0 =	simm.s32 @p2 $0x1  }
0x17: {  	s4 =	simm.s32 $0x1BF5;
	[smem:$0x3FB5] =	sst s0  }
0x18: {  	s0 =	sld [smem:$0x3F98];
	_ =	swait.ge [sflag:s4], $0x0  }
0x19: {  	s7 =	sld [smem:$0x3F99]  }
0x1a: {  	s8 =	sadd.s32 $0xFFFFE003, lr  }
0x1b: {  	s9 =	sadd.s32 $0xFFFFFEF7, lr;
	s5 =	simm.s32 $0xFFFFFFFF;
	p2 =	slt.u32 s8, $0xFFFFF086  }
0x1c: {  	p1 =	slt.u32 s9, $0xF7A;
	s5 =	simm.s32 @!p2 $0x0  }
0x1d: {  	s5 =	simm.s32 @p1 $0x1;
	p0 =	seq.s32 s7, s2  }
0x1e: {  	s7 =	smul.u32 @!p0 $0xF7A, s2;
	p2 =	seq.s32 @!p0 s5, $0x0  }
0x1f: {  	s9 =	smul.u32 $0xF7A, s1;
	s8 =	simm.s32 @!p0 $0x1BF5;
	p2 =	por !p2, p0  }
0x20: {  	[sflag:s8] =	ssyncset.s32 @!p0 $0xFFFFF086;
	s6 =	sadd.s32 @!p0 s3, s7;
	s7 =	simm.s32 @!p0 $0x108  }
0x21: {  	s3 =	sadd.s32 s3, s9;
	s6 =	sadd.s32 @!p0 $0x88, s6;
	s7 =	simm.s32 @p2 $0x1082  }
0x22: {  	[simem:s7], [sflag:s8] =	dma.local @!p0 [hbm:s6], $0xF7A  }
0x23: {  	s9 =	sor.u32 $0xD0000000, s2;
	s6 =	simm.s32 $0x108;
	_ =	swait.ge @!p0 [sflag:s8], $0x0  }
0x24: {  	s3 =	sadd.s32 $0x88, s3;
	s6 =	simm.s32 @!p1 $0x1082;
	[sflag:s4] =	ssyncset.s32 $0xFFFFF086  }
0x25: {  	[simem:s6], [sflag:s4] =	dma.local [hbm:s3], $0xF7A  }
0x26: {  	[smem:$0x3F99] =	sst s1;
	(tag) =	ssettag s2;
	_ =	strace s9  }
0x27: {  	s1 =	sld [smem:$0x3FA9]  }
0x28: {  	s2 =	sld [smem:$0x3FAA]  }
0x29: {  	s4 =	sld [smem:$0x3FAC]  }
0x2a: {  	p0 =	seq.s32 s5, $0x0;
	s5 =	sld [smem:$0x3FAD]  }
0x2b: {  	s6 =	sld [smem:$0x3FAE]  }
0x2c: {  	s7 =	sld [smem:$0x3FAF]  }
0x2d: {  	s3 =	simm.s32 $0x108;
	s8 =	sld [smem:$0x3FB0]  }
0x2e: {  	s3 =	simm.s32 @!p0 $0x1082;
	s9 =	sld [smem:$0x3FB1]  }
0x2f: {  	lr =	sadd.s32 s0, s3;
	s0 =	sld [smem:$0x3FA8]  }
0x30: {  	s3 =	sld [smem:$0x3FAB]  }
0x31: {  	[smem:$0x3FB4] =	sst s10  }
0x32: {  	s10 =	sld [smem:$0x3FB2];
	_ =	sdelay $0x3  }
0x33: {  	p0 =	seq.s32 s10, $0x1;
	s10 =	sld [smem:$0x3FB4];
	_ =	sdelay $0x3  }
0x34: {  	[smem:$0x3FB4] =	sst s10  }
0x35: {  	s10 =	sld [smem:$0x3FB3];
	_ =	sdelay $0x3  }
0x36: {  	p1 =	seq.s32 s10, $0x1;
	s10 =	sld [smem:$0x3FB4];
	_ =	sdelay $0x3  }
0x37: {  	[smem:$0x3FB4] =	sst s10  }
0x38: {  	s10 =	sld [smem:$0x3FB5]  }
0x39: {  	_ = 	snop;
	(pc) =	sbr.ind lr, $3  }
0x3a: {  	_ = 	snop  }
0x3b: {  	_ = 	snop  }
0x3c: {  	p2 =	seq.s32 s10, $0x1;
	s10 =	sld [smem:$0x3FB4]  }
0x3d: {  	_ =	shalt  }
0x3e: {  	_ =	shalt  }
0x3f: {  	_ =	shalt  }
0x40: {  	_ =	shalt  }
0x41: {  	_ =	shalt  }
0x42: {  	_ =	shalt  }
0x43: {  	_ =	shalt  }
0x44: {  	_ =	shalt  }
0x45: {  	_ =	shalt  }
0x46: {  	_ =	shalt  }
0x47: {  	_ =	shalt  }
0x48: {  	_ =	shalt  }
0x49: {  	_ =	shalt  }
0x4a: {  	_ =	shalt  }
0x4b: {  	_ =	shalt  }
0x4c: {  	_ =	shalt  }
0x4d: {  	_ =	shalt  }
0x4e: {  	_ =	shalt  }
0x4f: {  	_ =	shalt  }
0x50: {  	_ =	shalt  }
0x51: {  	_ =	shalt  }
0x52: {  	_ =	shalt  }
0x53: {  	_ =	shalt  }
0x54: {  	_ =	shalt  }
0x55: {  	_ =	shalt  }
0x56: {  	_ =	shalt  }
0x57: {  	_ =	shalt  }
0x58: {  	_ =	shalt  }
0x59: {  	_ =	shalt  }
0x5a: {  	_ =	shalt  }
0x5b: {  	_ =	shalt  }
0x5c: {  	_ =	shalt  }
0x5d: {  	_ =	shalt  }
0x5e: {  	_ =	shalt  }
0x5f: {  	_ =	shalt  }
0x60: {  	_ =	shalt  }
0x61: {  	_ =	shalt  }
0x62: {  	_ =	shalt  }
0x63: {  	_ =	shalt  }
0x64: {  	_ =	shalt  }
0x65: {  	_ =	shalt  }
0x66: {  	_ =	shalt  }
0x67: {  	_ =	shalt  }
0x68: {  	_ =	shalt  }
0x69: {  	_ =	shalt  }
0x6a: {  	_ =	shalt  }
0x6b: {  	_ =	shalt  }
0x6c: {  	_ =	shalt  }
0x6d: {  	_ =	shalt  }
0x6e: {  	_ =	shalt  }
0x6f: {  	_ =	shalt  }
0x70: {  	_ =	shalt  }
0x71: {  	_ =	shalt  }
0x72: {  	_ =	shalt  }
0x73: {  	_ =	shalt  }
0x74: {  	_ =	shalt  }
0x75: {  	_ =	shalt  }
0x76: {  	_ =	shalt  }
0x77: {  	_ =	shalt  }
0x78: {  	_ =	shalt  }
0x79: {  	_ =	shalt  }
0x7a: {  	_ =	shalt  }
0x7b: {  	_ =	shalt  }
0x7c: {  	_ =	shalt  }
0x7d: {  	_ =	shalt  }
0x7e: {  	_ =	shalt  }
0x7f: {  	_ =	shalt  }
0x80: {  	_ =	shalt  }
0x81: {  	_ =	shalt  }
0x82: {  	_ =	shalt  }
0x83: {  	_ =	shalt  }
0x84: {  	_ =	shalt  }
0x85: {  	_ =	shalt  }
0x86: {  	_ =	shalt  }
0x87: {  	_ =	shalt  }
.Lfunc_end0:
.L_simem_size_0:
called_computation.1_lowered:
.L_overlay_start_0:
0x88: {  	s2 =	sld [smem:$0x3FD9]  }
0x89: {  	s3 =	sld [smem:$0x3FFE];
	_ =	sdelay $0x1  }
0x8a: {  	s1 =	srdreg.scid  }
0x8b: {  	s0 =	sand.u32 $0x1, s1  }
0x8c: {  	s16 =	sshll.u32 s0, $0xA;
	s2 =	sadd.s32 s3, s2  }
0x8d: {  	s2 =	sadd.s32 s2, s16  }
0x8e: {  	[smem:$0x3FC0] =	sst s2  }
0x8f: {  	_ = 	snop  }
0x90: {  	(tm) =	ssettm $0x1  }
0x91: {  	s17 =	sld [smem:$0x3FFB];
	_ =	sdelay $0x3  }
0x92: {  	_ =	strace s17  }
0x93: {  	s2 =	sld [smem:$0x3FFC];
	_ =	sdelay $0x3  }
0x94: {  	_ =	strace s2  }
0x95: {  	s2 =	sld [smem:$0x3FFD];
	_ =	sdelay $0x3  }
0x96: {  	_ =	strace s2  }
0x97: {  	_ =	strace $0x8FFFFFFF  }
0x98: {  	s18 =	sld [smem:$0x3FDB];
	_ =	sdelay $0x1  }
0x99: {  	s19 =	simm.s32 $_scs_section_size  }
0x9a: {  	s4 =	simm.s32 $_size__tile_overlayer_lowered;
	s5 =	simm.s32 $_tile_overlayer_lowered  }
0x9b: {  	s22 =	simm.s32 $0x1BFF;
	s21 =	sshll.u32 s5, $0x1;
	s2 =	sadd.s32 s19, s18  }
0x9c: {  	s6 =	simm.s32 $0x0;
	s20 =	sshll.u32 s4, $0x1;
	s4 =	sadd.s32 s21, s2  }
0x9d: {  	[timem:s6], [sflag:s22] =	dma.local [hbm:s4], s20  }
0x9e: {  	_ =	swait.ge [sflag:s22], s20  }
0x9f: {  	s3 =	ssub.s32 $0x0, s20;
	[sflag:s22] =	ssyncset.done $0x0  }
0xa0: {  	[sflag:s22] =	ssyncadd.s32 s3;
	_ =	sdelay $0x1  }
0xa1: {  	s23 =	simm.s32 $0x1B8B  }
0xa2: {  	_ =	swait.ge [sflag:s23], $0x1  }
0xa3: {  	[sflag:s23] =	ssyncset.done $0x0  }
0xa4: {  	s25 =	simm.s32 $0x1B8E;
	s24 =	sld [smem:$0x3FFE];
	[sflag:s23] =	ssyncadd.s32 $0xFFFFFFFF  }
0xa5: {  	s26 =	simm.s32 $execute0_lowered;
	[smem:$0x3FD2] =	sst s25  }
0xa6: {  	s4 =	sshll.u32 s26, $0x1;
	_ =	strace $0x80000049;
	[dreg:$0x1] =	wrdreg $0xFFFFFFFF  }
0xa7: {  	s28 =	simm.s32 $_size_execute0_lowered;
	s2 =	sadd.s32 s2, s4;
	[dreg:$0x0] =	wrdreg $0x0  }
0xa8: {  	s4 =	sshll.u32 s28, $0x1;
	[dreg:$0x2] =	wrdreg s2  }
0xa9: {  	[dreg:$0x3] =	wrdreg s4  }
0xaa: {  	[dreg:$0x4] =	wrdreg $0xC0  }
0xab: {  	_ =	task [dreg:s6], $0x5FFFF  }
0xac: {  	[dreg:$0x1] =	wrdreg $0xFFFFFFFF  }
0xad: {  	[dreg:$0x0] =	wrdreg $0x60  }
0xae: {  	[dreg:$0x2] =	wrdreg s24  }
0xaf: {  	[dreg:$0x3] =	wrdreg $0xA8000  }
0xb0: {  	[dreg:$0x4] =	wrdreg $0x9  }
0xb1: {  	_ =	task.clear_ibuf [dreg:s6], $0x5FFFF;
	_ =	strace $0x90000049  }
0xb2: {  	s29 =	simm.s32 $0x9;
	_ =	strace $0x8000004B  }
0xb3: {  	_ =	swait.ge [sflag:s29], $0x1  }
0xb4: {  	[sflag:s29] =	ssyncadd.s32 $0xFFFFFFFF  }
0xb5: {  	_ =	strace $0x9000004B  }
0xb6: {  	_ =	sfence  }
0xb7: {  	s30 =	sld [smem:$0x0];
	_ =	sdelay $0x2  }
0xb8: {  	s31 =	sshll.u32 s1, $0xD;
	s1 =	sshrl.u32 s1, $0x2  }
0xb9: {  	s3 =	sand.u32 $0x4000, s31;
	s1 =	sadd.s32 s1, s30  }
0xba: {  	s0 =	sor.u32 s3, s0;
	s1 =	sshll.u32 s1, $0x11  }
0xbb: {  	s0 =	sor.u32 s1, s0  }
0xbc: {  	s0 =	sadd.s32 $0x8F2B, s0  }
0xbd: {  	[sflag:s0] =	ssyncadd.remote.s32 $0x1  }
0xbe: {  	_ =	sfence.sel $0xFFFF  }
0xbf: {  	[dreg:$0x0] =	wrdreg $0xFFFFFFFF;
	(pc) =	sbr.abs _section_cstart, $3  }
0xc0: {  	[dreg:$0x1] =	wrdreg $0xFFFFFFFF  }
0xc1: {  	_ =	task.clear_ibuf [dreg:s6], $0x2FFFF;
	_ =	strace $0x9FFFFFFF  }
0xc2: {  	(tm) =	ssettm $0x7FFFFFFF  }
0xc3: {  	_ =	shalt  }
tec
execute0_lowered:
.L_overlay_start_1:
0x0: {  	(tag) =	ssettag $0x1  }
0x1: {  	s7 =	rddreg [dreg:$0x0]  }
0x2: {  	s1 =	rddreg [dreg:$0x1]  }
0x3: {  	s0 =	rddreg [dreg:$0x2];
	s2 =	simm.s32 $0x0;
	s3 =	srdreg.scid  }
0x4: {  	s21 =	simm.s32 $0x1400;
	s22 =	simm.s32 $0x80;
	s23 =	simm.s32 $0x6800  }
0x5: {  	s24 =	simm.s32 $0x1;
	[smem:$0x7FF] =	sst s2;
	s9 =	sand.u32 $0x1, s3  }
0x6: {  	s3 =	stileid.u32;
	s4 =	sadd.s32 $0x15400, s7;
	s8 =	smul.u32 $0x500, s9  }
0x7: {  	s5 =	sadd.s32 $0x1400, s7;
	s6 =	sadd.s32 $0xB400, s7;
	s10 =	smul.u32 $0x50, s3  }
0x8: {  	s17 =	sadd.s32 $0x3C600, s7;
	s11 =	ssub.s32 $0x2, s9;
	s12 =	smul.u32 $0x50000, s3  }
0x9: {  	_ =	strace $0x8000004A;
	s13 =	smul.u32 $0x14000, s3;
	s25 =	sshrl.u32 s11, $0x1  }
0xa: {  	s15 =	smul.u32 $0x140000, s9;
	s18 =	ssub.s32 s11, s25;
	s7 =	sadd.s32 s10, s8  }
0xb: {  	s26 =	sshrl.u32 s12, $0x2;
	s28 =	sadd.s32 $0x4000, s13;
	s16 =	sadd.s32 $0x8000, s13  }
0xc: {  	s19 =	sadd.s32 $0xC000, s13;
	s14 =	sadd.s32 s13, s15;
	s20 =	sadd.s32 $0x10000, s13  }
0xd: {  	s25 =	simm.s32 $0x2;
	s8 =	sadd.s32 s26, s1;
	s9 =	sadd.s32 s28, s1  }
0xe: {  	s10 =	sadd.s32 s16, s1;
	s11 =	sadd.s32 s19, s1;
	s29 =	sshrl.u32 s14, $0x3  }
0xf: {  	s30 =	sadd.s32 s15, s28;
	s12 =	sadd.s32 s20, s1;
	s16 =	sadd.s32 s15, s16  }
.Ltmp0:
0x10: {  	s19 =	sadd.s32 s15, s19;
	s20 =	sadd.s32 s15, s20;
	(pc) =	sbr.rel .LBB2_1-.Ltmp0, $4  }
0x11: {  	s18 =	smax.u32 s18, $0x1;
	s13 =	sadd.s32 s17, s29;
	s14 =	sshrl.u32 s30, $0x3  }
0x12: {  	s16 =	sshrl.u32 s16, $0x3;
	s19 =	sshrl.u32 s19, $0x3;
	s31 =	sshrl.u32 s20, $0x3  }
0x13: {  	s20 =	simm.s32 $0x3;
	s14 =	sadd.s32 s17, s14;
	s15 =	sadd.s32 s17, s16  }
0x14: {  	v0 =	vimm.f32 $0.0e+00;
	s16 =	sadd.s32 s17, s19;
	s17 =	sadd.s32 s17, s31;
	s19 =	simm.s32 $0x2800  }
.LBB2_8:
0x15: {  	s26 =	sshll.u32 s3, $0x6  }
0x16: {  	[bflag:$0x0] =	sbarrier.arrive $0xFFFF;
	s28 =	sshrl.u32 s8, $0x3;
	s26 =	sor.u32 $0x1C03, s26  }
0x17: {  	[hbm:s13], [sflag:s26] =	dma.local [spmem:s28], $0x800  }
0x18: {  	_ =	swait.ge [sflag:s20], $0x800  }
0x19: {  	[sflag:s20] =	ssyncset.done $0x0  }
0x1a: {  	s31 =	sshrl.u32 s9, $0x3;
	[sflag:s20] =	ssyncadd.s32 $0xFFFFF800  }
0x1b: {  	[hbm:s14], [sflag:s26] =	dma.local [spmem:s31], $0x800  }
0x1c: {  	_ =	swait.ge [sflag:s20], $0x800  }
0x1d: {  	[sflag:s20] =	ssyncset.done $0x0  }
0x1e: {  	s29 =	sshrl.u32 s10, $0x3;
	[sflag:s20] =	ssyncadd.s32 $0xFFFFF800  }
0x1f: {  	[hbm:s15], [sflag:s26] =	dma.local [spmem:s29], $0x800  }
0x20: {  	_ =	swait.ge [sflag:s20], $0x800  }
0x21: {  	[sflag:s20] =	ssyncset.done $0x0  }
0x22: {  	s30 =	sshrl.u32 s11, $0x3;
	[sflag:s20] =	ssyncadd.s32 $0xFFFFF800  }
0x23: {  	[hbm:s16], [sflag:s26] =	dma.local [spmem:s30], $0x800  }
0x24: {  	s2 =	sadd.s32 $0x1, s2;
	_ =	swait.ge [sflag:s20], $0x800  }
0x25: {  	p0 =	sne.s32 s2, s18;
	[sflag:s20] =	ssyncset.done $0x0  }
.Ltmp1:
0x26: {  	s31 =	sshrl.u32 s12, $0x3;
	[sflag:s20] =	ssyncadd.s32 $0xFFFFF800;
	(pc) =	sbr.rel @!p0 .LBB2_9-.Ltmp1, $4  }
0x27: {  	[hbm:s17], [sflag:s26] =	dma.local [spmem:s31], $0x800  }
0x28: {  	_ =	swait.ge [sflag:s20], $0x800  }
0x29: {  	[sflag:s20] =	ssyncset.done $0x0  }
0x2a: {  	[sflag:s20] =	ssyncadd.s32 $0xFFFFF800  }
.LBB2_1:
0x2b: {  	s26 =	simm.s32 $0x0;
	s28 =	simm.s32 $0x200  }
.LBB2_2:
0x2c: {  	p0 =	sne.s32 s28, $0xFE00;
	[tilespmem:s26+$0x2870] =	vst v0  }
0x2d: {  	[tilespmem:s26+$0x2800] =	vst v0  }
0x2e: {  	[tilespmem:s26+$0x2810] =	vst v0  }
.Ltmp2:
0x2f: {  	[tilespmem:s26+$0x2820] =	vst v0;
	(pc) =	sbr.rel @p0 .LBB2_2-.Ltmp2, $4  }
0x30: {  	[tilespmem:s26+$0x2830] =	vst v0  }
0x31: {  	[tilespmem:s26+$0x2840] =	vst v0  }
0x32: {  	[tilespmem:s26+$0x2850] =	vst v0  }
0x33: {  	[tilespmem:s26+$0x2860] =	vst v0;
	s26 =	sshra.s32 s28, $0x2;
	s28 =	sadd.s32 $0x200, s28  }
0x34: {  	[tilespmem:s26+$0x2870] =	vst v0  }
0x35: {  	[tilespmem:s26+$0x2800] =	vst v0  }
0x36: {  	[tilespmem:s26+$0x2810] =	vst v0  }
0x37: {  	[tilespmem:s26+$0x2820] =	vst v0  }
0x38: {  	[tilespmem:s26+$0x2830] =	vst v0  }
0x39: {  	[tilespmem:s26+$0x2840] =	vst v0  }
0x3a: {  	[tilespmem:s26+$0x2850] =	vst v0  }
0x3b: {  	[tilespmem:s26+$0x2860] =	vst v0  }
0x3c: {  	[spmem:s8] =	stream.linear.scatter [tilespmem:s19], [sflag:$0x3], $0x4000, $0x38;
	[tilespmem:$0x1E800] =	vst v63  }
0x3d: {  	_ =	swait.ge [sflag:s20], $0x4000  }
0x3e: {  	[sflag:s20] =	ssyncset.done $0x0  }
0x3f: {  	[sflag:s20] =	ssyncadd.s32 $0xFFFFC000  }
0x40: {  	[spmem:s9] =	stream.linear.scatter [tilespmem:s19], [sflag:$0x3], $0x4000, $0x38;
	[tilespmem:$0x1E800] =	vst v63  }
0x41: {  	_ =	swait.ge [sflag:s20], $0x4000  }
0x42: {  	[sflag:s20] =	ssyncset.done $0x0  }
0x43: {  	[sflag:s20] =	ssyncadd.s32 $0xFFFFC000  }
0x44: {  	[spmem:s10] =	stream.linear.scatter [tilespmem:s19], [sflag:$0x3], $0x4000, $0x38;
	[tilespmem:$0x1E800] =	vst v63  }
0x45: {  	_ =	swait.ge [sflag:s20], $0x4000  }
0x46: {  	[sflag:s20] =	ssyncset.done $0x0  }
0x47: {  	[sflag:s20] =	ssyncadd.s32 $0xFFFFC000  }
0x48: {  	[spmem:s11] =	stream.linear.scatter [tilespmem:s19], [sflag:$0x3], $0x4000, $0x38;
	[tilespmem:$0x1E800] =	vst v63  }
0x49: {  	_ =	swait.ge [sflag:s20], $0x4000  }
0x4a: {  	[sflag:s20] =	ssyncset.done $0x0  }
0x4b: {  	[sflag:s20] =	ssyncadd.s32 $0xFFFFC000  }
0x4c: {  	[spmem:s12] =	stream.linear.scatter [tilespmem:s19], [sflag:$0x3], $0x4000, $0x38;
	[tilespmem:$0x1E800] =	vst v63  }
.Ltmp3:
0x4d: {  	_ =	swait.ge [sflag:s20], $0x4000;
	(pc) =	sbr.rel .LBB2_4-.Ltmp3, $4  }
0x4e: {  	[sflag:s20] =	ssyncset.done $0x0  }
0x4f: {  	[sflag:s20] =	ssyncadd.s32 $0xFFFFC000  }
0x50: {  	[bflag:$0x0] =	sbarrier.arrive $0xFFFF  }
0x51: {  	s26 =	simm.s32 $0x0;
	p1 =	por $0x1, $0x1;
	s28 =	simm.s32 $0x0  }
.LBB2_7:
0x52: {  	_ =	swait.ge [sflag:s25], $0x4000  }
0x53: {  	[sflag:s25] =	ssyncset.done $0x0  }
.Ltmp4:
0x54: {  	[sflag:s25] =	ssyncadd.s32 $0xFFFFC000;
	(pc) =	sbr.rel @!p0 .LBB2_8-.Ltmp4, $4  }
0x55: {  	[spmem:s1] =	stream.indirect.scatter.add.f32 [tilespmem:s23], [sflag:$0x3], $0x80, s30, s22, $0xb8;
	[tilespmem:$0x1E800] =	vst v63  }
0x56: {  	_ =	swait.ge [sflag:s20], $0x4000  }
0x57: {  	[sflag:s20] =	ssyncset.done $0x0  }
0x58: {  	s28 =	simm.s32 $0x28;
	p1 =	por $0x0, $0x0;
	[sflag:s20] =	ssyncadd.s32 $0xFFFFC000  }
.LBB2_4:
0x59: {  	s28 =	sadd.s32 s28, s7  }
0x5a: {  	s28 =	sshll.u32 s28, $0x4  }
0x5b: {  	s29 =	sadd.s32 s5, s28  }
0x5c: {  	[tilespmem:s26], [sflag:$0x3] =	stream.linear.gather [hbm4b:s29+s26], $0x1400, $0x38;
	[tilespmem:$0x1E800] =	vst v63  }
0x5d: {  	_ =	swait.ge [sflag:s20], $0x1400  }
0x5e: {  	[sflag:s20] =	ssyncset.done $0x0  }
0x5f: {  	s28 =	sadd.s32 s6, s28;
	[sflag:s20] =	ssyncadd.s32 $0xFFFFEC00  }
0x60: {  	[tilespmem:s21], [sflag:$0x3] =	stream.linear.gather [hbm4b:s28+s26], $0x1400, $0x38;
	[tilespmem:$0x1E800] =	vst v63  }
0x61: {  	_ =	swait.ge [sflag:s20], $0x1400  }
0x62: {  	[sflag:s20] =	ssyncset.done $0x0  }
0x63: {  	[sflag:s20] =	ssyncadd.s32 $0xFFFFEC00  }
0x64: {  	[tilespmem:s19], [sflag:$0x1] =	stream.indirect.gather [hbm4b:s4+s22], $0x80, s26, s22, $0xb8;
	[tilespmem:$0x1E800] =	vst v63  }
0x65: {  	p0 =	por p1, p1;
	s28 =	simm.s32 $0x0  }
0x66: {  	[tilespmem:s23], [sflag:$0x2] =	stream.indirect.gather [hbm4b:s4+s22], $0x80, s22, s22, $0xb8;
	[tilespmem:$0x1E800] =	vst v63  }
.LBB2_5:
0x67: {  	_ =	swait.ge [sflag:s24], $0x4000  }
0x68: {  	s29 =	sshra.s32 s28, $0x2;
	[sflag:s24] =	ssyncset.done $0x0  }
0x69: {  	s30 =	sadd.s32 $0x1400, s29;
	[sflag:s24] =	ssyncadd.s32 $0xFFFFC000  }
0x6a: {  	[spmem:s1] =	stream.indirect.scatter.add.f32 [tilespmem:s19], [sflag:$0x3], $0x80, s30, s22, $0xb8;
	[tilespmem:$0x1E800] =	vst v63  }
0x6b: {  	_ =	swait.ge [sflag:s20], $0x4000  }
0x6c: {  	[sflag:s20] =	ssyncset.done $0x0  }
0x6d: {  	s30 =	sadd.s32 $0x100, s29;
	[sflag:s20] =	ssyncadd.s32 $0xFFFFC000  }
0x6e: {  	[tilespmem:s19], [sflag:$0x1] =	stream.indirect.gather [hbm4b:s4+s22], $0x80, s30, s22, $0xb8;
	[tilespmem:$0x1E800] =	vst v63  }
0x6f: {  	_ =	swait.ge [sflag:s25], $0x4000  }
0x70: {  	[sflag:s25] =	ssyncset.done $0x0  }
0x71: {  	s30 =	sadd.s32 $0x1480, s29;
	[sflag:s25] =	ssyncadd.s32 $0xFFFFC000  }
0x72: {  	[spmem:s1] =	stream.indirect.scatter.add.f32 [tilespmem:s23], [sflag:$0x3], $0x80, s30, s22, $0xb8;
	[tilespmem:$0x1E800] =	vst v63  }
0x73: {  	_ =	swait.ge [sflag:s20], $0x4000  }
0x74: {  	[sflag:s20] =	ssyncset.done $0x0  }
0x75: {  	s30 =	sadd.s32 $0x180, s29;
	[sflag:s20] =	ssyncadd.s32 $0xFFFFC000  }
0x76: {  	[tilespmem:s23], [sflag:$0x2] =	stream.indirect.gather [hbm4b:s4+s22], $0x80, s30, s22, $0xb8;
	[tilespmem:$0x1E800] =	vst v63  }
0x77: {  	_ =	swait.ge [sflag:s24], $0x4000  }
0x78: {  	[sflag:s24] =	ssyncset.done $0x0  }
0x79: {  	s30 =	sadd.s32 $0x1500, s29;
	[sflag:s24] =	ssyncadd.s32 $0xFFFFC000  }
0x7a: {  	[spmem:s1] =	stream.indirect.scatter.add.f32 [tilespmem:s19], [sflag:$0x3], $0x80, s30, s22, $0xb8;
	[tilespmem:$0x1E800] =	vst v63  }
0x7b: {  	_ =	swait.ge [sflag:s20], $0x4000  }
0x7c: {  	[sflag:s20] =	ssyncset.done $0x0  }
0x7d: {  	s30 =	sadd.s32 $0x200, s29;
	[sflag:s20] =	ssyncadd.s32 $0xFFFFC000  }
0x7e: {  	[tilespmem:s19], [sflag:$0x1] =	stream.indirect.gather [hbm4b:s4+s22], $0x80, s30, s22, $0xb8;
	[tilespmem:$0x1E800] =	vst v63  }
0x7f: {  	_ =	swait.ge [sflag:s25], $0x4000  }
0x80: {  	[sflag:s25] =	ssyncset.done $0x0  }
0x81: {  	s30 =	sadd.s32 $0x1580, s29;
	[sflag:s25] =	ssyncadd.s32 $0xFFFFC000  }
0x82: {  	[spmem:s1] =	stream.indirect.scatter.add.f32 [tilespmem:s23], [sflag:$0x3], $0x80, s30, s22, $0xb8;
	[tilespmem:$0x1E800] =	vst v63  }
0x83: {  	_ =	swait.ge [sflag:s20], $0x4000  }
0x84: {  	[sflag:s20] =	ssyncset.done $0x0  }
0x85: {  	s30 =	sadd.s32 $0x280, s29;
	[sflag:s20] =	ssyncadd.s32 $0xFFFFC000  }
0x86: {  	[tilespmem:s23], [sflag:$0x2] =	stream.indirect.gather [hbm4b:s4+s22], $0x80, s30, s22, $0xb8;
	[tilespmem:$0x1E800] =	vst v63  }
0x87: {  	_ =	swait.ge [sflag:s24], $0x4000  }
0x88: {  	[sflag:s24] =	ssyncset.done $0x0  }
0x89: {  	s30 =	sadd.s32 $0x1600, s29;
	[sflag:s24] =	ssyncadd.s32 $0xFFFFC000  }
0x8a: {  	[spmem:s1] =	stream.indirect.scatter.add.f32 [tilespmem:s19], [sflag:$0x3], $0x80, s30, s22, $0xb8;
	[tilespmem:$0x1E800] =	vst v63  }
0x8b: {  	_ =	swait.ge [sflag:s20], $0x4000  }
0x8c: {  	[sflag:s20] =	ssyncset.done $0x0  }
0x8d: {  	s30 =	sadd.s32 $0x300, s29;
	[sflag:s20] =	ssyncadd.s32 $0xFFFFC000  }
0x8e: {  	[tilespmem:s19], [sflag:$0x1] =	stream.indirect.gather [hbm4b:s4+s22], $0x80, s30, s22, $0xb8;
	[tilespmem:$0x1E800] =	vst v63  }
0x8f: {  	_ =	swait.ge [sflag:s25], $0x4000  }
0x90: {  	[sflag:s25] =	ssyncset.done $0x0  }
0x91: {  	s30 =	sadd.s32 $0x1680, s29;
	[sflag:s25] =	ssyncadd.s32 $0xFFFFC000  }
0x92: {  	[spmem:s1] =	stream.indirect.scatter.add.f32 [tilespmem:s23], [sflag:$0x3], $0x80, s30, s22, $0xb8;
	[tilespmem:$0x1E800] =	vst v63  }
0x93: {  	_ =	swait.ge [sflag:s20], $0x4000  }
0x94: {  	[sflag:s20] =	ssyncset.done $0x0  }
0x95: {  	s30 =	sadd.s32 $0x380, s29;
	[sflag:s20] =	ssyncadd.s32 $0xFFFFC000  }
0x96: {  	[tilespmem:s23], [sflag:$0x2] =	stream.indirect.gather [hbm4b:s4+s22], $0x80, s30, s22, $0xb8;
	[tilespmem:$0x1E800] =	vst v63  }
0x97: {  	_ =	swait.ge [sflag:s24], $0x4000  }
0x98: {  	p1 =	seq.s32 s28, $0x4000;
	[sflag:s24] =	ssyncset.done $0x0  }
.Ltmp5:
0x99: {  	s30 =	sadd.s32 $0x1700, s29;
	[sflag:s24] =	ssyncadd.s32 $0xFFFFC000;
	(pc) =	sbr.rel @p1 .LBB2_7-.Ltmp5, $4  }
0x9a: {  	[spmem:s1] =	stream.indirect.scatter.add.f32 [tilespmem:s19], [sflag:$0x3], $0x80, s30, s22, $0xb8;
	[tilespmem:$0x1E800] =	vst v63  }
0x9b: {  	_ =	swait.ge [sflag:s20], $0x4000  }
0x9c: {  	[sflag:s20] =	ssyncset.done $0x0  }
0x9d: {  	s30 =	sadd.s32 $0x1780, s29;
	[sflag:s20] =	ssyncadd.s32 $0xFFFFC000  }
0x9e: {  	s31 =	sadd.s32 $0x400, s29  }
0x9f: {  	[tilespmem:s19], [sflag:$0x1] =	stream.indirect.gather [hbm4b:s4+s22], $0x80, s31, s22, $0xb8;
	[tilespmem:$0x1E800] =	vst v63  }
0xa0: {  	_ =	swait.ge [sflag:s25], $0x4000  }
0xa1: {  	[sflag:s25] =	ssyncset.done $0x0  }
0xa2: {  	[sflag:s25] =	ssyncadd.s32 $0xFFFFC000  }
0xa3: {  	[spmem:s1] =	stream.indirect.scatter.add.f32 [tilespmem:s23], [sflag:$0x3], $0x80, s30, s22, $0xb8;
	[tilespmem:$0x1E800] =	vst v63  }
.Ltmp6:
0xa4: {  	_ = 	snop;
	(pc) =	sbr.rel .LBB2_5-.Ltmp6, $4  }
0xa5: {  	_ =	swait.ge [sflag:s20], $0x4000  }
0xa6: {  	[sflag:s20] =	ssyncset.done $0x0  }
0xa7: {  	s28 =	sadd.s32 $0x1000, s28;
	s31 =	sadd.s32 $0x480, s29;
	[sflag:s20] =	ssyncadd.s32 $0xFFFFC000  }
0xa8: {  	[tilespmem:s23], [sflag:$0x2] =	stream.indirect.gather [hbm4b:s4+s22], $0x80, s31, s22, $0xb8;
	[tilespmem:$0x1E800] =	vst v63  }
.LBB2_9:
0xa9: {  	_ =	sfence.sel $0x180000  }
0xaa: {  	[bflag:$0x0] =	sbarrier.arrive $0xFFFF  }
0xab: {  	p0 =	sne.s32 s3, $0x0;
	_ =	strace $0x9000004A  }
0xac: {  	s0 =	sadd.s32 @!p0 $0x100000, s0;
	[bflag:$0x2] =	sbarrier.arrive $0xFFFF  }
0xad: {  	[sflag:s0] =	ssyncadd.tile.s32 @!p0 $0x1;
	_ =	shalt  }
.Lfunc_end2:
_tile_overlayer_lowered:
.L_overlay_start_2:
0xae: {  	(tag) =	ssettag $0x2  }
0xaf: {  	s0 =	rddreg [dreg:$0x0];
	s2 =	stileid.u32  }
0xb0: {  	s1 =	rddreg [dreg:$0x1];
	p0 =	sne.s32 s2, $0x0  }
0xb1: {  	s3 =	rddreg [dreg:$0x2];
	[bflag:$0x3] =	sbarrier.arrive $0xFFFF;
	s2 =	simm.s32 @!p0 $0x1C03  }
0xb2: {  	[timem:s3], [sflag:s2] =	dma.local @!p0 [hbm:s0], s1  }
0xb3: {  	s0 =	simm.s32 @!p0 $0x3  }
0xb4: {  	_ =	swait.ge @!p0 [sflag:s0], s1  }
0xb5: {  	s1 =	ssub.s32 @!p0 $0x0, s1;
	[sflag:s0] =	ssyncset.done @!p0 $0x0  }
0xb6: {  	[sflag:s0] =	ssyncadd.s32 @!p0 s1  }
0xb7: {  	[bflag:$0x3] =	sbarrier.arrive $0xFFFF  }
0xb8: {  	_ =	shalt  }

</sc_bundles>
